<compile_context>
chip_gen: v7x
topology: tpu7x:2x2x1
jax: 0.10.2.dev20260603
libtpu: 0.0.44.dev20260713+nightly
codegen_flags: <defaults>
</compile_context>

<pallas_src>
import jax
import jax.numpy as jnp
import numpy as np
from jax import lax
from jax.experimental import pallas as pl
from jax.experimental.pallas import tpu as pltpu
from jax.experimental.pallas import tpu_sc as plsc

_B, _C, _KLEN = 2, 8, 131072
_K0, _K1 = 512, 512
_J = 6
_L = 1024
_CTR = (_J * _L) // 2
_NTAP = _J * _J
_K1P = _K1 + (_J - 1)
_ROW = 2 * _C
_TABP = 6160

_NW = 32
_SPW = (_B * _KLEN) // _NW
_T = 64
_NCHUNK = _SPW // _T
_NG = _T // 16

_SCALE = _K0 / (2.0 * np.pi)


def _sc_body(xt, om, prh, pih, t0r, t0i, t1r, t1i, out,
             t0r_v, t0i_v, t1r_v, t1i_v, om_v, pr_v, pi_v,
             idx_v, rows_v, out_v, sems):
    wid = lax.axis_index("s") * 2 + lax.axis_index("c")
    base0 = wid * _SPW
    b = base0 // _KLEN
    kloc0 = base0 - b * _KLEN
    boff = b * (_K0 * _K1P)

    pltpu.sync_copy(t0r, t0r_v)
    pltpu.sync_copy(t0i, t0i_v)
    pltpu.sync_copy(t1r, t1r_v)
    pltpu.sync_copy(t1i, t1i_v)

    iota = lax.iota(jnp.int32, 16)
    cols = [jnp.full((16,), cc, jnp.int32) for cc in range(_ROW)]

    def _tm_koff(omb, g):
        om0 = omb[0, pl.ds(g * 16, 16)]
        om1 = omb[1, pl.ds(g * 16, 16)]
        tm0 = om0 * _SCALE
        tm1 = om1 * _SCALE
        k0 = (tm0 + (512.0 - _J / 2.0)).astype(jnp.int32) - 511
        k1 = (tm1 + (512.0 - _J / 2.0)).astype(jnp.int32) - 511
        return tm0, tm1, k0, k1

    def stage(ci, buf):
        omb, idxb, rowsb = om_v.at[buf], idx_v.at[buf], rows_v.at[buf]
        kloc = kloc0 + ci * _T
        pltpu.sync_copy(om.at[b, :, pl.ds(kloc, _T)], omb)

        def idx_group(g, _):
            _, _, k0, k1 = _tm_koff(omb, g)
            i1s = lax.rem(k1 + _K1, _K1)

            def j0_body(j0, _):
                i0 = lax.rem(k0 + (j0 + _K0), _K0)
                rowb = boff + i0 * _K1P + i1s

                jb = j0 * _J
                for j1 in range(_J):
                    idxb[pl.ds((jb + j1) * _T + g * 16, 16)] = rowb + j1
                return 0
            lax.fori_loop(0, _J, j0_body, 0)
            return 0
        lax.fori_loop(0, _NG, idx_group, 0)
        return pltpu.async_copy(xt.at[idxb], rowsb, sems.at[buf])

    def consume(ci, buf):
        omb, rowsb = om_v.at[buf], rows_v.at[buf]
        gbase = base0 + ci * _T
        pltpu.sync_copy(prh.at[pl.ds(gbase, _T)], pr_v)
        pltpu.sync_copy(pih.at[pl.ds(gbase, _T)], pi_v)

        def acc_group(g, _):
            tm0, tm1, k0, k1 = _tm_koff(omb, g)
            k0f = k0.astype(jnp.float32)
            k1f = k1.astype(jnp.float32)

            d0b = ((tm0 - k0f) * _L + (_CTR + 0.5)).astype(jnp.int32)
            d1b = ((tm1 - k1f) * _L + (_CTR + 0.5)).astype(jnp.int32)

            def tap(j, accs):
                j0 = j // _J
                j1 = j - j0 * _J
                d0 = d0b - j0 * _L
                d1 = d1b - j1 * _L
                a0r = plsc.load_gather(t0r_v, [d0])
                a0i = plsc.load_gather(t0i_v, [d0])
                a1r = plsc.load_gather(t1r_v, [d1])
                a1i = plsc.load_gather(t1i_v, [d1])
                cr = a0r * a1r - a0i * a1i
                ci_ = a0r * a1i + a0i * a1r
                rview = rowsb.at[pl.ds(j * _T + g * 16, 16)]
                new = []
                for c in range(_C):
                    gr = plsc.load_gather(rview, [iota, cols[2 * c]])
                    gi = plsc.load_gather(rview, [iota, cols[2 * c + 1]])
                    ar, ai = accs[2 * c], accs[2 * c + 1]
                    new.append(ar + cr * gr - ci_ * gi)
                    new.append(ai + cr * gi + ci_ * gr)
                return tuple(new)

            zero = jnp.zeros((16,), jnp.float32)
            accs = lax.fori_loop(0, _NTAP, tap, (zero,) * (2 * _C))

            pr = pr_v[pl.ds(g * 16, 16)]
            pi_ = pi_v[pl.ds(g * 16, 16)]
            rowi = iota + g * 16
            for c in range(_C):
                kr, ki = accs[2 * c], accs[2 * c + 1]
                plsc.store_scatter(out_v, [rowi, cols[2 * c]],
                                   kr * pr - ki * pi_)
                plsc.store_scatter(out_v, [rowi, cols[2 * c + 1]],
                                   kr * pi_ + ki * pr)
            return 0
        lax.fori_loop(0, _NG, acc_group, 0)

        pltpu.sync_copy(out_v, out.at[pl.ds(gbase, _T)])

    def wait(buf):
        pltpu.make_async_copy(
            xt.at[idx_v.at[buf]], rows_v.at[buf], sems.at[buf]).wait()

    stage(0, 0)

    def pair_body(ip, _):
        ci0 = 2 * ip
        stage(ci0 + 1, 1)
        wait(0)
        consume(ci0, 0)

        @pl.when(ip + 1 < _NCHUNK // 2)
        def _():
            stage(ci0 + 2, 0)
        wait(1)
        consume(ci0 + 1, 1)
        return 0
    lax.fori_loop(0, _NCHUNK // 2, pair_body, 0)


@jax.jit
def _sc_interp(xt, om, prh, pih, t0r, t0i, t1r, t1i):
    mesh = plsc.VectorSubcoreMesh(core_axis_name="c", subcore_axis_name="s")
    return pl.kernel(
        _sc_body,
        mesh=mesh,
        compiler_params=pltpu.CompilerParams(
            needs_layout_passes=False, use_tc_tiling_on_sc=False),
        out_type=jax.ShapeDtypeStruct((_B * _KLEN, _ROW), jnp.float32),
        scratch_types=[
            pltpu.VMEM((_TABP,), jnp.float32),
            pltpu.VMEM((_TABP,), jnp.float32),
            pltpu.VMEM((_TABP,), jnp.float32),
            pltpu.VMEM((_TABP,), jnp.float32),
            pltpu.VMEM((2, 2, _T), jnp.float32),
            pltpu.VMEM((_T,), jnp.float32),
            pltpu.VMEM((_T,), jnp.float32),
            pltpu.VMEM((2, _NTAP * _T), jnp.int32),
            pltpu.VMEM((2, _NTAP * _T, _ROW), jnp.float32),
            pltpu.VMEM((_T, _ROW), jnp.float32),
            pltpu.SemaphoreType.DMA((2,)),
        ],
    )(xt, om, prh, pih, t0r, t0i, t1r, t1i)


def kernel(x, om, table0, table1):
    nb, nc = x.shape[0], x.shape[1]
    klen = om.shape[2]
    xt = x.transpose(0, 3, 4, 1, 2).reshape(nb, _K0, _K1, _ROW)
    xt = jnp.concatenate([xt, xt[:, :, : _J - 1, :]], axis=2)
    xt = xt.reshape(nb * _K0 * _K1P, _ROW)
    ph = om[:, 0, :] * 128.0 + om[:, 1, :] * 128.0
    prh = jnp.cos(ph).reshape(-1)
    pih = jnp.sin(ph).reshape(-1)
    pad = jnp.zeros((_TABP - table0.shape[1],), jnp.float32)
    t0r = jnp.concatenate([table0[0], pad])
    t0i = jnp.concatenate([table0[1], pad])
    t1r = jnp.concatenate([table1[0], pad])
    t1i = jnp.concatenate([table1[1], pad])
    yt = _sc_interp(xt, om, prh, pih, t0r, t0i, t1r, t1i)
    return yt.reshape(nb, klen, nc, 2).transpose(0, 2, 3, 1)

# --- scband reference (transcript-rebuilt; emitter-appended) ---
"""Pipeline reference for scband-kb-interp-forw-171798692248 (READ-ONLY COPY).

The authoritative reference and input builder live on the scoring server;
editing this copy changes nothing except your own understanding.
"""

import jax, jax.numpy as jnp
import numpy as np

IM_SIZE = (256, 256)
GRID_SIZE = (512, 512)
NUMPOINTS = (6, 6)
TABLE_OVERSAMP = (1024, 1024)
N_SHIFT = (128.0, 128.0)
ALPHA = (2.34 * 6, 2.34 * 6)
B, C, KLEN = 2, 8, 131072


def _build_table_1d(J, L, K, N, alpha):
    # Table entry m corresponds to signed distance d = (m - J*L/2)/L in [-J/2, J/2].
    # Value = order-0 Kaiser-Bessel kernel * Fessler min-max phase exp(1j*gam*(N-1)/2*d).
    m = np.arange(J * L + 1, dtype=np.float64)
    d = (m - (J * L) / 2.0) / L
    f2 = 1.0 - (2.0 * d / J) ** 2
    kern = np.where(np.abs(d) < J / 2.0,
                    np.i0(alpha * np.sqrt(np.maximum(f2, 0.0))) / np.i0(alpha),
                    0.0)
    gam = 2.0 * np.pi / K
    phase = np.exp(1j * gam * (N - 1) / 2.0 * d)
    h = kern * phase
    h[-1] = 0.0
    return np.stack([h.real, h.imag]).astype(np.float32)  # [2, J*L+1]


def setup_inputs(seed: int = 0):
    key = jax.random.key(seed)
    k1, k2 = jax.random.split(key)
    x = jax.random.normal(k1, (B, C, 2, GRID_SIZE[0], GRID_SIZE[1]), dtype=jnp.float32)
    om = jax.random.uniform(k2, (B, 2, KLEN), dtype=jnp.float32,
                            minval=-np.pi, maxval=np.pi)
    table0 = jnp.asarray(_build_table_1d(NUMPOINTS[0], TABLE_OVERSAMP[0], GRID_SIZE[0], IM_SIZE[0], ALPHA[0]))
    table1 = jnp.asarray(_build_table_1d(NUMPOINTS[1], TABLE_OVERSAMP[1], GRID_SIZE[1], IM_SIZE[1], ALPHA[1]))
    return {"x": x, "om": om, "table0": table0, "table1": table1}


def reference(x, om, table0, table1):
    K0, K1 = GRID_SIZE
    J0, J1 = NUMPOINTS
    L0, L1 = TABLE_OVERSAMP
    nb, nc = x.shape[0], x.shape[1]
    klen = om.shape[2]
    griddat = x.reshape(nb, nc, 2, K0 * K1)
    # tm = om / gam, gam = 2*pi/grid_size
    tm0 = om[:, 0, :] * (K0 / (2.0 * np.pi))
    tm1 = om[:, 1, :] * (K1 / (2.0 * np.pi))
    # offset from k-space location to first neighbor coefficient
    koff0 = 1.0 + jnp.floor(tm0 - J0 / 2.0)
    koff1 = 1.0 + jnp.floor(tm1 - J1 / 2.0)
    c0 = (J0 * L0) // 2
    c1 = (J1 * L1) // 2
    kr = jnp.zeros((nb, nc, klen), dtype=x.dtype)
    ki = jnp.zeros_like(kr)
    for j0 in range(J0):
        g0 = koff0 + j0
        d0 = jax.lax.stop_gradient(jnp.round((tm0 - g0) * L0).astype(jnp.int32) + c0)
        i0 = jax.lax.stop_gradient(jnp.mod(g0, K0).astype(jnp.int32))
        a0r = table0[0][d0]
        a0i = table0[1][d0]
        for j1 in range(J1):
            g1 = koff1 + j1
            d1 = jax.lax.stop_gradient(jnp.round((tm1 - g1) * L1).astype(jnp.int32) + c1)
            i1 = jax.lax.stop_gradient(jnp.mod(g1, K1).astype(jnp.int32))
            a1r = table1[0][d1]
            a1i = table1[1][d1]
            # complex multiply of per-dim coefficients
            cr = a0r * a1r - a0i * a1i
            ci = a0r * a1i + a0i * a1r
            arr = i0 * K1 + i1  # flat grid index, [B, klen]
            idx = jnp.broadcast_to(arr[:, None, None, :], (nb, nc, 2, klen))
            g = jnp.take_along_axis(griddat, idx, axis=3)
            gr = g[:, :, 0, :]
            gi = g[:, :, 1, :]
            kr = kr + cr[:, None, :] * gr - ci[:, None, :] * gi
            ki = ki + cr[:, None, :] * gi + ci[:, None, :] * gr
    # fftshift phase: exp(1j * om^T @ n_shift)
    ph = om[:, 0, :] * N_SHIFT[0] + om[:, 1, :] * N_SHIFT[1]
    pr = jnp.cos(ph)[:, None, :]
    pi_ = jnp.sin(ph)[:, None, :]
    yr = kr * pr - ki * pi_
    yi = kr * pi_ + ki * pr
    return jnp.stack([yr, yi], axis=2)  # [B, C, 2, klen]

if __name__ == "__main__":
    import jax
    _d = setup_inputs()
    print(jax.jit(kernel)(*tuple(_d.values())))

</pallas_src>

<mosaic_0001>
#map = affine_map<(d0, d1) -> (0, 0)>
#map1 = affine_map<(d0, d1) -> (0, 0, 0)>
#map2 = affine_map<(d0, d1) -> (0)>
module attributes {stable_mosaic.version = 14 : i64} {
  func.func @_sc_body(%arg0: i32, %arg1: i32, %arg2: memref<529408x16xf32, #tpu.memory_space<hbm>>, %arg3: memref<2x2x131072xf32, #tpu.memory_space<hbm>>, %arg4: memref<262144xf32, #tpu.memory_space<hbm>>, %arg5: memref<262144xf32, #tpu.memory_space<hbm>>, %arg6: memref<6160xf32, #tpu.memory_space<hbm>>, %arg7: memref<6160xf32, #tpu.memory_space<hbm>>, %arg8: memref<6160xf32, #tpu.memory_space<hbm>>, %arg9: memref<6160xf32, #tpu.memory_space<hbm>>, %arg10: memref<262144x16xf32, #tpu.memory_space<hbm>>, %arg11: memref<6160xf32, #tpu.memory_space<vmem>>, %arg12: memref<6160xf32, #tpu.memory_space<vmem>>, %arg13: memref<6160xf32, #tpu.memory_space<vmem>>, %arg14: memref<6160xf32, #tpu.memory_space<vmem>>, %arg15: memref<2x2x64xf32, #tpu.memory_space<vmem>>, %arg16: memref<64xf32, #tpu.memory_space<vmem>>, %arg17: memref<64xf32, #tpu.memory_space<vmem>>, %arg18: memref<2x2304xi32, #tpu.memory_space<vmem>>, %arg19: memref<2x2304x16xf32, #tpu.memory_space<vmem>>, %arg20: memref<64x16xf32, #tpu.memory_space<vmem>>, %arg21: memref<2x!tpu.dma_semaphore, #tpu.memory_space<semaphore_mem>>) attributes {dimension_semantics = [#tpu.dimension_semantics<core_parallel>, #tpu.dimension_semantics<subcore_parallel>], iteration_bounds = array<i64: 2, 16>, scalar_prefetch = 0 : i64, scratch_operands = 11 : i64, tpu.core_type = #tpu.core_type<sc_vector_subcore>, window_params = [{transform_indices = #map}, {transform_indices = #map1}, {transform_indices = #map2}, {transform_indices = #map2}, {transform_indices = #map2}, {transform_indices = #map2}, {transform_indices = #map2}, {transform_indices = #map2}, {transform_indices = #map}]} {
    %mul3A = arith.constant 2 : i32
    %mul3A_0 = arith.muli %arg1, %mul3A : i32
    %add3A = arith.addi %mul3A_0, %arg0 : i32
    %mul3A_1 = arith.constant 8192 : i32
    %mul3A_2 = arith.muli %add3A, %mul3A_1 : i32
    %jit3A = arith.constant 131072 : i32
    %div3A = arith.divsi %mul3A_2, %jit3A : i32
    %sign3A = arith.constant 0 : i32
    %sign3A_3 = arith.cmpi sgt, %mul3A_2, %sign3A : i32
    %sign3A_4 = arith.extui %sign3A_3 : i1 to i32
    %sign3A_5 = arith.constant 0 : i32
    %sign3A_6 = arith.cmpi slt, %mul3A_2, %sign3A_5 : i32
    %sign3A_7 = arith.extui %sign3A_6 : i1 to i32
    %sign3A_8 = arith.subi %sign3A_4, %sign3A_7 : i32
    %sign3A_9 = arith.constant 0 : i32
    %sign3A_10 = arith.cmpi sgt, %jit3A, %sign3A_9 : i32
    %sign3A_11 = arith.extui %sign3A_10 : i1 to i32
    %sign3A_12 = arith.constant 0 : i32
    %sign3A_13 = arith.cmpi slt, %jit3A, %sign3A_12 : i32
    %sign3A_14 = arith.extui %sign3A_13 : i1 to i32
    %sign3A_15 = arith.subi %sign3A_11, %sign3A_14 : i32
    %ne3A = arith.cmpi ne, %sign3A_8, %sign3A_15 : i32
    %rem3A = arith.remsi %mul3A_2, %jit3A : i32
    %ne3A_16 = arith.constant 0 : i32
    %ne3A_17 = arith.cmpi ne, %rem3A, %ne3A_16 : i32
    %and3A = arith.andi %ne3A, %ne3A_17 : i1
    %sub3A = arith.constant 1 : i32
    %sub3A_18 = arith.subi %div3A, %sub3A : i32
    %select_n3A = arith.select %and3A, %sub3A_18, %div3A : i32
    %mul3A_19 = arith.constant 131072 : i32
    %mul3A_20 = arith.muli %select_n3A, %mul3A_19 : i32
    %sub3A_21 = arith.subi %mul3A_2, %mul3A_20 : i32
    %mul3A_22 = arith.constant 264704 : i32
    %mul3A_23 = arith.muli %select_n3A, %mul3A_22 : i32
    "tpu.region"() ({
      %run_scoped3A_86 = tpu.sem_alloc : memref<!tpu.dma_semaphore, #tpu.memory_space<semaphore_mem>>
      tpu.enqueue_dma source(%arg6 : memref<6160xf32, #tpu.memory_space<hbm>>) target(%arg11 : memref<6160xf32, #tpu.memory_space<vmem>>) target_semaphore(%run_scoped3A_86 : memref<!tpu.dma_semaphore, #tpu.memory_space<semaphore_mem>>)
      tpu.wait_dma2 semaphore(%run_scoped3A_86 : memref<!tpu.dma_semaphore, #tpu.memory_space<semaphore_mem>>) src(%arg6 : memref<6160xf32, #tpu.memory_space<hbm>>) dst(%arg11 : memref<6160xf32, #tpu.memory_space<vmem>>)
      tpu.yield
    }) : () -> ()
    "tpu.region"() ({
      %run_scoped3A_86 = tpu.sem_alloc : memref<!tpu.dma_semaphore, #tpu.memory_space<semaphore_mem>>
      tpu.enqueue_dma source(%arg7 : memref<6160xf32, #tpu.memory_space<hbm>>) target(%arg12 : memref<6160xf32, #tpu.memory_space<vmem>>) target_semaphore(%run_scoped3A_86 : memref<!tpu.dma_semaphore, #tpu.memory_space<semaphore_mem>>)
      tpu.wait_dma2 semaphore(%run_scoped3A_86 : memref<!tpu.dma_semaphore, #tpu.memory_space<semaphore_mem>>) src(%arg7 : memref<6160xf32, #tpu.memory_space<hbm>>) dst(%arg12 : memref<6160xf32, #tpu.memory_space<vmem>>)
      tpu.yield
    }) : () -> ()
    "tpu.region"() ({
      %run_scoped3A_86 = tpu.sem_alloc : memref<!tpu.dma_semaphore, #tpu.memory_space<semaphore_mem>>
      tpu.enqueue_dma source(%arg8 : memref<6160xf32, #tpu.memory_space<hbm>>) target(%arg13 : memref<6160xf32, #tpu.memory_space<vmem>>) target_semaphore(%run_scoped3A_86 : memref<!tpu.dma_semaphore, #tpu.memory_space<semaphore_mem>>)
      tpu.wait_dma2 semaphore(%run_scoped3A_86 : memref<!tpu.dma_semaphore, #tpu.memory_space<semaphore_mem>>) src(%arg8 : memref<6160xf32, #tpu.memory_space<hbm>>) dst(%arg13 : memref<6160xf32, #tpu.memory_space<vmem>>)
      tpu.yield
    }) : () -> ()
    "tpu.region"() ({
      %run_scoped3A_86 = tpu.sem_alloc : memref<!tpu.dma_semaphore, #tpu.memory_space<semaphore_mem>>
      tpu.enqueue_dma source(%arg9 : memref<6160xf32, #tpu.memory_space<hbm>>) target(%arg14 : memref<6160xf32, #tpu.memory_space<vmem>>) target_semaphore(%run_scoped3A_86 : memref<!tpu.dma_semaphore, #tpu.memory_space<semaphore_mem>>)
      tpu.wait_dma2 semaphore(%run_scoped3A_86 : memref<!tpu.dma_semaphore, #tpu.memory_space<semaphore_mem>>) src(%arg9 : memref<6160xf32, #tpu.memory_space<hbm>>) dst(%arg14 : memref<6160xf32, #tpu.memory_space<vmem>>)
      tpu.yield
    }) : () -> ()
    %iota3A = tpu.iota {dimensions = array<i32: 0>} : vector<16xi32>
    %broadcast_in_dim3A = arith.constant 0 : i32
    %broadcast_in_dim3A_24 = vector.broadcast %broadcast_in_dim3A : i32 to vector<16xi32>
    %broadcast_in_dim3A_25 = arith.constant 1 : i32
    %broadcast_in_dim3A_26 = vector.broadcast %broadcast_in_dim3A_25 : i32 to vector<16xi32>
    %broadcast_in_dim3A_27 = arith.constant 2 : i32
    %broadcast_in_dim3A_28 = vector.broadcast %broadcast_in_dim3A_27 : i32 to vector<16xi32>
    %broadcast_in_dim3A_29 = arith.constant 3 : i32
    %broadcast_in_dim3A_30 = vector.broadcast %broadcast_in_dim3A_29 : i32 to vector<16xi32>
    %broadcast_in_dim3A_31 = arith.constant 4 : i32
    %broadcast_in_dim3A_32 = vector.broadcast %broadcast_in_dim3A_31 : i32 to vector<16xi32>
    %broadcast_in_dim3A_33 = arith.constant 5 : i32
    %broadcast_in_dim3A_34 = vector.broadcast %broadcast_in_dim3A_33 : i32 to vector<16xi32>
    %broadcast_in_dim3A_35 = arith.constant 6 : i32
    %broadcast_in_dim3A_36 = vector.broadcast %broadcast_in_dim3A_35 : i32 to vector<16xi32>
    %broadcast_in_dim3A_37 = arith.constant 7 : i32
    %broadcast_in_dim3A_38 = vector.broadcast %broadcast_in_dim3A_37 : i32 to vector<16xi32>
    %broadcast_in_dim3A_39 = arith.constant 8 : i32
    %broadcast_in_dim3A_40 = vector.broadcast %broadcast_in_dim3A_39 : i32 to vector<16xi32>
    %broadcast_in_dim3A_41 = arith.constant 9 : i32
    %broadcast_in_dim3A_42 = vector.broadcast %broadcast_in_dim3A_41 : i32 to vector<16xi32>
    %broadcast_in_dim3A_43 = arith.constant 10 : i32
    %broadcast_in_dim3A_44 = vector.broadcast %broadcast_in_dim3A_43 : i32 to vector<16xi32>
    %broadcast_in_dim3A_45 = arith.constant 11 : i32
    %broadcast_in_dim3A_46 = vector.broadcast %broadcast_in_dim3A_45 : i32 to vector<16xi32>
    %broadcast_in_dim3A_47 = arith.constant 12 : i32
    %broadcast_in_dim3A_48 = vector.broadcast %broadcast_in_dim3A_47 : i32 to vector<16xi32>
    %broadcast_in_dim3A_49 = arith.constant 13 : i32
    %broadcast_in_dim3A_50 = vector.broadcast %broadcast_in_dim3A_49 : i32 to vector<16xi32>
    %broadcast_in_dim3A_51 = arith.constant 14 : i32
    %broadcast_in_dim3A_52 = vector.broadcast %broadcast_in_dim3A_51 : i32 to vector<16xi32>
    %broadcast_in_dim3A_53 = arith.constant 15 : i32
    %broadcast_in_dim3A_54 = vector.broadcast %broadcast_in_dim3A_53 : i32 to vector<16xi32>
    %add3A_55 = arith.constant 0 : i32
    %add3A_56 = arith.addi %sub3A_21, %add3A_55 : i32
    %run_scoped3A = arith.constant 0 : i32
    "tpu.region"() ({
      %run_scoped3A_86 = tpu.sem_alloc : memref<!tpu.dma_semaphore, #tpu.memory_space<semaphore_mem>>
      %dma_start3A_87 = arith.constant 0 : i32
      %dma_start3A_88 = arith.constant 0 : i32
      %dma_start3A_89 = tpu.memref_slice %arg15[%run_scoped3A, %dma_start3A_87, %dma_start3A_88] : memref<2x2x64xf32, #tpu.memory_space<vmem>> -> memref<1x2x64xf32, #tpu.memory_space<vmem>>
      %dma_start3A_90 = tpu.memref_squeeze %dma_start3A_89 : memref<1x2x64xf32, #tpu.memory_space<vmem>> -> memref<2x64xf32, #tpu.memory_space<vmem>>
      %dma_start3A_91 = arith.constant 0 : i32
      %dma_start3A_92 = tpu.memref_slice %arg3[%select_n3A, %dma_start3A_91, %add3A_56] : memref<2x2x131072xf32, #tpu.memory_space<hbm>> -> memref<1x2x64xf32, #tpu.memory_space<hbm>>
      %dma_start3A_93 = tpu.memref_squeeze %dma_start3A_92 : memref<1x2x64xf32, #tpu.memory_space<hbm>> -> memref<2x64xf32, #tpu.memory_space<hbm>>
      %dma_start3A_94 = arith.constant 0 : i32
      %dma_start3A_95 = arith.constant 0 : i32
      %dma_start3A_96 = tpu.memref_slice %arg15[%run_scoped3A, %dma_start3A_94, %dma_start3A_95] : memref<2x2x64xf32, #tpu.memory_space<vmem>> -> memref<1x2x64xf32, #tpu.memory_space<vmem>>
      %dma_start3A_97 = tpu.memref_squeeze %dma_start3A_96 : memref<1x2x64xf32, #tpu.memory_space<vmem>> -> memref<2x64xf32, #tpu.memory_space<vmem>>
      %dma_start3A_98 = arith.constant 0 : i32
      %dma_start3A_99 = tpu.memref_slice %arg3[%select_n3A, %dma_start3A_98, %add3A_56] : memref<2x2x131072xf32, #tpu.memory_space<hbm>> -> memref<1x2x64xf32, #tpu.memory_space<hbm>>
      %dma_start3A_100 = tpu.memref_squeeze %dma_start3A_99 : memref<1x2x64xf32, #tpu.memory_space<hbm>> -> memref<2x64xf32, #tpu.memory_space<hbm>>
      tpu.enqueue_dma source(%dma_start3A_100 : memref<2x64xf32, #tpu.memory_space<hbm>>) target(%dma_start3A_97 : memref<2x64xf32, #tpu.memory_space<vmem>>) target_semaphore(%run_scoped3A_86 : memref<!tpu.dma_semaphore, #tpu.memory_space<semaphore_mem>>)
      %dma_wait3A = arith.constant 0 : i32
      %dma_wait3A_101 = arith.constant 0 : i32
      %dma_wait3A_102 = tpu.memref_slice %arg15[%run_scoped3A, %dma_wait3A, %dma_wait3A_101] : memref<2x2x64xf32, #tpu.memory_space<vmem>> -> memref<1x2x64xf32, #tpu.memory_space<vmem>>
      %dma_wait3A_103 = tpu.memref_squeeze %dma_wait3A_102 : memref<1x2x64xf32, #tpu.memory_space<vmem>> -> memref<2x64xf32, #tpu.memory_space<vmem>>
      %dma_wait3A_104 = arith.constant 0 : i32
      %dma_wait3A_105 = tpu.memref_slice %arg3[%select_n3A, %dma_wait3A_104, %add3A_56] : memref<2x2x131072xf32, #tpu.memory_space<hbm>> -> memref<1x2x64xf32, #tpu.memory_space<hbm>>
      %dma_wait3A_106 = tpu.memref_squeeze %dma_wait3A_105 : memref<1x2x64xf32, #tpu.memory_space<hbm>> -> memref<2x64xf32, #tpu.memory_space<hbm>>
      %dma_wait3A_107 = arith.constant 0 : i32
      %dma_wait3A_108 = arith.constant 0 : i32
      %dma_wait3A_109 = tpu.memref_slice %arg15[%run_scoped3A, %dma_wait3A_107, %dma_wait3A_108] : memref<2x2x64xf32, #tpu.memory_space<vmem>> -> memref<1x2x64xf32, #tpu.memory_space<vmem>>
      %dma_wait3A_110 = tpu.memref_squeeze %dma_wait3A_109 : memref<1x2x64xf32, #tpu.memory_space<vmem>> -> memref<2x64xf32, #tpu.memory_space<vmem>>
      %dma_wait3A_111 = arith.constant 0 : i32
      %dma_wait3A_112 = tpu.memref_slice %arg3[%select_n3A, %dma_wait3A_111, %add3A_56] : memref<2x2x131072xf32, #tpu.memory_space<hbm>> -> memref<1x2x64xf32, #tpu.memory_space<hbm>>
      %dma_wait3A_113 = tpu.memref_squeeze %dma_wait3A_112 : memref<1x2x64xf32, #tpu.memory_space<hbm>> -> memref<2x64xf32, #tpu.memory_space<hbm>>
      tpu.wait_dma2 semaphore(%run_scoped3A_86 : memref<!tpu.dma_semaphore, #tpu.memory_space<semaphore_mem>>) src(%dma_wait3A_113 : memref<2x64xf32, #tpu.memory_space<hbm>>) dst(%dma_wait3A_110 : memref<2x64xf32, #tpu.memory_space<vmem>>)
      tpu.yield
    }) : () -> ()
    %scan3A = arith.constant 0 : i32
    %scan3A_57 = arith.constant 0 : i32
    %scan3A_58 = arith.constant 0 : i32
    %scan3A_59 = arith.constant 0 : i32
    %scan3A_60 = arith.constant 4 : i32
    %scan3A_61 = arith.addi %scan3A_59, %scan3A_60 : i32
    %scan3A_62 = arith.constant 1 : i32
    %scan3A_63 = scf.for %scan3A_86 = %scan3A_59 to %scan3A_61 step %scan3A_62 iter_args(%scan3A_87 = %scan3A_58) -> (i32)  : i32 {
      %mul3A_88 = arith.constant 16 : i32
      %mul3A_89 = arith.muli %scan3A_86, %mul3A_88 : i32
      %get3A = arith.constant 0 : i32
      %get3A_90 = arith.constant 0 : i32
      %get3A_91 = arith.constant 0 : i32
      %get3A_92 = tpu.memref_slice %arg15[%scan3A, %get3A_90, %get3A_91] : memref<2x2x64xf32, #tpu.memory_space<vmem>> -> memref<1x2x64xf32, #tpu.memory_space<vmem>>
      %get3A_93 = tpu.memref_squeeze %get3A_92 : memref<1x2x64xf32, #tpu.memory_space<vmem>> -> memref<2x64xf32, #tpu.memory_space<vmem>>
      %get3A_94 = arith.index_cast %get3A : i32 to index
      %get3A_95 = arith.index_cast %mul3A_89 : i32 to index
      %get3A_96 = tpu.vector_load %get3A_93[%get3A_94, %get3A_95] {strides = array<i32>} : memref<2x64xf32, #tpu.memory_space<vmem>>, vector<16xf32>,
      %mul3A_97 = arith.constant 16 : i32
      %mul3A_98 = arith.muli %scan3A_86, %mul3A_97 : i32
      %get3A_99 = arith.constant 1 : i32
      %get3A_100 = arith.constant 0 : i32
      %get3A_101 = arith.constant 0 : i32
      %get3A_102 = tpu.memref_slice %arg15[%scan3A, %get3A_100, %get3A_101] : memref<2x2x64xf32, #tpu.memory_space<vmem>> -> memref<1x2x64xf32, #tpu.memory_space<vmem>>
      %get3A_103 = tpu.memref_squeeze %get3A_102 : memref<1x2x64xf32, #tpu.memory_space<vmem>> -> memref<2x64xf32, #tpu.memory_space<vmem>>
      %get3A_104 = arith.index_cast %get3A_99 : i32 to index
      %get3A_105 = arith.index_cast %mul3A_98 : i32 to index
      %get3A_106 = tpu.vector_load %get3A_103[%get3A_104, %get3A_105] {strides = array<i32>} : memref<2x64xf32, #tpu.memory_space<vmem>>, vector<16xf32>,
      %mul3A_107 = arith.constant 81.4873276 : f32
      %mul3A_108 = vector.broadcast %mul3A_107 : f32 to vector<16xf32>
      %mul3A_109 = arith.mulf %get3A_96, %mul3A_108 : vector<16xf32>
      %mul3A_110 = arith.constant 81.4873276 : f32
      %mul3A_111 = vector.broadcast %mul3A_110 : f32 to vector<16xf32>
      %mul3A_112 = arith.mulf %get3A_106, %mul3A_111 : vector<16xf32>
      %add3A_113 = arith.constant 5.090000e+02 : f32
      %add3A_114 = vector.broadcast %add3A_113 : f32 to vector<16xf32>
      %add3A_115 = arith.addf %mul3A_109, %add3A_114 : vector<16xf32>
      %convert_element_type3A = arith.fptosi %add3A_115 : vector<16xf32> to vector<16xi32>
      %sub3A_116 = arith.constant 511 : i32
      %sub3A_117 = vector.broadcast %sub3A_116 : i32 to vector<16xi32>
      %sub3A_118 = arith.subi %convert_element_type3A, %sub3A_117 : vector<16xi32>
      %add3A_119 = arith.constant 5.090000e+02 : f32
      %add3A_120 = vector.broadcast %add3A_119 : f32 to vector<16xf32>
      %add3A_121 = arith.addf %mul3A_112, %add3A_120 : vector<16xf32>
      %convert_element_type3A_122 = arith.fptosi %add3A_121 : vector<16xf32> to vector<16xi32>
      %sub3A_123 = arith.constant 511 : i32
      %sub3A_124 = vector.broadcast %sub3A_123 : i32 to vector<16xi32>
      %sub3A_125 = arith.subi %convert_element_type3A_122, %sub3A_124 : vector<16xi32>
      %add3A_126 = arith.constant 512 : i32
      %add3A_127 = vector.broadcast %add3A_126 : i32 to vector<16xi32>
      %add3A_128 = arith.addi %sub3A_125, %add3A_127 : vector<16xi32>
      %rem3A_129 = arith.constant 512 : i32
      %rem3A_130 = vector.broadcast %rem3A_129 : i32 to vector<16xi32>
      %rem3A_131 = arith.remsi %add3A_128, %rem3A_130 : vector<16xi32>
      %scan3A_132 = arith.constant 0 : i32
      %scan3A_133 = arith.constant 0 : i32
      %scan3A_134 = arith.constant 6 : i32
      %scan3A_135 = arith.addi %scan3A_133, %scan3A_134 : i32
      %scan3A_136 = arith.constant 1 : i32
      %scan3A_137 = scf.for %scan3A_140 = %scan3A_133 to %scan3A_135 step %scan3A_136 iter_args(%scan3A_141 = %scan3A_132) -> (i32)  : i32 {
        %add3A_142 = arith.constant 512 : i32
        %add3A_143 = arith.addi %scan3A_140, %add3A_142 : i32
        %add3A_144 = vector.broadcast %add3A_143 : i32 to vector<16xi32>
        %add3A_145 = arith.addi %sub3A_118, %add3A_144 : vector<16xi32>
        %rem3A_146 = arith.constant 512 : i32
        %rem3A_147 = vector.broadcast %rem3A_146 : i32 to vector<16xi32>
        %rem3A_148 = arith.remsi %add3A_145, %rem3A_147 : vector<16xi32>
        %mul3A_149 = arith.constant 517 : i32
        %mul3A_150 = vector.broadcast %mul3A_149 : i32 to vector<16xi32>
        %mul3A_151 = arith.muli %rem3A_148, %mul3A_150 : vector<16xi32>
        %add3A_152 = vector.broadcast %mul3A_23 : i32 to vector<16xi32>
        %add3A_153 = arith.addi %add3A_152, %mul3A_151 : vector<16xi32>
        %add3A_154 = arith.addi %add3A_153, %rem3A_131 : vector<16xi32>
        %mul3A_155 = arith.constant 6 : i32
        %mul3A_156 = arith.muli %scan3A_140, %mul3A_155 : i32
        %add3A_157 = arith.constant 0 : i32
        %add3A_158 = vector.broadcast %add3A_157 : i32 to vector<16xi32>
        %add3A_159 = arith.addi %add3A_154, %add3A_158 : vector<16xi32>
        %add3A_160 = arith.constant 0 : i32
        %add3A_161 = arith.addi %mul3A_156, %add3A_160 : i32
        %mul3A_162 = arith.constant 64 : i32
        %mul3A_163 = arith.muli %add3A_161, %mul3A_162 : i32
        %mul3A_164 = arith.constant 16 : i32
        %mul3A_165 = arith.muli %scan3A_86, %mul3A_164 : i32
        %add3A_166 = arith.addi %mul3A_163, %mul3A_165 : i32
        %swap3A = arith.constant 0 : i32
        %swap3A_167 = tpu.memref_slice %arg18[%scan3A_57, %swap3A] : memref<2x2304xi32, #tpu.memory_space<vmem>> -> memref<1x2304xi32, #tpu.memory_space<vmem>>
        %swap3A_168 = tpu.memref_squeeze %swap3A_167 : memref<1x2304xi32, #tpu.memory_space<vmem>> -> memref<2304xi32, #tpu.memory_space<vmem>>
        %swap3A_169 = arith.index_cast %add3A_166 : i32 to index
        %swap3A_170 = tpu.vector_load %swap3A_168[%swap3A_169] {strides = array<i32>} : memref<2304xi32, #tpu.memory_space<vmem>>, vector<16xi32>,
        tpu.vector_store %swap3A_168[%swap3A_169], %add3A_159 {strides = array<i32>} : memref<2304xi32, #tpu.memory_space<vmem>>, vector<16xi32>,
        %add3A_171 = arith.constant 1 : i32
        %add3A_172 = vector.broadcast %add3A_171 : i32 to vector<16xi32>
        %add3A_173 = arith.addi %add3A_154, %add3A_172 : vector<16xi32>
        %add3A_174 = arith.constant 1 : i32
        %add3A_175 = arith.addi %mul3A_156, %add3A_174 : i32
        %mul3A_176 = arith.constant 64 : i32
        %mul3A_177 = arith.muli %add3A_175, %mul3A_176 : i32
        %mul3A_178 = arith.constant 16 : i32
        %mul3A_179 = arith.muli %scan3A_86, %mul3A_178 : i32
        %add3A_180 = arith.addi %mul3A_177, %mul3A_179 : i32
        %swap3A_181 = arith.constant 0 : i32
        %swap3A_182 = tpu.memref_slice %arg18[%scan3A_57, %swap3A_181] : memref<2x2304xi32, #tpu.memory_space<vmem>> -> memref<1x2304xi32, #tpu.memory_space<vmem>>
        %swap3A_183 = tpu.memref_squeeze %swap3A_182 : memref<1x2304xi32, #tpu.memory_space<vmem>> -> memref<2304xi32, #tpu.memory_space<vmem>>
        %swap3A_184 = arith.index_cast %add3A_180 : i32 to index
        %swap3A_185 = tpu.vector_load %swap3A_183[%swap3A_184] {strides = array<i32>} : memref<2304xi32, #tpu.memory_space<vmem>>, vector<16xi32>,
        tpu.vector_store %swap3A_183[%swap3A_184], %add3A_173 {strides = array<i32>} : memref<2304xi32, #tpu.memory_space<vmem>>, vector<16xi32>,
        %add3A_186 = arith.constant 2 : i32
        %add3A_187 = vector.broadcast %add3A_186 : i32 to vector<16xi32>
        %add3A_188 = arith.addi %add3A_154, %add3A_187 : vector<16xi32>
        %add3A_189 = arith.constant 2 : i32
        %add3A_190 = arith.addi %mul3A_156, %add3A_189 : i32
        %mul3A_191 = arith.constant 64 : i32
        %mul3A_192 = arith.muli %add3A_190, %mul3A_191 : i32
        %mul3A_193 = arith.constant 16 : i32
        %mul3A_194 = arith.muli %scan3A_86, %mul3A_193 : i32
        %add3A_195 = arith.addi %mul3A_192, %mul3A_194 : i32
        %swap3A_196 = arith.constant 0 : i32
        %swap3A_197 = tpu.memref_slice %arg18[%scan3A_57, %swap3A_196] : memref<2x2304xi32, #tpu.memory_space<vmem>> -> memref<1x2304xi32, #tpu.memory_space<vmem>>
        %swap3A_198 = tpu.memref_squeeze %swap3A_197 : memref<1x2304xi32, #tpu.memory_space<vmem>> -> memref<2304xi32, #tpu.memory_space<vmem>>
        %swap3A_199 = arith.index_cast %add3A_195 : i32 to index
        %swap3A_200 = tpu.vector_load %swap3A_198[%swap3A_199] {strides = array<i32>} : memref<2304xi32, #tpu.memory_space<vmem>>, vector<16xi32>,
        tpu.vector_store %swap3A_198[%swap3A_199], %add3A_188 {strides = array<i32>} : memref<2304xi32, #tpu.memory_space<vmem>>, vector<16xi32>,
        %add3A_201 = arith.constant 3 : i32
        %add3A_202 = vector.broadcast %add3A_201 : i32 to vector<16xi32>
        %add3A_203 = arith.addi %add3A_154, %add3A_202 : vector<16xi32>
        %add3A_204 = arith.constant 3 : i32
        %add3A_205 = arith.addi %mul3A_156, %add3A_204 : i32
        %mul3A_206 = arith.constant 64 : i32
        %mul3A_207 = arith.muli %add3A_205, %mul3A_206 : i32
        %mul3A_208 = arith.constant 16 : i32
        %mul3A_209 = arith.muli %scan3A_86, %mul3A_208 : i32
        %add3A_210 = arith.addi %mul3A_207, %mul3A_209 : i32
        %swap3A_211 = arith.constant 0 : i32
        %swap3A_212 = tpu.memref_slice %arg18[%scan3A_57, %swap3A_211] : memref<2x2304xi32, #tpu.memory_space<vmem>> -> memref<1x2304xi32, #tpu.memory_space<vmem>>
        %swap3A_213 = tpu.memref_squeeze %swap3A_212 : memref<1x2304xi32, #tpu.memory_space<vmem>> -> memref<2304xi32, #tpu.memory_space<vmem>>
        %swap3A_214 = arith.index_cast %add3A_210 : i32 to index
        %swap3A_215 = tpu.vector_load %swap3A_213[%swap3A_214] {strides = array<i32>} : memref<2304xi32, #tpu.memory_space<vmem>>, vector<16xi32>,
        tpu.vector_store %swap3A_213[%swap3A_214], %add3A_203 {strides = array<i32>} : memref<2304xi32, #tpu.memory_space<vmem>>, vector<16xi32>,
        %add3A_216 = arith.constant 4 : i32
        %add3A_217 = vector.broadcast %add3A_216 : i32 to vector<16xi32>
        %add3A_218 = arith.addi %add3A_154, %add3A_217 : vector<16xi32>
        %add3A_219 = arith.constant 4 : i32
        %add3A_220 = arith.addi %mul3A_156, %add3A_219 : i32
        %mul3A_221 = arith.constant 64 : i32
        %mul3A_222 = arith.muli %add3A_220, %mul3A_221 : i32
        %mul3A_223 = arith.constant 16 : i32
        %mul3A_224 = arith.muli %scan3A_86, %mul3A_223 : i32
        %add3A_225 = arith.addi %mul3A_222, %mul3A_224 : i32
        %swap3A_226 = arith.constant 0 : i32
        %swap3A_227 = tpu.memref_slice %arg18[%scan3A_57, %swap3A_226] : memref<2x2304xi32, #tpu.memory_space<vmem>> -> memref<1x2304xi32, #tpu.memory_space<vmem>>
        %swap3A_228 = tpu.memref_squeeze %swap3A_227 : memref<1x2304xi32, #tpu.memory_space<vmem>> -> memref<2304xi32, #tpu.memory_space<vmem>>
        %swap3A_229 = arith.index_cast %add3A_225 : i32 to index
        %swap3A_230 = tpu.vector_load %swap3A_228[%swap3A_229] {strides = array<i32>} : memref<2304xi32, #tpu.memory_space<vmem>>, vector<16xi32>,
        tpu.vector_store %swap3A_228[%swap3A_229], %add3A_218 {strides = array<i32>} : memref<2304xi32, #tpu.memory_space<vmem>>, vector<16xi32>,
        %add3A_231 = arith.constant 5 : i32
        %add3A_232 = vector.broadcast %add3A_231 : i32 to vector<16xi32>
        %add3A_233 = arith.addi %add3A_154, %add3A_232 : vector<16xi32>
        %add3A_234 = arith.constant 5 : i32
        %add3A_235 = arith.addi %mul3A_156, %add3A_234 : i32
        %mul3A_236 = arith.constant 64 : i32
        %mul3A_237 = arith.muli %add3A_235, %mul3A_236 : i32
        %mul3A_238 = arith.constant 16 : i32
        %mul3A_239 = arith.muli %scan3A_86, %mul3A_238 : i32
        %add3A_240 = arith.addi %mul3A_237, %mul3A_239 : i32
        %swap3A_241 = arith.constant 0 : i32
        %swap3A_242 = tpu.memref_slice %arg18[%scan3A_57, %swap3A_241] : memref<2x2304xi32, #tpu.memory_space<vmem>> -> memref<1x2304xi32, #tpu.memory_space<vmem>>
        %swap3A_243 = tpu.memref_squeeze %swap3A_242 : memref<1x2304xi32, #tpu.memory_space<vmem>> -> memref<2304xi32, #tpu.memory_space<vmem>>
        %swap3A_244 = arith.index_cast %add3A_240 : i32 to index
        %swap3A_245 = tpu.vector_load %swap3A_243[%swap3A_244] {strides = array<i32>} : memref<2304xi32, #tpu.memory_space<vmem>>, vector<16xi32>,
        tpu.vector_store %swap3A_243[%swap3A_244], %add3A_233 {strides = array<i32>} : memref<2304xi32, #tpu.memory_space<vmem>>, vector<16xi32>,
        %scan3A_246 = arith.constant 0 : i32
        scf.yield %scan3A_246 : i32
      }
      %scan3A_138 = arith.constant 6 : i32
      %scan3A_139 = arith.constant 0 : i32
      scf.yield %scan3A_139 : i32
    }
    %scan3A_64 = arith.constant 4 : i32
    %dma_start3A = arith.constant 0 : i32
    %dma_start3A_65 = arith.constant 0 : i32
    %dma_start3A_66 = arith.constant 0 : i32
    %dma_start3A_67 = arith.constant 0 : i32
    %dma_start3A_68 = arith.constant 0 : i32
    %dma_start3A_69 = tpu.memref_slice %arg19[%dma_start3A_65, %dma_start3A_67, %dma_start3A_68] : memref<2x2304x16xf32, #tpu.memory_space<vmem>> -> memref<1x2304x16xf32, #tpu.memory_space<vmem>>
    %dma_start3A_70 = tpu.memref_squeeze %dma_start3A_69 : memref<1x2304x16xf32, #tpu.memory_space<vmem>> -> memref<2304x16xf32, #tpu.memory_space<vmem>>
    %dma_start3A_71 = arith.constant 0 : i32
    %dma_start3A_72 = tpu.memref_slice %arg18[%dma_start3A, %dma_start3A_71] : memref<2x2304xi32, #tpu.memory_space<vmem>> -> memref<1x2304xi32, #tpu.memory_space<vmem>>
    %dma_start3A_73 = tpu.memref_squeeze %dma_start3A_72 : memref<1x2304xi32, #tpu.memory_space<vmem>> -> memref<2304xi32, #tpu.memory_space<vmem>>
    %dma_start3A_74 = arith.constant 0 : i32
    %dma_start3A_75 = arith.constant 0 : i32
    %dma_start3A_76 = tpu.memref_slice %arg2[%dma_start3A_74, %dma_start3A_75] : memref<529408x16xf32, #tpu.memory_space<hbm>> -> memref<529408x16xf32, #tpu.memory_space<hbm>>
    %dma_start3A_77 = tpu.memref_slice %arg21[%dma_start3A_66] : memref<2x!tpu.dma_semaphore, #tpu.memory_space<semaphore_mem>> -> memref<1x!tpu.dma_semaphore, #tpu.memory_space<semaphore_mem>>
    %dma_start3A_78 = tpu.memref_squeeze %dma_start3A_77 : memref<1x!tpu.dma_semaphore, #tpu.memory_space<semaphore_mem>> -> memref<!tpu.dma_semaphore, #tpu.memory_space<semaphore_mem>>
    tpu.enqueue_indirect_dma source(%dma_start3A_76 : memref<529408x16xf32, #tpu.memory_space<hbm>>) target(%dma_start3A_70 : memref<2304x16xf32, #tpu.memory_space<vmem>>) offsets(%dma_start3A_73 : memref<2304xi32, #tpu.memory_space<vmem>>) semaphore(%dma_start3A_78 : memref<!tpu.dma_semaphore, #tpu.memory_space<semaphore_mem>>)
    %scan3A_79 = arith.constant 0 : i32
    %scan3A_80 = arith.constant 0 : i32
    %scan3A_81 = arith.constant 64 : i32
    %scan3A_82 = arith.addi %scan3A_80, %scan3A_81 : i32
    %scan3A_83 = arith.constant 1 : i32
    %scan3A_84 = scf.for %scan3A_86 = %scan3A_80 to %scan3A_82 step %scan3A_83 iter_args(%scan3A_87 = %scan3A_79) -> (i32)  : i32 {
      %mul3A_88 = arith.constant 2 : i32
      %mul3A_89 = arith.muli %mul3A_88, %scan3A_86 : i32
      %add3A_90 = arith.constant 1 : i32
      %add3A_91 = arith.addi %mul3A_89, %add3A_90 : i32
      %mul3A_92 = arith.constant 64 : i32
      %mul3A_93 = arith.muli %add3A_91, %mul3A_92 : i32
      %add3A_94 = arith.addi %sub3A_21, %mul3A_93 : i32
      %run_scoped3A_95 = arith.constant 1 : i32
      "tpu.region"() ({
        %run_scoped3A_180 = tpu.sem_alloc : memref<!tpu.dma_semaphore, #tpu.memory_space<semaphore_mem>>
        %dma_start3A_181 = arith.constant 0 : i32
        %dma_start3A_182 = arith.constant 0 : i32
        %dma_start3A_183 = tpu.memref_slice %arg15[%run_scoped3A_95, %dma_start3A_181, %dma_start3A_182] : memref<2x2x64xf32, #tpu.memory_space<vmem>> -> memref<1x2x64xf32, #tpu.memory_space<vmem>>
        %dma_start3A_184 = tpu.memref_squeeze %dma_start3A_183 : memref<1x2x64xf32, #tpu.memory_space<vmem>> -> memref<2x64xf32, #tpu.memory_space<vmem>>
        %dma_start3A_185 = arith.constant 0 : i32
        %dma_start3A_186 = tpu.memref_slice %arg3[%select_n3A, %dma_start3A_185, %add3A_94] : memref<2x2x131072xf32, #tpu.memory_space<hbm>> -> memref<1x2x64xf32, #tpu.memory_space<hbm>>
        %dma_start3A_187 = tpu.memref_squeeze %dma_start3A_186 : memref<1x2x64xf32, #tpu.memory_space<hbm>> -> memref<2x64xf32, #tpu.memory_space<hbm>>
        %dma_start3A_188 = arith.constant 0 : i32
        %dma_start3A_189 = arith.constant 0 : i32
        %dma_start3A_190 = tpu.memref_slice %arg15[%run_scoped3A_95, %dma_start3A_188, %dma_start3A_189] : memref<2x2x64xf32, #tpu.memory_space<vmem>> -> memref<1x2x64xf32, #tpu.memory_space<vmem>>
        %dma_start3A_191 = tpu.memref_squeeze %dma_start3A_190 : memref<1x2x64xf32, #tpu.memory_space<vmem>> -> memref<2x64xf32, #tpu.memory_space<vmem>>
        %dma_start3A_192 = arith.constant 0 : i32
        %dma_start3A_193 = tpu.memref_slice %arg3[%select_n3A, %dma_start3A_192, %add3A_94] : memref<2x2x131072xf32, #tpu.memory_space<hbm>> -> memref<1x2x64xf32, #tpu.memory_space<hbm>>
        %dma_start3A_194 = tpu.memref_squeeze %dma_start3A_193 : memref<1x2x64xf32, #tpu.memory_space<hbm>> -> memref<2x64xf32, #tpu.memory_space<hbm>>
        tpu.enqueue_dma source(%dma_start3A_194 : memref<2x64xf32, #tpu.memory_space<hbm>>) target(%dma_start3A_191 : memref<2x64xf32, #tpu.memory_space<vmem>>) target_semaphore(%run_scoped3A_180 : memref<!tpu.dma_semaphore, #tpu.memory_space<semaphore_mem>>)
        %dma_wait3A_195 = arith.constant 0 : i32
        %dma_wait3A_196 = arith.constant 0 : i32
        %dma_wait3A_197 = tpu.memref_slice %arg15[%run_scoped3A_95, %dma_wait3A_195, %dma_wait3A_196] : memref<2x2x64xf32, #tpu.memory_space<vmem>> -> memref<1x2x64xf32, #tpu.memory_space<vmem>>
        %dma_wait3A_198 = tpu.memref_squeeze %dma_wait3A_197 : memref<1x2x64xf32, #tpu.memory_space<vmem>> -> memref<2x64xf32, #tpu.memory_space<vmem>>
        %dma_wait3A_199 = arith.constant 0 : i32
        %dma_wait3A_200 = tpu.memref_slice %arg3[%select_n3A, %dma_wait3A_199, %add3A_94] : memref<2x2x131072xf32, #tpu.memory_space<hbm>> -> memref<1x2x64xf32, #tpu.memory_space<hbm>>
        %dma_wait3A_201 = tpu.memref_squeeze %dma_wait3A_200 : memref<1x2x64xf32, #tpu.memory_space<hbm>> -> memref<2x64xf32, #tpu.memory_space<hbm>>
        %dma_wait3A_202 = arith.constant 0 : i32
        %dma_wait3A_203 = arith.constant 0 : i32
        %dma_wait3A_204 = tpu.memref_slice %arg15[%run_scoped3A_95, %dma_wait3A_202, %dma_wait3A_203] : memref<2x2x64xf32, #tpu.memory_space<vmem>> -> memref<1x2x64xf32, #tpu.memory_space<vmem>>
        %dma_wait3A_205 = tpu.memref_squeeze %dma_wait3A_204 : memref<1x2x64xf32, #tpu.memory_space<vmem>> -> memref<2x64xf32, #tpu.memory_space<vmem>>
        %dma_wait3A_206 = arith.constant 0 : i32
        %dma_wait3A_207 = tpu.memref_slice %arg3[%select_n3A, %dma_wait3A_206, %add3A_94] : memref<2x2x131072xf32, #tpu.memory_space<hbm>> -> memref<1x2x64xf32, #tpu.memory_space<hbm>>
        %dma_wait3A_208 = tpu.memref_squeeze %dma_wait3A_207 : memref<1x2x64xf32, #tpu.memory_space<hbm>> -> memref<2x64xf32, #tpu.memory_space<hbm>>
        tpu.wait_dma2 semaphore(%run_scoped3A_180 : memref<!tpu.dma_semaphore, #tpu.memory_space<semaphore_mem>>) src(%dma_wait3A_208 : memref<2x64xf32, #tpu.memory_space<hbm>>) dst(%dma_wait3A_205 : memref<2x64xf32, #tpu.memory_space<vmem>>)
        tpu.yield
      }) : () -> ()
      %scan3A_96 = arith.constant 1 : i32
      %scan3A_97 = arith.constant 1 : i32
      %scan3A_98 = arith.constant 0 : i32
      %scan3A_99 = arith.constant 0 : i32
      %scan3A_100 = arith.constant 4 : i32
      %scan3A_101 = arith.addi %scan3A_99, %scan3A_100 : i32
      %scan3A_102 = arith.constant 1 : i32
      %scan3A_103 = scf.for %scan3A_180 = %scan3A_99 to %scan3A_101 step %scan3A_102 iter_args(%scan3A_181 = %scan3A_98) -> (i32)  : i32 {
        %mul3A_182 = arith.constant 16 : i32
        %mul3A_183 = arith.muli %scan3A_180, %mul3A_182 : i32
        %get3A = arith.constant 0 : i32
        %get3A_184 = arith.constant 0 : i32
        %get3A_185 = arith.constant 0 : i32
        %get3A_186 = tpu.memref_slice %arg15[%scan3A_96, %get3A_184, %get3A_185] : memref<2x2x64xf32, #tpu.memory_space<vmem>> -> memref<1x2x64xf32, #tpu.memory_space<vmem>>
        %get3A_187 = tpu.memref_squeeze %get3A_186 : memref<1x2x64xf32, #tpu.memory_space<vmem>> -> memref<2x64xf32, #tpu.memory_space<vmem>>
        %get3A_188 = arith.index_cast %get3A : i32 to index
        %get3A_189 = arith.index_cast %mul3A_183 : i32 to index
        %get3A_190 = tpu.vector_load %get3A_187[%get3A_188, %get3A_189] {strides = array<i32>} : memref<2x64xf32, #tpu.memory_space<vmem>>, vector<16xf32>,
        %mul3A_191 = arith.constant 16 : i32
        %mul3A_192 = arith.muli %scan3A_180, %mul3A_191 : i32
        %get3A_193 = arith.constant 1 : i32
        %get3A_194 = arith.constant 0 : i32
        %get3A_195 = arith.constant 0 : i32
        %get3A_196 = tpu.memref_slice %arg15[%scan3A_96, %get3A_194, %get3A_195] : memref<2x2x64xf32, #tpu.memory_space<vmem>> -> memref<1x2x64xf32, #tpu.memory_space<vmem>>
        %get3A_197 = tpu.memref_squeeze %get3A_196 : memref<1x2x64xf32, #tpu.memory_space<vmem>> -> memref<2x64xf32, #tpu.memory_space<vmem>>
        %get3A_198 = arith.index_cast %get3A_193 : i32 to index
        %get3A_199 = arith.index_cast %mul3A_192 : i32 to index
        %get3A_200 = tpu.vector_load %get3A_197[%get3A_198, %get3A_199] {strides = array<i32>} : memref<2x64xf32, #tpu.memory_space<vmem>>, vector<16xf32>,
        %mul3A_201 = arith.constant 81.4873276 : f32
        %mul3A_202 = vector.broadcast %mul3A_201 : f32 to vector<16xf32>
        %mul3A_203 = arith.mulf %get3A_190, %mul3A_202 : vector<16xf32>
        %mul3A_204 = arith.constant 81.4873276 : f32
        %mul3A_205 = vector.broadcast %mul3A_204 : f32 to vector<16xf32>
        %mul3A_206 = arith.mulf %get3A_200, %mul3A_205 : vector<16xf32>
        %add3A_207 = arith.constant 5.090000e+02 : f32
        %add3A_208 = vector.broadcast %add3A_207 : f32 to vector<16xf32>
        %add3A_209 = arith.addf %mul3A_203, %add3A_208 : vector<16xf32>
        %convert_element_type3A_210 = arith.fptosi %add3A_209 : vector<16xf32> to vector<16xi32>
        %sub3A_211 = arith.constant 511 : i32
        %sub3A_212 = vector.broadcast %sub3A_211 : i32 to vector<16xi32>
        %sub3A_213 = arith.subi %convert_element_type3A_210, %sub3A_212 : vector<16xi32>
        %add3A_214 = arith.constant 5.090000e+02 : f32
        %add3A_215 = vector.broadcast %add3A_214 : f32 to vector<16xf32>
        %add3A_216 = arith.addf %mul3A_206, %add3A_215 : vector<16xf32>
        %convert_element_type3A_217 = arith.fptosi %add3A_216 : vector<16xf32> to vector<16xi32>
        %sub3A_218 = arith.constant 511 : i32
        %sub3A_219 = vector.broadcast %sub3A_218 : i32 to vector<16xi32>
        %sub3A_220 = arith.subi %convert_element_type3A_217, %sub3A_219 : vector<16xi32>
        %add3A_221 = arith.constant 512 : i32
        %add3A_222 = vector.broadcast %add3A_221 : i32 to vector<16xi32>
        %add3A_223 = arith.addi %sub3A_220, %add3A_222 : vector<16xi32>
        %rem3A_224 = arith.constant 512 : i32
        %rem3A_225 = vector.broadcast %rem3A_224 : i32 to vector<16xi32>
        %rem3A_226 = arith.remsi %add3A_223, %rem3A_225 : vector<16xi32>
        %scan3A_227 = arith.constant 0 : i32
        %scan3A_228 = arith.constant 0 : i32
        %scan3A_229 = arith.constant 6 : i32
        %scan3A_230 = arith.addi %scan3A_228, %scan3A_229 : i32
        %scan3A_231 = arith.constant 1 : i32
        %scan3A_232 = scf.for %scan3A_235 = %scan3A_228 to %scan3A_230 step %scan3A_231 iter_args(%scan3A_236 = %scan3A_227) -> (i32)  : i32 {
          %add3A_237 = arith.constant 512 : i32
          %add3A_238 = arith.addi %scan3A_235, %add3A_237 : i32
          %add3A_239 = vector.broadcast %add3A_238 : i32 to vector<16xi32>
          %add3A_240 = arith.addi %sub3A_213, %add3A_239 : vector<16xi32>
          %rem3A_241 = arith.constant 512 : i32
          %rem3A_242 = vector.broadcast %rem3A_241 : i32 to vector<16xi32>
          %rem3A_243 = arith.remsi %add3A_240, %rem3A_242 : vector<16xi32>
          %mul3A_244 = arith.constant 517 : i32
          %mul3A_245 = vector.broadcast %mul3A_244 : i32 to vector<16xi32>
          %mul3A_246 = arith.muli %rem3A_243, %mul3A_245 : vector<16xi32>
          %add3A_247 = vector.broadcast %mul3A_23 : i32 to vector<16xi32>
          %add3A_248 = arith.addi %add3A_247, %mul3A_246 : vector<16xi32>
          %add3A_249 = arith.addi %add3A_248, %rem3A_226 : vector<16xi32>
          %mul3A_250 = arith.constant 6 : i32
          %mul3A_251 = arith.muli %scan3A_235, %mul3A_250 : i32
          %add3A_252 = arith.constant 0 : i32
          %add3A_253 = vector.broadcast %add3A_252 : i32 to vector<16xi32>
          %add3A_254 = arith.addi %add3A_249, %add3A_253 : vector<16xi32>
          %add3A_255 = arith.constant 0 : i32
          %add3A_256 = arith.addi %mul3A_251, %add3A_255 : i32
          %mul3A_257 = arith.constant 64 : i32
          %mul3A_258 = arith.muli %add3A_256, %mul3A_257 : i32
          %mul3A_259 = arith.constant 16 : i32
          %mul3A_260 = arith.muli %scan3A_180, %mul3A_259 : i32
          %add3A_261 = arith.addi %mul3A_258, %mul3A_260 : i32
          %swap3A = arith.constant 0 : i32
          %swap3A_262 = tpu.memref_slice %arg18[%scan3A_97, %swap3A] : memref<2x2304xi32, #tpu.memory_space<vmem>> -> memref<1x2304xi32, #tpu.memory_space<vmem>>
          %swap3A_263 = tpu.memref_squeeze %swap3A_262 : memref<1x2304xi32, #tpu.memory_space<vmem>> -> memref<2304xi32, #tpu.memory_space<vmem>>
          %swap3A_264 = arith.index_cast %add3A_261 : i32 to index
          %swap3A_265 = tpu.vector_load %swap3A_263[%swap3A_264] {strides = array<i32>} : memref<2304xi32, #tpu.memory_space<vmem>>, vector<16xi32>,
          tpu.vector_store %swap3A_263[%swap3A_264], %add3A_254 {strides = array<i32>} : memref<2304xi32, #tpu.memory_space<vmem>>, vector<16xi32>,
          %add3A_266 = arith.constant 1 : i32
          %add3A_267 = vector.broadcast %add3A_266 : i32 to vector<16xi32>
          %add3A_268 = arith.addi %add3A_249, %add3A_267 : vector<16xi32>
          %add3A_269 = arith.constant 1 : i32
          %add3A_270 = arith.addi %mul3A_251, %add3A_269 : i32
          %mul3A_271 = arith.constant 64 : i32
          %mul3A_272 = arith.muli %add3A_270, %mul3A_271 : i32
          %mul3A_273 = arith.constant 16 : i32
          %mul3A_274 = arith.muli %scan3A_180, %mul3A_273 : i32
          %add3A_275 = arith.addi %mul3A_272, %mul3A_274 : i32
          %swap3A_276 = arith.constant 0 : i32
          %swap3A_277 = tpu.memref_slice %arg18[%scan3A_97, %swap3A_276] : memref<2x2304xi32, #tpu.memory_space<vmem>> -> memref<1x2304xi32, #tpu.memory_space<vmem>>
          %swap3A_278 = tpu.memref_squeeze %swap3A_277 : memref<1x2304xi32, #tpu.memory_space<vmem>> -> memref<2304xi32, #tpu.memory_space<vmem>>
          %swap3A_279 = arith.index_cast %add3A_275 : i32 to index
          %swap3A_280 = tpu.vector_load %swap3A_278[%swap3A_279] {strides = array<i32>} : memref<2304xi32, #tpu.memory_space<vmem>>, vector<16xi32>,
          tpu.vector_store %swap3A_278[%swap3A_279], %add3A_268 {strides = array<i32>} : memref<2304xi32, #tpu.memory_space<vmem>>, vector<16xi32>,
          %add3A_281 = arith.constant 2 : i32
          %add3A_282 = vector.broadcast %add3A_281 : i32 to vector<16xi32>
          %add3A_283 = arith.addi %add3A_249, %add3A_282 : vector<16xi32>
          %add3A_284 = arith.constant 2 : i32
          %add3A_285 = arith.addi %mul3A_251, %add3A_284 : i32
          %mul3A_286 = arith.constant 64 : i32
          %mul3A_287 = arith.muli %add3A_285, %mul3A_286 : i32
          %mul3A_288 = arith.constant 16 : i32
          %mul3A_289 = arith.muli %scan3A_180, %mul3A_288 : i32
          %add3A_290 = arith.addi %mul3A_287, %mul3A_289 : i32
          %swap3A_291 = arith.constant 0 : i32
          %swap3A_292 = tpu.memref_slice %arg18[%scan3A_97, %swap3A_291] : memref<2x2304xi32, #tpu.memory_space<vmem>> -> memref<1x2304xi32, #tpu.memory_space<vmem>>
          %swap3A_293 = tpu.memref_squeeze %swap3A_292 : memref<1x2304xi32, #tpu.memory_space<vmem>> -> memref<2304xi32, #tpu.memory_space<vmem>>
          %swap3A_294 = arith.index_cast %add3A_290 : i32 to index
          %swap3A_295 = tpu.vector_load %swap3A_293[%swap3A_294] {strides = array<i32>} : memref<2304xi32, #tpu.memory_space<vmem>>, vector<16xi32>,
          tpu.vector_store %swap3A_293[%swap3A_294], %add3A_283 {strides = array<i32>} : memref<2304xi32, #tpu.memory_space<vmem>>, vector<16xi32>,
          %add3A_296 = arith.constant 3 : i32
          %add3A_297 = vector.broadcast %add3A_296 : i32 to vector<16xi32>
          %add3A_298 = arith.addi %add3A_249, %add3A_297 : vector<16xi32>
          %add3A_299 = arith.constant 3 : i32
          %add3A_300 = arith.addi %mul3A_251, %add3A_299 : i32
          %mul3A_301 = arith.constant 64 : i32
          %mul3A_302 = arith.muli %add3A_300, %mul3A_301 : i32
          %mul3A_303 = arith.constant 16 : i32
          %mul3A_304 = arith.muli %scan3A_180, %mul3A_303 : i32
          %add3A_305 = arith.addi %mul3A_302, %mul3A_304 : i32
          %swap3A_306 = arith.constant 0 : i32
          %swap3A_307 = tpu.memref_slice %arg18[%scan3A_97, %swap3A_306] : memref<2x2304xi32, #tpu.memory_space<vmem>> -> memref<1x2304xi32, #tpu.memory_space<vmem>>
          %swap3A_308 = tpu.memref_squeeze %swap3A_307 : memref<1x2304xi32, #tpu.memory_space<vmem>> -> memref<2304xi32, #tpu.memory_space<vmem>>
          %swap3A_309 = arith.index_cast %add3A_305 : i32 to index
          %swap3A_310 = tpu.vector_load %swap3A_308[%swap3A_309] {strides = array<i32>} : memref<2304xi32, #tpu.memory_space<vmem>>, vector<16xi32>,
          tpu.vector_store %swap3A_308[%swap3A_309], %add3A_298 {strides = array<i32>} : memref<2304xi32, #tpu.memory_space<vmem>>, vector<16xi32>,
          %add3A_311 = arith.constant 4 : i32
          %add3A_312 = vector.broadcast %add3A_311 : i32 to vector<16xi32>
          %add3A_313 = arith.addi %add3A_249, %add3A_312 : vector<16xi32>
          %add3A_314 = arith.constant 4 : i32
          %add3A_315 = arith.addi %mul3A_251, %add3A_314 : i32
          %mul3A_316 = arith.constant 64 : i32
          %mul3A_317 = arith.muli %add3A_315, %mul3A_316 : i32
          %mul3A_318 = arith.constant 16 : i32
          %mul3A_319 = arith.muli %scan3A_180, %mul3A_318 : i32
          %add3A_320 = arith.addi %mul3A_317, %mul3A_319 : i32
          %swap3A_321 = arith.constant 0 : i32
          %swap3A_322 = tpu.memref_slice %arg18[%scan3A_97, %swap3A_321] : memref<2x2304xi32, #tpu.memory_space<vmem>> -> memref<1x2304xi32, #tpu.memory_space<vmem>>
          %swap3A_323 = tpu.memref_squeeze %swap3A_322 : memref<1x2304xi32, #tpu.memory_space<vmem>> -> memref<2304xi32, #tpu.memory_space<vmem>>
          %swap3A_324 = arith.index_cast %add3A_320 : i32 to index
          %swap3A_325 = tpu.vector_load %swap3A_323[%swap3A_324] {strides = array<i32>} : memref<2304xi32, #tpu.memory_space<vmem>>, vector<16xi32>,
          tpu.vector_store %swap3A_323[%swap3A_324], %add3A_313 {strides = array<i32>} : memref<2304xi32, #tpu.memory_space<vmem>>, vector<16xi32>,
          %add3A_326 = arith.constant 5 : i32
          %add3A_327 = vector.broadcast %add3A_326 : i32 to vector<16xi32>
          %add3A_328 = arith.addi %add3A_249, %add3A_327 : vector<16xi32>
          %add3A_329 = arith.constant 5 : i32
          %add3A_330 = arith.addi %mul3A_251, %add3A_329 : i32
          %mul3A_331 = arith.constant 64 : i32
          %mul3A_332 = arith.muli %add3A_330, %mul3A_331 : i32
          %mul3A_333 = arith.constant 16 : i32
          %mul3A_334 = arith.muli %scan3A_180, %mul3A_333 : i32
          %add3A_335 = arith.addi %mul3A_332, %mul3A_334 : i32
          %swap3A_336 = arith.constant 0 : i32
          %swap3A_337 = tpu.memref_slice %arg18[%scan3A_97, %swap3A_336] : memref<2x2304xi32, #tpu.memory_space<vmem>> -> memref<1x2304xi32, #tpu.memory_space<vmem>>
          %swap3A_338 = tpu.memref_squeeze %swap3A_337 : memref<1x2304xi32, #tpu.memory_space<vmem>> -> memref<2304xi32, #tpu.memory_space<vmem>>
          %swap3A_339 = arith.index_cast %add3A_335 : i32 to index
          %swap3A_340 = tpu.vector_load %swap3A_338[%swap3A_339] {strides = array<i32>} : memref<2304xi32, #tpu.memory_space<vmem>>, vector<16xi32>,
          tpu.vector_store %swap3A_338[%swap3A_339], %add3A_328 {strides = array<i32>} : memref<2304xi32, #tpu.memory_space<vmem>>, vector<16xi32>,
          %scan3A_341 = arith.constant 0 : i32
          scf.yield %scan3A_341 : i32
        }
        %scan3A_233 = arith.constant 6 : i32
        %scan3A_234 = arith.constant 0 : i32
        scf.yield %scan3A_234 : i32
      }
      %scan3A_104 = arith.constant 4 : i32
      %dma_start3A_105 = arith.constant 1 : i32
      %dma_start3A_106 = arith.constant 1 : i32
      %dma_start3A_107 = arith.constant 1 : i32
      %dma_start3A_108 = arith.constant 0 : i32
      %dma_start3A_109 = arith.constant 0 : i32
      %dma_start3A_110 = tpu.memref_slice %arg19[%dma_start3A_106, %dma_start3A_108, %dma_start3A_109] : memref<2x2304x16xf32, #tpu.memory_space<vmem>> -> memref<1x2304x16xf32, #tpu.memory_space<vmem>>
      %dma_start3A_111 = tpu.memref_squeeze %dma_start3A_110 : memref<1x2304x16xf32, #tpu.memory_space<vmem>> -> memref<2304x16xf32, #tpu.memory_space<vmem>>
      %dma_start3A_112 = arith.constant 0 : i32
      %dma_start3A_113 = tpu.memref_slice %arg18[%dma_start3A_105, %dma_start3A_112] : memref<2x2304xi32, #tpu.memory_space<vmem>> -> memref<1x2304xi32, #tpu.memory_space<vmem>>
      %dma_start3A_114 = tpu.memref_squeeze %dma_start3A_113 : memref<1x2304xi32, #tpu.memory_space<vmem>> -> memref<2304xi32, #tpu.memory_space<vmem>>
      %dma_start3A_115 = arith.constant 0 : i32
      %dma_start3A_116 = arith.constant 0 : i32
      %dma_start3A_117 = tpu.memref_slice %arg2[%dma_start3A_115, %dma_start3A_116] : memref<529408x16xf32, #tpu.memory_space<hbm>> -> memref<529408x16xf32, #tpu.memory_space<hbm>>
      %dma_start3A_118 = tpu.memref_slice %arg21[%dma_start3A_107] : memref<2x!tpu.dma_semaphore, #tpu.memory_space<semaphore_mem>> -> memref<1x!tpu.dma_semaphore, #tpu.memory_space<semaphore_mem>>
      %dma_start3A_119 = tpu.memref_squeeze %dma_start3A_118 : memref<1x!tpu.dma_semaphore, #tpu.memory_space<semaphore_mem>> -> memref<!tpu.dma_semaphore, #tpu.memory_space<semaphore_mem>>
      tpu.enqueue_indirect_dma source(%dma_start3A_117 : memref<529408x16xf32, #tpu.memory_space<hbm>>) target(%dma_start3A_111 : memref<2304x16xf32, #tpu.memory_space<vmem>>) offsets(%dma_start3A_114 : memref<2304xi32, #tpu.memory_space<vmem>>) semaphore(%dma_start3A_119 : memref<!tpu.dma_semaphore, #tpu.memory_space<semaphore_mem>>)
      %dma_wait3A = arith.constant 0 : i32
      %dma_wait3A_120 = arith.constant 0 : i32
      %dma_wait3A_121 = arith.constant 0 : i32
      %dma_wait3A_122 = arith.constant 0 : i32
      %dma_wait3A_123 = arith.constant 0 : i32
      %dma_wait3A_124 = tpu.memref_slice %arg19[%dma_wait3A_120, %dma_wait3A_122, %dma_wait3A_123] : memref<2x2304x16xf32, #tpu.memory_space<vmem>> -> memref<1x2304x16xf32, #tpu.memory_space<vmem>>
      %dma_wait3A_125 = tpu.memref_squeeze %dma_wait3A_124 : memref<1x2304x16xf32, #tpu.memory_space<vmem>> -> memref<2304x16xf32, #tpu.memory_space<vmem>>
      %dma_wait3A_126 = arith.constant 0 : i32
      %dma_wait3A_127 = tpu.memref_slice %arg18[%dma_wait3A, %dma_wait3A_126] : memref<2x2304xi32, #tpu.memory_space<vmem>> -> memref<1x2304xi32, #tpu.memory_space<vmem>>
      %dma_wait3A_128 = tpu.memref_squeeze %dma_wait3A_127 : memref<1x2304xi32, #tpu.memory_space<vmem>> -> memref<2304xi32, #tpu.memory_space<vmem>>
      %dma_wait3A_129 = arith.constant 0 : i32
      %dma_wait3A_130 = arith.constant 0 : i32
      %dma_wait3A_131 = tpu.memref_slice %arg2[%dma_wait3A_129, %dma_wait3A_130] : memref<529408x16xf32, #tpu.memory_space<hbm>> -> memref<529408x16xf32, #tpu.memory_space<hbm>>
      %dma_wait3A_132 = tpu.memref_slice %arg21[%dma_wait3A_121] : memref<2x!tpu.dma_semaphore, #tpu.memory_space<semaphore_mem>> -> memref<1x!tpu.dma_semaphore, #tpu.memory_space<semaphore_mem>>
      %dma_wait3A_133 = tpu.memref_squeeze %dma_wait3A_132 : memref<1x!tpu.dma_semaphore, #tpu.memory_space<semaphore_mem>> -> memref<!tpu.dma_semaphore, #tpu.memory_space<semaphore_mem>>
      tpu.wait_indirect_dma semaphore(%dma_wait3A_133 : memref<!tpu.dma_semaphore, #tpu.memory_space<semaphore_mem>>) src(%dma_wait3A_131 : memref<529408x16xf32, #tpu.memory_space<hbm>>) dst(%dma_wait3A_125 : memref<2304x16xf32, #tpu.memory_space<vmem>>)
      %mul3A_134 = arith.constant 64 : i32
      %mul3A_135 = arith.muli %mul3A_89, %mul3A_134 : i32
      %add3A_136 = arith.addi %mul3A_2, %mul3A_135 : i32
      "tpu.region"() ({
        %run_scoped3A_180 = tpu.sem_alloc : memref<!tpu.dma_semaphore, #tpu.memory_space<semaphore_mem>>
        %dma_start3A_181 = tpu.memref_slice %arg4[%add3A_136] : memref<262144xf32, #tpu.memory_space<hbm>> -> memref<64xf32, #tpu.memory_space<hbm>>
        %dma_start3A_182 = tpu.memref_slice %arg4[%add3A_136] : memref<262144xf32, #tpu.memory_space<hbm>> -> memref<64xf32, #tpu.memory_space<hbm>>
        tpu.enqueue_dma source(%dma_start3A_182 : memref<64xf32, #tpu.memory_space<hbm>>) target(%arg16 : memref<64xf32, #tpu.memory_space<vmem>>) target_semaphore(%run_scoped3A_180 : memref<!tpu.dma_semaphore, #tpu.memory_space<semaphore_mem>>)
        %dma_wait3A_183 = tpu.memref_slice %arg4[%add3A_136] : memref<262144xf32, #tpu.memory_space<hbm>> -> memref<64xf32, #tpu.memory_space<hbm>>
        %dma_wait3A_184 = tpu.memref_slice %arg4[%add3A_136] : memref<262144xf32, #tpu.memory_space<hbm>> -> memref<64xf32, #tpu.memory_space<hbm>>
        tpu.wait_dma2 semaphore(%run_scoped3A_180 : memref<!tpu.dma_semaphore, #tpu.memory_space<semaphore_mem>>) src(%dma_wait3A_184 : memref<64xf32, #tpu.memory_space<hbm>>) dst(%arg16 : memref<64xf32, #tpu.memory_space<vmem>>)
        tpu.yield
      }) : () -> ()
      "tpu.region"() ({
        %run_scoped3A_180 = tpu.sem_alloc : memref<!tpu.dma_semaphore, #tpu.memory_space<semaphore_mem>>
        %dma_start3A_181 = tpu.memref_slice %arg5[%add3A_136] : memref<262144xf32, #tpu.memory_space<hbm>> -> memref<64xf32, #tpu.memory_space<hbm>>
        %dma_start3A_182 = tpu.memref_slice %arg5[%add3A_136] : memref<262144xf32, #tpu.memory_space<hbm>> -> memref<64xf32, #tpu.memory_space<hbm>>
        tpu.enqueue_dma source(%dma_start3A_182 : memref<64xf32, #tpu.memory_space<hbm>>) target(%arg17 : memref<64xf32, #tpu.memory_space<vmem>>) target_semaphore(%run_scoped3A_180 : memref<!tpu.dma_semaphore, #tpu.memory_space<semaphore_mem>>)
        %dma_wait3A_183 = tpu.memref_slice %arg5[%add3A_136] : memref<262144xf32, #tpu.memory_space<hbm>> -> memref<64xf32, #tpu.memory_space<hbm>>
        %dma_wait3A_184 = tpu.memref_slice %arg5[%add3A_136] : memref<262144xf32, #tpu.memory_space<hbm>> -> memref<64xf32, #tpu.memory_space<hbm>>
        tpu.wait_dma2 semaphore(%run_scoped3A_180 : memref<!tpu.dma_semaphore, #tpu.memory_space<semaphore_mem>>) src(%dma_wait3A_184 : memref<64xf32, #tpu.memory_space<hbm>>) dst(%arg17 : memref<64xf32, #tpu.memory_space<vmem>>)
        tpu.yield
      }) : () -> ()
      %scan3A_137 = arith.constant 0 : i32
      %scan3A_138 = arith.constant 0 : i32
      %scan3A_139 = arith.constant 0 : i32
      %scan3A_140 = arith.constant 0 : i32
      %scan3A_141 = arith.constant 4 : i32
      %scan3A_142 = arith.addi %scan3A_140, %scan3A_141 : i32
      %scan3A_143 = arith.constant 1 : i32
      %scan3A_144 = scf.for %scan3A_180 = %scan3A_140 to %scan3A_142 step %scan3A_143 iter_args(%scan3A_181 = %scan3A_139) -> (i32)  : i32 {
        %mul3A_182 = arith.constant 16 : i32
        %mul3A_183 = arith.muli %scan3A_180, %mul3A_182 : i32
        %get3A = arith.constant 0 : i32
        %get3A_184 = arith.constant 0 : i32
        %get3A_185 = arith.constant 0 : i32
        %get3A_186 = tpu.memref_slice %arg15[%scan3A_137, %get3A_184, %get3A_185] : memref<2x2x64xf32, #tpu.memory_space<vmem>> -> memref<1x2x64xf32, #tpu.memory_space<vmem>>
        %get3A_187 = tpu.memref_squeeze %get3A_186 : memref<1x2x64xf32, #tpu.memory_space<vmem>> -> memref<2x64xf32, #tpu.memory_space<vmem>>
        %get3A_188 = arith.index_cast %get3A : i32 to index
        %get3A_189 = arith.index_cast %mul3A_183 : i32 to index
        %get3A_190 = tpu.vector_load %get3A_187[%get3A_188, %get3A_189] {strides = array<i32>} : memref<2x64xf32, #tpu.memory_space<vmem>>, vector<16xf32>,
        %mul3A_191 = arith.constant 16 : i32
        %mul3A_192 = arith.muli %scan3A_180, %mul3A_191 : i32
        %get3A_193 = arith.constant 1 : i32
        %get3A_194 = arith.constant 0 : i32
        %get3A_195 = arith.constant 0 : i32
        %get3A_196 = tpu.memref_slice %arg15[%scan3A_137, %get3A_194, %get3A_195] : memref<2x2x64xf32, #tpu.memory_space<vmem>> -> memref<1x2x64xf32, #tpu.memory_space<vmem>>
        %get3A_197 = tpu.memref_squeeze %get3A_196 : memref<1x2x64xf32, #tpu.memory_space<vmem>> -> memref<2x64xf32, #tpu.memory_space<vmem>>
        %get3A_198 = arith.index_cast %get3A_193 : i32 to index
        %get3A_199 = arith.index_cast %mul3A_192 : i32 to index
        %get3A_200 = tpu.vector_load %get3A_197[%get3A_198, %get3A_199] {strides = array<i32>} : memref<2x64xf32, #tpu.memory_space<vmem>>, vector<16xf32>,
        %mul3A_201 = arith.constant 81.4873276 : f32
        %mul3A_202 = vector.broadcast %mul3A_201 : f32 to vector<16xf32>
        %mul3A_203 = arith.mulf %get3A_190, %mul3A_202 : vector<16xf32>
        %mul3A_204 = arith.constant 81.4873276 : f32
        %mul3A_205 = vector.broadcast %mul3A_204 : f32 to vector<16xf32>
        %mul3A_206 = arith.mulf %get3A_200, %mul3A_205 : vector<16xf32>
        %add3A_207 = arith.constant 5.090000e+02 : f32
        %add3A_208 = vector.broadcast %add3A_207 : f32 to vector<16xf32>
        %add3A_209 = arith.addf %mul3A_203, %add3A_208 : vector<16xf32>
        %convert_element_type3A_210 = arith.fptosi %add3A_209 : vector<16xf32> to vector<16xi32>
        %sub3A_211 = arith.constant 511 : i32
        %sub3A_212 = vector.broadcast %sub3A_211 : i32 to vector<16xi32>
        %sub3A_213 = arith.subi %convert_element_type3A_210, %sub3A_212 : vector<16xi32>
        %add3A_214 = arith.constant 5.090000e+02 : f32
        %add3A_215 = vector.broadcast %add3A_214 : f32 to vector<16xf32>
        %add3A_216 = arith.addf %mul3A_206, %add3A_215 : vector<16xf32>
        %convert_element_type3A_217 = arith.fptosi %add3A_216 : vector<16xf32> to vector<16xi32>
        %sub3A_218 = arith.constant 511 : i32
        %sub3A_219 = vector.broadcast %sub3A_218 : i32 to vector<16xi32>
        %sub3A_220 = arith.subi %convert_element_type3A_217, %sub3A_219 : vector<16xi32>
        %convert_element_type3A_221 = arith.sitofp %sub3A_213 : vector<16xi32> to vector<16xf32>
        %convert_element_type3A_222 = arith.sitofp %sub3A_220 : vector<16xi32> to vector<16xf32>
        %sub3A_223 = arith.subf %mul3A_203, %convert_element_type3A_221 : vector<16xf32>
        %mul3A_224 = arith.constant 1.024000e+03 : f32
        %mul3A_225 = vector.broadcast %mul3A_224 : f32 to vector<16xf32>
        %mul3A_226 = arith.mulf %sub3A_223, %mul3A_225 : vector<16xf32>
        %add3A_227 = arith.constant 3.072500e+03 : f32
        %add3A_228 = vector.broadcast %add3A_227 : f32 to vector<16xf32>
        %add3A_229 = arith.addf %mul3A_226, %add3A_228 : vector<16xf32>
        %convert_element_type3A_230 = arith.fptosi %add3A_229 : vector<16xf32> to vector<16xi32>
        %sub3A_231 = arith.subf %mul3A_206, %convert_element_type3A_222 : vector<16xf32>
        %mul3A_232 = arith.constant 1.024000e+03 : f32
        %mul3A_233 = vector.broadcast %mul3A_232 : f32 to vector<16xf32>
        %mul3A_234 = arith.mulf %sub3A_231, %mul3A_233 : vector<16xf32>
        %add3A_235 = arith.constant 3.072500e+03 : f32
        %add3A_236 = vector.broadcast %add3A_235 : f32 to vector<16xf32>
        %add3A_237 = arith.addf %mul3A_234, %add3A_236 : vector<16xf32>
        %convert_element_type3A_238 = arith.fptosi %add3A_237 : vector<16xf32> to vector<16xi32>
        %broadcast_in_dim3A_239 = arith.constant 0.000000e+00 : f32
        %broadcast_in_dim3A_240 = vector.broadcast %broadcast_in_dim3A_239 : f32 to vector<16xf32>
        %scan3A_241 = arith.constant 0 : i32
        %scan3A_242 = arith.constant 36 : i32
        %scan3A_243 = arith.addi %scan3A_241, %scan3A_242 : i32
        %scan3A_244 = arith.constant 1 : i32
        %scan3A_245:16 = scf.for %scan3A_308 = %scan3A_241 to %scan3A_243 step %scan3A_244 iter_args(%scan3A_309 = %broadcast_in_dim3A_240, %scan3A_310 = %broadcast_in_dim3A_240, %scan3A_311 = %broadcast_in_dim3A_240, %scan3A_312 = %broadcast_in_dim3A_240, %scan3A_313 = %broadcast_in_dim3A_240, %scan3A_314 = %broadcast_in_dim3A_240, %scan3A_315 = %broadcast_in_dim3A_240, %scan3A_316 = %broadcast_in_dim3A_240, %scan3A_317 = %broadcast_in_dim3A_240, %scan3A_318 = %broadcast_in_dim3A_240, %scan3A_319 = %broadcast_in_dim3A_240, %scan3A_320 = %broadcast_in_dim3A_240, %scan3A_321 = %broadcast_in_dim3A_240, %scan3A_322 = %broadcast_in_dim3A_240, %scan3A_323 = %broadcast_in_dim3A_240, %scan3A_324 = %broadcast_in_dim3A_240) -> (vector<16xf32>, vector<16xf32>, vector<16xf32>, vector<16xf32>, vector<16xf32>, vector<16xf32>, vector<16xf32>, vector<16xf32>, vector<16xf32>, vector<16xf32>, vector<16xf32>, vector<16xf32>, vector<16xf32>, vector<16xf32>, vector<16xf32>, vector<16xf32>)  : i32 {
          %jit3A_325 = arith.constant 6 : i32
          %div3A_326 = arith.divsi %scan3A_308, %jit3A_325 : i32
          %sign3A_327 = arith.constant 0 : i32
          %sign3A_328 = arith.cmpi sgt, %scan3A_308, %sign3A_327 : i32
          %sign3A_329 = arith.extui %sign3A_328 : i1 to i32
          %sign3A_330 = arith.constant 0 : i32
          %sign3A_331 = arith.cmpi slt, %scan3A_308, %sign3A_330 : i32
          %sign3A_332 = arith.extui %sign3A_331 : i1 to i32
          %sign3A_333 = arith.subi %sign3A_329, %sign3A_332 : i32
          %sign3A_334 = arith.constant 0 : i32
          %sign3A_335 = arith.cmpi sgt, %jit3A_325, %sign3A_334 : i32
          %sign3A_336 = arith.extui %sign3A_335 : i1 to i32
          %sign3A_337 = arith.constant 0 : i32
          %sign3A_338 = arith.cmpi slt, %jit3A_325, %sign3A_337 : i32
          %sign3A_339 = arith.extui %sign3A_338 : i1 to i32
          %sign3A_340 = arith.subi %sign3A_336, %sign3A_339 : i32
          %ne3A_341 = arith.cmpi ne, %sign3A_333, %sign3A_340 : i32
          %rem3A_342 = arith.remsi %scan3A_308, %jit3A_325 : i32
          %ne3A_343 = arith.constant 0 : i32
          %ne3A_344 = arith.cmpi ne, %rem3A_342, %ne3A_343 : i32
          %and3A_345 = arith.andi %ne3A_341, %ne3A_344 : i1
          %sub3A_346 = arith.constant 1 : i32
          %sub3A_347 = arith.subi %div3A_326, %sub3A_346 : i32
          %select_n3A_348 = arith.select %and3A_345, %sub3A_347, %div3A_326 : i32
          %mul3A_349 = arith.constant 6 : i32
          %mul3A_350 = arith.muli %select_n3A_348, %mul3A_349 : i32
          %sub3A_351 = arith.subi %scan3A_308, %mul3A_350 : i32
          %mul3A_352 = arith.constant 1024 : i32
          %mul3A_353 = arith.muli %select_n3A_348, %mul3A_352 : i32
          %sub3A_354 = vector.broadcast %mul3A_353 : i32 to vector<16xi32>
          %sub3A_355 = arith.subi %convert_element_type3A_230, %sub3A_354 : vector<16xi32>
          %mul3A_356 = arith.constant 1024 : i32
          %mul3A_357 = arith.muli %sub3A_351, %mul3A_356 : i32
          %sub3A_358 = vector.broadcast %mul3A_357 : i32 to vector<16xi32>
          %sub3A_359 = arith.subi %convert_element_type3A_238, %sub3A_358 : vector<16xi32>
          %gather3A = tpu.vector_load_idx %arg11[%sub3A_355] : memref<6160xf32, #tpu.memory_space<vmem>>[vector<16xi32>], vector<16xf32>,
          %gather3A_360 = tpu.vector_load_idx %arg12[%sub3A_355] : memref<6160xf32, #tpu.memory_space<vmem>>[vector<16xi32>], vector<16xf32>,
          %gather3A_361 = tpu.vector_load_idx %arg13[%sub3A_359] : memref<6160xf32, #tpu.memory_space<vmem>>[vector<16xi32>], vector<16xf32>,
          %gather3A_362 = tpu.vector_load_idx %arg14[%sub3A_359] : memref<6160xf32, #tpu.memory_space<vmem>>[vector<16xi32>], vector<16xf32>,
          %mul3A_363 = arith.mulf %gather3A, %gather3A_361 : vector<16xf32>
          %mul3A_364 = arith.mulf %gather3A_360, %gather3A_362 : vector<16xf32>
          %sub3A_365 = arith.subf %mul3A_363, %mul3A_364 : vector<16xf32>
          %mul3A_366 = arith.mulf %gather3A, %gather3A_362 : vector<16xf32>
          %mul3A_367 = arith.mulf %gather3A_360, %gather3A_361 : vector<16xf32>
          %add3A_368 = arith.addf %mul3A_366, %mul3A_367 : vector<16xf32>
          %mul3A_369 = arith.constant 64 : i32
          %mul3A_370 = arith.muli %scan3A_308, %mul3A_369 : i32
          %mul3A_371 = arith.constant 16 : i32
          %mul3A_372 = arith.muli %scan3A_180, %mul3A_371 : i32
          %add3A_373 = arith.addi %mul3A_370, %mul3A_372 : i32
          %gather3A_374 = arith.constant 0 : i32
          %gather3A_375 = arith.constant 0 : i32
          %gather3A_376 = tpu.memref_slice %arg19[%scan3A_138, %gather3A_374, %gather3A_375] : memref<2x2304x16xf32, #tpu.memory_space<vmem>> -> memref<1x2304x16xf32, #tpu.memory_space<vmem>>
          %gather3A_377 = tpu.memref_squeeze %gather3A_376 : memref<1x2304x16xf32, #tpu.memory_space<vmem>> -> memref<2304x16xf32, #tpu.memory_space<vmem>>
          %gather3A_378 = arith.constant 0 : i32
          %gather3A_379 = tpu.memref_slice %gather3A_377[%add3A_373, %gather3A_378] : memref<2304x16xf32, #tpu.memory_space<vmem>> -> memref<16x16xf32, #tpu.memory_space<vmem>>
          %gather3A_380 = tpu.vector_load_idx %gather3A_379[%iota3A, %broadcast_in_dim3A_24] : memref<16x16xf32, #tpu.memory_space<vmem>>[vector<16xi32>, vector<16xi32>], vector<16xf32>,
          %gather3A_381 = arith.constant 0 : i32
          %gather3A_382 = arith.constant 0 : i32
          %gather3A_383 = tpu.memref_slice %arg19[%scan3A_138, %gather3A_381, %gather3A_382] : memref<2x2304x16xf32, #tpu.memory_space<vmem>> -> memref<1x2304x16xf32, #tpu.memory_space<vmem>>
          %gather3A_384 = tpu.memref_squeeze %gather3A_383 : memref<1x2304x16xf32, #tpu.memory_space<vmem>> -> memref<2304x16xf32, #tpu.memory_space<vmem>>
          %gather3A_385 = arith.constant 0 : i32
          %gather3A_386 = tpu.memref_slice %gather3A_384[%add3A_373, %gather3A_385] : memref<2304x16xf32, #tpu.memory_space<vmem>> -> memref<16x16xf32, #tpu.memory_space<vmem>>
          %gather3A_387 = tpu.vector_load_idx %gather3A_386[%iota3A, %broadcast_in_dim3A_26] : memref<16x16xf32, #tpu.memory_space<vmem>>[vector<16xi32>, vector<16xi32>], vector<16xf32>,
          %mul3A_388 = arith.mulf %sub3A_365, %gather3A_380 : vector<16xf32>
          %add3A_389 = arith.addf %scan3A_309, %mul3A_388 : vector<16xf32>
          %mul3A_390 = arith.mulf %add3A_368, %gather3A_387 : vector<16xf32>
          %sub3A_391 = arith.subf %add3A_389, %mul3A_390 : vector<16xf32>
          %mul3A_392 = arith.mulf %sub3A_365, %gather3A_387 : vector<16xf32>
          %add3A_393 = arith.addf %scan3A_310, %mul3A_392 : vector<16xf32>
          %mul3A_394 = arith.mulf %add3A_368, %gather3A_380 : vector<16xf32>
          %add3A_395 = arith.addf %add3A_393, %mul3A_394 : vector<16xf32>
          %gather3A_396 = arith.constant 0 : i32
          %gather3A_397 = arith.constant 0 : i32
          %gather3A_398 = tpu.memref_slice %arg19[%scan3A_138, %gather3A_396, %gather3A_397] : memref<2x2304x16xf32, #tpu.memory_space<vmem>> -> memref<1x2304x16xf32, #tpu.memory_space<vmem>>
          %gather3A_399 = tpu.memref_squeeze %gather3A_398 : memref<1x2304x16xf32, #tpu.memory_space<vmem>> -> memref<2304x16xf32, #tpu.memory_space<vmem>>
          %gather3A_400 = arith.constant 0 : i32
          %gather3A_401 = tpu.memref_slice %gather3A_399[%add3A_373, %gather3A_400] : memref<2304x16xf32, #tpu.memory_space<vmem>> -> memref<16x16xf32, #tpu.memory_space<vmem>>
          %gather3A_402 = tpu.vector_load_idx %gather3A_401[%iota3A, %broadcast_in_dim3A_28] : memref<16x16xf32, #tpu.memory_space<vmem>>[vector<16xi32>, vector<16xi32>], vector<16xf32>,
          %gather3A_403 = arith.constant 0 : i32
          %gather3A_404 = arith.constant 0 : i32
          %gather3A_405 = tpu.memref_slice %arg19[%scan3A_138, %gather3A_403, %gather3A_404] : memref<2x2304x16xf32, #tpu.memory_space<vmem>> -> memref<1x2304x16xf32, #tpu.memory_space<vmem>>
          %gather3A_406 = tpu.memref_squeeze %gather3A_405 : memref<1x2304x16xf32, #tpu.memory_space<vmem>> -> memref<2304x16xf32, #tpu.memory_space<vmem>>
          %gather3A_407 = arith.constant 0 : i32
          %gather3A_408 = tpu.memref_slice %gather3A_406[%add3A_373, %gather3A_407] : memref<2304x16xf32, #tpu.memory_space<vmem>> -> memref<16x16xf32, #tpu.memory_space<vmem>>
          %gather3A_409 = tpu.vector_load_idx %gather3A_408[%iota3A, %broadcast_in_dim3A_30] : memref<16x16xf32, #tpu.memory_space<vmem>>[vector<16xi32>, vector<16xi32>], vector<16xf32>,
          %mul3A_410 = arith.mulf %sub3A_365, %gather3A_402 : vector<16xf32>
          %add3A_411 = arith.addf %scan3A_311, %mul3A_410 : vector<16xf32>
          %mul3A_412 = arith.mulf %add3A_368, %gather3A_409 : vector<16xf32>
          %sub3A_413 = arith.subf %add3A_411, %mul3A_412 : vector<16xf32>
          %mul3A_414 = arith.mulf %sub3A_365, %gather3A_409 : vector<16xf32>
          %add3A_415 = arith.addf %scan3A_312, %mul3A_414 : vector<16xf32>
          %mul3A_416 = arith.mulf %add3A_368, %gather3A_402 : vector<16xf32>
          %add3A_417 = arith.addf %add3A_415, %mul3A_416 : vector<16xf32>
          %gather3A_418 = arith.constant 0 : i32
          %gather3A_419 = arith.constant 0 : i32
          %gather3A_420 = tpu.memref_slice %arg19[%scan3A_138, %gather3A_418, %gather3A_419] : memref<2x2304x16xf32, #tpu.memory_space<vmem>> -> memref<1x2304x16xf32, #tpu.memory_space<vmem>>
          %gather3A_421 = tpu.memref_squeeze %gather3A_420 : memref<1x2304x16xf32, #tpu.memory_space<vmem>> -> memref<2304x16xf32, #tpu.memory_space<vmem>>
          %gather3A_422 = arith.constant 0 : i32
          %gather3A_423 = tpu.memref_slice %gather3A_421[%add3A_373, %gather3A_422] : memref<2304x16xf32, #tpu.memory_space<vmem>> -> memref<16x16xf32, #tpu.memory_space<vmem>>
          %gather3A_424 = tpu.vector_load_idx %gather3A_423[%iota3A, %broadcast_in_dim3A_32] : memref<16x16xf32, #tpu.memory_space<vmem>>[vector<16xi32>, vector<16xi32>], vector<16xf32>,
          %gather3A_425 = arith.constant 0 : i32
          %gather3A_426 = arith.constant 0 : i32
          %gather3A_427 = tpu.memref_slice %arg19[%scan3A_138, %gather3A_425, %gather3A_426] : memref<2x2304x16xf32, #tpu.memory_space<vmem>> -> memref<1x2304x16xf32, #tpu.memory_space<vmem>>
          %gather3A_428 = tpu.memref_squeeze %gather3A_427 : memref<1x2304x16xf32, #tpu.memory_space<vmem>> -> memref<2304x16xf32, #tpu.memory_space<vmem>>
          %gather3A_429 = arith.constant 0 : i32
          %gather3A_430 = tpu.memref_slice %gather3A_428[%add3A_373, %gather3A_429] : memref<2304x16xf32, #tpu.memory_space<vmem>> -> memref<16x16xf32, #tpu.memory_space<vmem>>
          %gather3A_431 = tpu.vector_load_idx %gather3A_430[%iota3A, %broadcast_in_dim3A_34] : memref<16x16xf32, #tpu.memory_space<vmem>>[vector<16xi32>, vector<16xi32>], vector<16xf32>,
          %mul3A_432 = arith.mulf %sub3A_365, %gather3A_424 : vector<16xf32>
          %add3A_433 = arith.addf %scan3A_313, %mul3A_432 : vector<16xf32>
          %mul3A_434 = arith.mulf %add3A_368, %gather3A_431 : vector<16xf32>
          %sub3A_435 = arith.subf %add3A_433, %mul3A_434 : vector<16xf32>
          %mul3A_436 = arith.mulf %sub3A_365, %gather3A_431 : vector<16xf32>
          %add3A_437 = arith.addf %scan3A_314, %mul3A_436 : vector<16xf32>
          %mul3A_438 = arith.mulf %add3A_368, %gather3A_424 : vector<16xf32>
          %add3A_439 = arith.addf %add3A_437, %mul3A_438 : vector<16xf32>
          %gather3A_440 = arith.constant 0 : i32
          %gather3A_441 = arith.constant 0 : i32
          %gather3A_442 = tpu.memref_slice %arg19[%scan3A_138, %gather3A_440, %gather3A_441] : memref<2x2304x16xf32, #tpu.memory_space<vmem>> -> memref<1x2304x16xf32, #tpu.memory_space<vmem>>
          %gather3A_443 = tpu.memref_squeeze %gather3A_442 : memref<1x2304x16xf32, #tpu.memory_space<vmem>> -> memref<2304x16xf32, #tpu.memory_space<vmem>>
          %gather3A_444 = arith.constant 0 : i32
          %gather3A_445 = tpu.memref_slice %gather3A_443[%add3A_373, %gather3A_444] : memref<2304x16xf32, #tpu.memory_space<vmem>> -> memref<16x16xf32, #tpu.memory_space<vmem>>
          %gather3A_446 = tpu.vector_load_idx %gather3A_445[%iota3A, %broadcast_in_dim3A_36] : memref<16x16xf32, #tpu.memory_space<vmem>>[vector<16xi32>, vector<16xi32>], vector<16xf32>,
          %gather3A_447 = arith.constant 0 : i32
          %gather3A_448 = arith.constant 0 : i32
          %gather3A_449 = tpu.memref_slice %arg19[%scan3A_138, %gather3A_447, %gather3A_448] : memref<2x2304x16xf32, #tpu.memory_space<vmem>> -> memref<1x2304x16xf32, #tpu.memory_space<vmem>>
          %gather3A_450 = tpu.memref_squeeze %gather3A_449 : memref<1x2304x16xf32, #tpu.memory_space<vmem>> -> memref<2304x16xf32, #tpu.memory_space<vmem>>
          %gather3A_451 = arith.constant 0 : i32
          %gather3A_452 = tpu.memref_slice %gather3A_450[%add3A_373, %gather3A_451] : memref<2304x16xf32, #tpu.memory_space<vmem>> -> memref<16x16xf32, #tpu.memory_space<vmem>>
          %gather3A_453 = tpu.vector_load_idx %gather3A_452[%iota3A, %broadcast_in_dim3A_38] : memref<16x16xf32, #tpu.memory_space<vmem>>[vector<16xi32>, vector<16xi32>], vector<16xf32>,
          %mul3A_454 = arith.mulf %sub3A_365, %gather3A_446 : vector<16xf32>
          %add3A_455 = arith.addf %scan3A_315, %mul3A_454 : vector<16xf32>
          %mul3A_456 = arith.mulf %add3A_368, %gather3A_453 : vector<16xf32>
          %sub3A_457 = arith.subf %add3A_455, %mul3A_456 : vector<16xf32>
          %mul3A_458 = arith.mulf %sub3A_365, %gather3A_453 : vector<16xf32>
          %add3A_459 = arith.addf %scan3A_316, %mul3A_458 : vector<16xf32>
          %mul3A_460 = arith.mulf %add3A_368, %gather3A_446 : vector<16xf32>
          %add3A_461 = arith.addf %add3A_459, %mul3A_460 : vector<16xf32>
          %gather3A_462 = arith.constant 0 : i32
          %gather3A_463 = arith.constant 0 : i32
          %gather3A_464 = tpu.memref_slice %arg19[%scan3A_138, %gather3A_462, %gather3A_463] : memref<2x2304x16xf32, #tpu.memory_space<vmem>> -> memref<1x2304x16xf32, #tpu.memory_space<vmem>>
          %gather3A_465 = tpu.memref_squeeze %gather3A_464 : memref<1x2304x16xf32, #tpu.memory_space<vmem>> -> memref<2304x16xf32, #tpu.memory_space<vmem>>
          %gather3A_466 = arith.constant 0 : i32
          %gather3A_467 = tpu.memref_slice %gather3A_465[%add3A_373, %gather3A_466] : memref<2304x16xf32, #tpu.memory_space<vmem>> -> memref<16x16xf32, #tpu.memory_space<vmem>>
          %gather3A_468 = tpu.vector_load_idx %gather3A_467[%iota3A, %broadcast_in_dim3A_40] : memref<16x16xf32, #tpu.memory_space<vmem>>[vector<16xi32>, vector<16xi32>], vector<16xf32>,
          %gather3A_469 = arith.constant 0 : i32
          %gather3A_470 = arith.constant 0 : i32
          %gather3A_471 = tpu.memref_slice %arg19[%scan3A_138, %gather3A_469, %gather3A_470] : memref<2x2304x16xf32, #tpu.memory_space<vmem>> -> memref<1x2304x16xf32, #tpu.memory_space<vmem>>
          %gather3A_472 = tpu.memref_squeeze %gather3A_471 : memref<1x2304x16xf32, #tpu.memory_space<vmem>> -> memref<2304x16xf32, #tpu.memory_space<vmem>>
          %gather3A_473 = arith.constant 0 : i32
          %gather3A_474 = tpu.memref_slice %gather3A_472[%add3A_373, %gather3A_473] : memref<2304x16xf32, #tpu.memory_space<vmem>> -> memref<16x16xf32, #tpu.memory_space<vmem>>
          %gather3A_475 = tpu.vector_load_idx %gather3A_474[%iota3A, %broadcast_in_dim3A_42] : memref<16x16xf32, #tpu.memory_space<vmem>>[vector<16xi32>, vector<16xi32>], vector<16xf32>,
          %mul3A_476 = arith.mulf %sub3A_365, %gather3A_468 : vector<16xf32>
          %add3A_477 = arith.addf %scan3A_317, %mul3A_476 : vector<16xf32>
          %mul3A_478 = arith.mulf %add3A_368, %gather3A_475 : vector<16xf32>
          %sub3A_479 = arith.subf %add3A_477, %mul3A_478 : vector<16xf32>
          %mul3A_480 = arith.mulf %sub3A_365, %gather3A_475 : vector<16xf32>
          %add3A_481 = arith.addf %scan3A_318, %mul3A_480 : vector<16xf32>
          %mul3A_482 = arith.mulf %add3A_368, %gather3A_468 : vector<16xf32>
          %add3A_483 = arith.addf %add3A_481, %mul3A_482 : vector<16xf32>
          %gather3A_484 = arith.constant 0 : i32
          %gather3A_485 = arith.constant 0 : i32
          %gather3A_486 = tpu.memref_slice %arg19[%scan3A_138, %gather3A_484, %gather3A_485] : memref<2x2304x16xf32, #tpu.memory_space<vmem>> -> memref<1x2304x16xf32, #tpu.memory_space<vmem>>
          %gather3A_487 = tpu.memref_squeeze %gather3A_486 : memref<1x2304x16xf32, #tpu.memory_space<vmem>> -> memref<2304x16xf32, #tpu.memory_space<vmem>>
          %gather3A_488 = arith.constant 0 : i32
          %gather3A_489 = tpu.memref_slice %gather3A_487[%add3A_373, %gather3A_488] : memref<2304x16xf32, #tpu.memory_space<vmem>> -> memref<16x16xf32, #tpu.memory_space<vmem>>
          %gather3A_490 = tpu.vector_load_idx %gather3A_489[%iota3A, %broadcast_in_dim3A_44] : memref<16x16xf32, #tpu.memory_space<vmem>>[vector<16xi32>, vector<16xi32>], vector<16xf32>,
          %gather3A_491 = arith.constant 0 : i32
          %gather3A_492 = arith.constant 0 : i32
          %gather3A_493 = tpu.memref_slice %arg19[%scan3A_138, %gather3A_491, %gather3A_492] : memref<2x2304x16xf32, #tpu.memory_space<vmem>> -> memref<1x2304x16xf32, #tpu.memory_space<vmem>>
          %gather3A_494 = tpu.memref_squeeze %gather3A_493 : memref<1x2304x16xf32, #tpu.memory_space<vmem>> -> memref<2304x16xf32, #tpu.memory_space<vmem>>
          %gather3A_495 = arith.constant 0 : i32
          %gather3A_496 = tpu.memref_slice %gather3A_494[%add3A_373, %gather3A_495] : memref<2304x16xf32, #tpu.memory_space<vmem>> -> memref<16x16xf32, #tpu.memory_space<vmem>>
          %gather3A_497 = tpu.vector_load_idx %gather3A_496[%iota3A, %broadcast_in_dim3A_46] : memref<16x16xf32, #tpu.memory_space<vmem>>[vector<16xi32>, vector<16xi32>], vector<16xf32>,
          %mul3A_498 = arith.mulf %sub3A_365, %gather3A_490 : vector<16xf32>
          %add3A_499 = arith.addf %scan3A_319, %mul3A_498 : vector<16xf32>
          %mul3A_500 = arith.mulf %add3A_368, %gather3A_497 : vector<16xf32>
          %sub3A_501 = arith.subf %add3A_499, %mul3A_500 : vector<16xf32>
          %mul3A_502 = arith.mulf %sub3A_365, %gather3A_497 : vector<16xf32>
          %add3A_503 = arith.addf %scan3A_320, %mul3A_502 : vector<16xf32>
          %mul3A_504 = arith.mulf %add3A_368, %gather3A_490 : vector<16xf32>
          %add3A_505 = arith.addf %add3A_503, %mul3A_504 : vector<16xf32>
          %gather3A_506 = arith.constant 0 : i32
          %gather3A_507 = arith.constant 0 : i32
          %gather3A_508 = tpu.memref_slice %arg19[%scan3A_138, %gather3A_506, %gather3A_507] : memref<2x2304x16xf32, #tpu.memory_space<vmem>> -> memref<1x2304x16xf32, #tpu.memory_space<vmem>>
          %gather3A_509 = tpu.memref_squeeze %gather3A_508 : memref<1x2304x16xf32, #tpu.memory_space<vmem>> -> memref<2304x16xf32, #tpu.memory_space<vmem>>
          %gather3A_510 = arith.constant 0 : i32
          %gather3A_511 = tpu.memref_slice %gather3A_509[%add3A_373, %gather3A_510] : memref<2304x16xf32, #tpu.memory_space<vmem>> -> memref<16x16xf32, #tpu.memory_space<vmem>>
          %gather3A_512 = tpu.vector_load_idx %gather3A_511[%iota3A, %broadcast_in_dim3A_48] : memref<16x16xf32, #tpu.memory_space<vmem>>[vector<16xi32>, vector<16xi32>], vector<16xf32>,
          %gather3A_513 = arith.constant 0 : i32
          %gather3A_514 = arith.constant 0 : i32
          %gather3A_515 = tpu.memref_slice %arg19[%scan3A_138, %gather3A_513, %gather3A_514] : memref<2x2304x16xf32, #tpu.memory_space<vmem>> -> memref<1x2304x16xf32, #tpu.memory_space<vmem>>
          %gather3A_516 = tpu.memref_squeeze %gather3A_515 : memref<1x2304x16xf32, #tpu.memory_space<vmem>> -> memref<2304x16xf32, #tpu.memory_space<vmem>>
          %gather3A_517 = arith.constant 0 : i32
          %gather3A_518 = tpu.memref_slice %gather3A_516[%add3A_373, %gather3A_517] : memref<2304x16xf32, #tpu.memory_space<vmem>> -> memref<16x16xf32, #tpu.memory_space<vmem>>
          %gather3A_519 = tpu.vector_load_idx %gather3A_518[%iota3A, %broadcast_in_dim3A_50] : memref<16x16xf32, #tpu.memory_space<vmem>>[vector<16xi32>, vector<16xi32>], vector<16xf32>,
          %mul3A_520 = arith.mulf %sub3A_365, %gather3A_512 : vector<16xf32>
          %add3A_521 = arith.addf %scan3A_321, %mul3A_520 : vector<16xf32>
          %mul3A_522 = arith.mulf %add3A_368, %gather3A_519 : vector<16xf32>
          %sub3A_523 = arith.subf %add3A_521, %mul3A_522 : vector<16xf32>
          %mul3A_524 = arith.mulf %sub3A_365, %gather3A_519 : vector<16xf32>
          %add3A_525 = arith.addf %scan3A_322, %mul3A_524 : vector<16xf32>
          %mul3A_526 = arith.mulf %add3A_368, %gather3A_512 : vector<16xf32>
          %add3A_527 = arith.addf %add3A_525, %mul3A_526 : vector<16xf32>
          %gather3A_528 = arith.constant 0 : i32
          %gather3A_529 = arith.constant 0 : i32
          %gather3A_530 = tpu.memref_slice %arg19[%scan3A_138, %gather3A_528, %gather3A_529] : memref<2x2304x16xf32, #tpu.memory_space<vmem>> -> memref<1x2304x16xf32, #tpu.memory_space<vmem>>
          %gather3A_531 = tpu.memref_squeeze %gather3A_530 : memref<1x2304x16xf32, #tpu.memory_space<vmem>> -> memref<2304x16xf32, #tpu.memory_space<vmem>>
          %gather3A_532 = arith.constant 0 : i32
          %gather3A_533 = tpu.memref_slice %gather3A_531[%add3A_373, %gather3A_532] : memref<2304x16xf32, #tpu.memory_space<vmem>> -> memref<16x16xf32, #tpu.memory_space<vmem>>
          %gather3A_534 = tpu.vector_load_idx %gather3A_533[%iota3A, %broadcast_in_dim3A_52] : memref<16x16xf32, #tpu.memory_space<vmem>>[vector<16xi32>, vector<16xi32>], vector<16xf32>,
          %gather3A_535 = arith.constant 0 : i32
          %gather3A_536 = arith.constant 0 : i32
          %gather3A_537 = tpu.memref_slice %arg19[%scan3A_138, %gather3A_535, %gather3A_536] : memref<2x2304x16xf32, #tpu.memory_space<vmem>> -> memref<1x2304x16xf32, #tpu.memory_space<vmem>>
          %gather3A_538 = tpu.memref_squeeze %gather3A_537 : memref<1x2304x16xf32, #tpu.memory_space<vmem>> -> memref<2304x16xf32, #tpu.memory_space<vmem>>
          %gather3A_539 = arith.constant 0 : i32
          %gather3A_540 = tpu.memref_slice %gather3A_538[%add3A_373, %gather3A_539] : memref<2304x16xf32, #tpu.memory_space<vmem>> -> memref<16x16xf32, #tpu.memory_space<vmem>>
          %gather3A_541 = tpu.vector_load_idx %gather3A_540[%iota3A, %broadcast_in_dim3A_54] : memref<16x16xf32, #tpu.memory_space<vmem>>[vector<16xi32>, vector<16xi32>], vector<16xf32>,
          %mul3A_542 = arith.mulf %sub3A_365, %gather3A_534 : vector<16xf32>
          %add3A_543 = arith.addf %scan3A_323, %mul3A_542 : vector<16xf32>
          %mul3A_544 = arith.mulf %add3A_368, %gather3A_541 : vector<16xf32>
          %sub3A_545 = arith.subf %add3A_543, %mul3A_544 : vector<16xf32>
          %mul3A_546 = arith.mulf %sub3A_365, %gather3A_541 : vector<16xf32>
          %add3A_547 = arith.addf %scan3A_324, %mul3A_546 : vector<16xf32>
          %mul3A_548 = arith.mulf %add3A_368, %gather3A_534 : vector<16xf32>
          %add3A_549 = arith.addf %add3A_547, %mul3A_548 : vector<16xf32>
          scf.yield %sub3A_391, %add3A_395, %sub3A_413, %add3A_417, %sub3A_435, %add3A_439, %sub3A_457, %add3A_461, %sub3A_479, %add3A_483, %sub3A_501, %add3A_505, %sub3A_523, %add3A_527, %sub3A_545, %add3A_549 : vector<16xf32>, vector<16xf32>, vector<16xf32>, vector<16xf32>, vector<16xf32>, vector<16xf32>, vector<16xf32>, vector<16xf32>, vector<16xf32>, vector<16xf32>, vector<16xf32>, vector<16xf32>, vector<16xf32>, vector<16xf32>, vector<16xf32>, vector<16xf32>
        }
        %scan3A_246 = arith.constant 36 : i32
        %mul3A_247 = arith.constant 16 : i32
        %mul3A_248 = arith.muli %scan3A_180, %mul3A_247 : i32
        %get3A_249 = arith.index_cast %mul3A_248 : i32 to index
        %get3A_250 = tpu.vector_load %arg16[%get3A_249] {strides = array<i32>} : memref<64xf32, #tpu.memory_space<vmem>>, vector<16xf32>,
        %mul3A_251 = arith.constant 16 : i32
        %mul3A_252 = arith.muli %scan3A_180, %mul3A_251 : i32
        %get3A_253 = arith.index_cast %mul3A_252 : i32 to index
        %get3A_254 = tpu.vector_load %arg17[%get3A_253] {strides = array<i32>} : memref<64xf32, #tpu.memory_space<vmem>>, vector<16xf32>,
        %mul3A_255 = arith.constant 16 : i32
        %mul3A_256 = arith.muli %scan3A_180, %mul3A_255 : i32
        %add3A_257 = vector.broadcast %mul3A_256 : i32 to vector<16xi32>
        %add3A_258 = arith.addi %iota3A, %add3A_257 : vector<16xi32>
        %mul3A_259 = arith.mulf %scan3A_245#0, %get3A_250 : vector<16xf32>
        %mul3A_260 = arith.mulf %scan3A_245#1, %get3A_254 : vector<16xf32>
        %sub3A_261 = arith.subf %mul3A_259, %mul3A_260 : vector<16xf32>
        tpu.vector_store_idx %arg20[%add3A_258, %broadcast_in_dim3A_24], %sub3A_261 : memref<64x16xf32, #tpu.memory_space<vmem>>[vector<16xi32>, vector<16xi32>], vector<16xf32>,
        %mul3A_262 = arith.mulf %scan3A_245#0, %get3A_254 : vector<16xf32>
        %mul3A_263 = arith.mulf %scan3A_245#1, %get3A_250 : vector<16xf32>
        %add3A_264 = arith.addf %mul3A_262, %mul3A_263 : vector<16xf32>
        tpu.vector_store_idx %arg20[%add3A_258, %broadcast_in_dim3A_26], %add3A_264 : memref<64x16xf32, #tpu.memory_space<vmem>>[vector<16xi32>, vector<16xi32>], vector<16xf32>,
        %mul3A_265 = arith.mulf %scan3A_245#2, %get3A_250 : vector<16xf32>
        %mul3A_266 = arith.mulf %scan3A_245#3, %get3A_254 : vector<16xf32>
        %sub3A_267 = arith.subf %mul3A_265, %mul3A_266 : vector<16xf32>
        tpu.vector_store_idx %arg20[%add3A_258, %broadcast_in_dim3A_28], %sub3A_267 : memref<64x16xf32, #tpu.memory_space<vmem>>[vector<16xi32>, vector<16xi32>], vector<16xf32>,
        %mul3A_268 = arith.mulf %scan3A_245#2, %get3A_254 : vector<16xf32>
        %mul3A_269 = arith.mulf %scan3A_245#3, %get3A_250 : vector<16xf32>
        %add3A_270 = arith.addf %mul3A_268, %mul3A_269 : vector<16xf32>
        tpu.vector_store_idx %arg20[%add3A_258, %broadcast_in_dim3A_30], %add3A_270 : memref<64x16xf32, #tpu.memory_space<vmem>>[vector<16xi32>, vector<16xi32>], vector<16xf32>,
        %mul3A_271 = arith.mulf %scan3A_245#4, %get3A_250 : vector<16xf32>
        %mul3A_272 = arith.mulf %scan3A_245#5, %get3A_254 : vector<16xf32>
        %sub3A_273 = arith.subf %mul3A_271, %mul3A_272 : vector<16xf32>
        tpu.vector_store_idx %arg20[%add3A_258, %broadcast_in_dim3A_32], %sub3A_273 : memref<64x16xf32, #tpu.memory_space<vmem>>[vector<16xi32>, vector<16xi32>], vector<16xf32>,
        %mul3A_274 = arith.mulf %scan3A_245#4, %get3A_254 : vector<16xf32>
        %mul3A_275 = arith.mulf %scan3A_245#5, %get3A_250 : vector<16xf32>
        %add3A_276 = arith.addf %mul3A_274, %mul3A_275 : vector<16xf32>
        tpu.vector_store_idx %arg20[%add3A_258, %broadcast_in_dim3A_34], %add3A_276 : memref<64x16xf32, #tpu.memory_space<vmem>>[vector<16xi32>, vector<16xi32>], vector<16xf32>,
        %mul3A_277 = arith.mulf %scan3A_245#6, %get3A_250 : vector<16xf32>
        %mul3A_278 = arith.mulf %scan3A_245#7, %get3A_254 : vector<16xf32>
        %sub3A_279 = arith.subf %mul3A_277, %mul3A_278 : vector<16xf32>
        tpu.vector_store_idx %arg20[%add3A_258, %broadcast_in_dim3A_36], %sub3A_279 : memref<64x16xf32, #tpu.memory_space<vmem>>[vector<16xi32>, vector<16xi32>], vector<16xf32>,
        %mul3A_280 = arith.mulf %scan3A_245#6, %get3A_254 : vector<16xf32>
        %mul3A_281 = arith.mulf %scan3A_245#7, %get3A_250 : vector<16xf32>
        %add3A_282 = arith.addf %mul3A_280, %mul3A_281 : vector<16xf32>
        tpu.vector_store_idx %arg20[%add3A_258, %broadcast_in_dim3A_38], %add3A_282 : memref<64x16xf32, #tpu.memory_space<vmem>>[vector<16xi32>, vector<16xi32>], vector<16xf32>,
        %mul3A_283 = arith.mulf %scan3A_245#8, %get3A_250 : vector<16xf32>
        %mul3A_284 = arith.mulf %scan3A_245#9, %get3A_254 : vector<16xf32>
        %sub3A_285 = arith.subf %mul3A_283, %mul3A_284 : vector<16xf32>
        tpu.vector_store_idx %arg20[%add3A_258, %broadcast_in_dim3A_40], %sub3A_285 : memref<64x16xf32, #tpu.memory_space<vmem>>[vector<16xi32>, vector<16xi32>], vector<16xf32>,
        %mul3A_286 = arith.mulf %scan3A_245#8, %get3A_254 : vector<16xf32>
        %mul3A_287 = arith.mulf %scan3A_245#9, %get3A_250 : vector<16xf32>
        %add3A_288 = arith.addf %mul3A_286, %mul3A_287 : vector<16xf32>
        tpu.vector_store_idx %arg20[%add3A_258, %broadcast_in_dim3A_42], %add3A_288 : memref<64x16xf32, #tpu.memory_space<vmem>>[vector<16xi32>, vector<16xi32>], vector<16xf32>,
        %mul3A_289 = arith.mulf %scan3A_245#10, %get3A_250 : vector<16xf32>
        %mul3A_290 = arith.mulf %scan3A_245#11, %get3A_254 : vector<16xf32>
        %sub3A_291 = arith.subf %mul3A_289, %mul3A_290 : vector<16xf32>
        tpu.vector_store_idx %arg20[%add3A_258, %broadcast_in_dim3A_44], %sub3A_291 : memref<64x16xf32, #tpu.memory_space<vmem>>[vector<16xi32>, vector<16xi32>], vector<16xf32>,
        %mul3A_292 = arith.mulf %scan3A_245#10, %get3A_254 : vector<16xf32>
        %mul3A_293 = arith.mulf %scan3A_245#11, %get3A_250 : vector<16xf32>
        %add3A_294 = arith.addf %mul3A_292, %mul3A_293 : vector<16xf32>
        tpu.vector_store_idx %arg20[%add3A_258, %broadcast_in_dim3A_46], %add3A_294 : memref<64x16xf32, #tpu.memory_space<vmem>>[vector<16xi32>, vector<16xi32>], vector<16xf32>,
        %mul3A_295 = arith.mulf %scan3A_245#12, %get3A_250 : vector<16xf32>
        %mul3A_296 = arith.mulf %scan3A_245#13, %get3A_254 : vector<16xf32>
        %sub3A_297 = arith.subf %mul3A_295, %mul3A_296 : vector<16xf32>
        tpu.vector_store_idx %arg20[%add3A_258, %broadcast_in_dim3A_48], %sub3A_297 : memref<64x16xf32, #tpu.memory_space<vmem>>[vector<16xi32>, vector<16xi32>], vector<16xf32>,
        %mul3A_298 = arith.mulf %scan3A_245#12, %get3A_254 : vector<16xf32>
        %mul3A_299 = arith.mulf %scan3A_245#13, %get3A_250 : vector<16xf32>
        %add3A_300 = arith.addf %mul3A_298, %mul3A_299 : vector<16xf32>
        tpu.vector_store_idx %arg20[%add3A_258, %broadcast_in_dim3A_50], %add3A_300 : memref<64x16xf32, #tpu.memory_space<vmem>>[vector<16xi32>, vector<16xi32>], vector<16xf32>,
        %mul3A_301 = arith.mulf %scan3A_245#14, %get3A_250 : vector<16xf32>
        %mul3A_302 = arith.mulf %scan3A_245#15, %get3A_254 : vector<16xf32>
        %sub3A_303 = arith.subf %mul3A_301, %mul3A_302 : vector<16xf32>
        tpu.vector_store_idx %arg20[%add3A_258, %broadcast_in_dim3A_52], %sub3A_303 : memref<64x16xf32, #tpu.memory_space<vmem>>[vector<16xi32>, vector<16xi32>], vector<16xf32>,
        %mul3A_304 = arith.mulf %scan3A_245#14, %get3A_254 : vector<16xf32>
        %mul3A_305 = arith.mulf %scan3A_245#15, %get3A_250 : vector<16xf32>
        %add3A_306 = arith.addf %mul3A_304, %mul3A_305 : vector<16xf32>
        tpu.vector_store_idx %arg20[%add3A_258, %broadcast_in_dim3A_54], %add3A_306 : memref<64x16xf32, #tpu.memory_space<vmem>>[vector<16xi32>, vector<16xi32>], vector<16xf32>,
        %scan3A_307 = arith.constant 0 : i32
        scf.yield %scan3A_307 : i32
      }
      %scan3A_145 = arith.constant 4 : i32
      "tpu.region"() ({
        %run_scoped3A_180 = tpu.sem_alloc : memref<!tpu.dma_semaphore, #tpu.memory_space<semaphore_mem>>
        %dma_start3A_181 = arith.constant 0 : i32
        %dma_start3A_182 = tpu.memref_slice %arg10[%add3A_136, %dma_start3A_181] : memref<262144x16xf32, #tpu.memory_space<hbm>> -> memref<64x16xf32, #tpu.memory_space<hbm>>
        %dma_start3A_183 = arith.constant 0 : i32
        %dma_start3A_184 = tpu.memref_slice %arg10[%add3A_136, %dma_start3A_183] : memref<262144x16xf32, #tpu.memory_space<hbm>> -> memref<64x16xf32, #tpu.memory_space<hbm>>
        tpu.enqueue_dma source(%arg20 : memref<64x16xf32, #tpu.memory_space<vmem>>) target(%dma_start3A_184 : memref<64x16xf32, #tpu.memory_space<hbm>>) target_semaphore(%run_scoped3A_180 : memref<!tpu.dma_semaphore, #tpu.memory_space<semaphore_mem>>)
        %dma_wait3A_185 = arith.constant 0 : i32
        %dma_wait3A_186 = tpu.memref_slice %arg10[%add3A_136, %dma_wait3A_185] : memref<262144x16xf32, #tpu.memory_space<hbm>> -> memref<64x16xf32, #tpu.memory_space<hbm>>
        %dma_wait3A_187 = arith.constant 0 : i32
        %dma_wait3A_188 = tpu.memref_slice %arg10[%add3A_136, %dma_wait3A_187] : memref<262144x16xf32, #tpu.memory_space<hbm>> -> memref<64x16xf32, #tpu.memory_space<hbm>>
        tpu.wait_dma2 semaphore(%run_scoped3A_180 : memref<!tpu.dma_semaphore, #tpu.memory_space<semaphore_mem>>) src(%arg20 : memref<64x16xf32, #tpu.memory_space<vmem>>) dst(%dma_wait3A_188 : memref<64x16xf32, #tpu.memory_space<hbm>>)
        tpu.yield
      }) : () -> ()
      %add3A_146 = arith.constant 1 : i32
      %add3A_147 = arith.addi %scan3A_86, %add3A_146 : i32
      %lt3A = arith.constant 64 : i32
      %lt3A_148 = arith.cmpi slt, %add3A_147, %lt3A : i32
      %convert_element_type3A = arith.extui %lt3A_148 : i1 to i32
      %cond3A = arith.constant 0 : i32
      %cond3A_149 = arith.cmpi ne, %convert_element_type3A, %cond3A : i32
      scf.if %cond3A_149 {
        %add3A_180 = arith.constant 2 : i32
        %add3A_181 = arith.addi %mul3A_89, %add3A_180 : i32
        %mul3A_182 = arith.constant 64 : i32
        %mul3A_183 = arith.muli %add3A_181, %mul3A_182 : i32
        %add3A_184 = arith.addi %sub3A_21, %mul3A_183 : i32
        %run_scoped3A_185 = arith.constant 0 : i32
        "tpu.region"() ({
          %run_scoped3A_210 = tpu.sem_alloc : memref<!tpu.dma_semaphore, #tpu.memory_space<semaphore_mem>>
          %dma_start3A_211 = arith.constant 0 : i32
          %dma_start3A_212 = arith.constant 0 : i32
          %dma_start3A_213 = tpu.memref_slice %arg15[%run_scoped3A_185, %dma_start3A_211, %dma_start3A_212] : memref<2x2x64xf32, #tpu.memory_space<vmem>> -> memref<1x2x64xf32, #tpu.memory_space<vmem>>
          %dma_start3A_214 = tpu.memref_squeeze %dma_start3A_213 : memref<1x2x64xf32, #tpu.memory_space<vmem>> -> memref<2x64xf32, #tpu.memory_space<vmem>>
          %dma_start3A_215 = arith.constant 0 : i32
          %dma_start3A_216 = tpu.memref_slice %arg3[%select_n3A, %dma_start3A_215, %add3A_184] : memref<2x2x131072xf32, #tpu.memory_space<hbm>> -> memref<1x2x64xf32, #tpu.memory_space<hbm>>
          %dma_start3A_217 = tpu.memref_squeeze %dma_start3A_216 : memref<1x2x64xf32, #tpu.memory_space<hbm>> -> memref<2x64xf32, #tpu.memory_space<hbm>>
          %dma_start3A_218 = arith.constant 0 : i32
          %dma_start3A_219 = arith.constant 0 : i32
          %dma_start3A_220 = tpu.memref_slice %arg15[%run_scoped3A_185, %dma_start3A_218, %dma_start3A_219] : memref<2x2x64xf32, #tpu.memory_space<vmem>> -> memref<1x2x64xf32, #tpu.memory_space<vmem>>
          %dma_start3A_221 = tpu.memref_squeeze %dma_start3A_220 : memref<1x2x64xf32, #tpu.memory_space<vmem>> -> memref<2x64xf32, #tpu.memory_space<vmem>>
          %dma_start3A_222 = arith.constant 0 : i32
          %dma_start3A_223 = tpu.memref_slice %arg3[%select_n3A, %dma_start3A_222, %add3A_184] : memref<2x2x131072xf32, #tpu.memory_space<hbm>> -> memref<1x2x64xf32, #tpu.memory_space<hbm>>
          %dma_start3A_224 = tpu.memref_squeeze %dma_start3A_223 : memref<1x2x64xf32, #tpu.memory_space<hbm>> -> memref<2x64xf32, #tpu.memory_space<hbm>>
          tpu.enqueue_dma source(%dma_start3A_224 : memref<2x64xf32, #tpu.memory_space<hbm>>) target(%dma_start3A_221 : memref<2x64xf32, #tpu.memory_space<vmem>>) target_semaphore(%run_scoped3A_210 : memref<!tpu.dma_semaphore, #tpu.memory_space<semaphore_mem>>)
          %dma_wait3A_225 = arith.constant 0 : i32
          %dma_wait3A_226 = arith.constant 0 : i32
          %dma_wait3A_227 = tpu.memref_slice %arg15[%run_scoped3A_185, %dma_wait3A_225, %dma_wait3A_226] : memref<2x2x64xf32, #tpu.memory_space<vmem>> -> memref<1x2x64xf32, #tpu.memory_space<vmem>>
          %dma_wait3A_228 = tpu.memref_squeeze %dma_wait3A_227 : memref<1x2x64xf32, #tpu.memory_space<vmem>> -> memref<2x64xf32, #tpu.memory_space<vmem>>
          %dma_wait3A_229 = arith.constant 0 : i32
          %dma_wait3A_230 = tpu.memref_slice %arg3[%select_n3A, %dma_wait3A_229, %add3A_184] : memref<2x2x131072xf32, #tpu.memory_space<hbm>> -> memref<1x2x64xf32, #tpu.memory_space<hbm>>
          %dma_wait3A_231 = tpu.memref_squeeze %dma_wait3A_230 : memref<1x2x64xf32, #tpu.memory_space<hbm>> -> memref<2x64xf32, #tpu.memory_space<hbm>>
          %dma_wait3A_232 = arith.constant 0 : i32
          %dma_wait3A_233 = arith.constant 0 : i32
          %dma_wait3A_234 = tpu.memref_slice %arg15[%run_scoped3A_185, %dma_wait3A_232, %dma_wait3A_233] : memref<2x2x64xf32, #tpu.memory_space<vmem>> -> memref<1x2x64xf32, #tpu.memory_space<vmem>>
          %dma_wait3A_235 = tpu.memref_squeeze %dma_wait3A_234 : memref<1x2x64xf32, #tpu.memory_space<vmem>> -> memref<2x64xf32, #tpu.memory_space<vmem>>
          %dma_wait3A_236 = arith.constant 0 : i32
          %dma_wait3A_237 = tpu.memref_slice %arg3[%select_n3A, %dma_wait3A_236, %add3A_184] : memref<2x2x131072xf32, #tpu.memory_space<hbm>> -> memref<1x2x64xf32, #tpu.memory_space<hbm>>
          %dma_wait3A_238 = tpu.memref_squeeze %dma_wait3A_237 : memref<1x2x64xf32, #tpu.memory_space<hbm>> -> memref<2x64xf32, #tpu.memory_space<hbm>>
          tpu.wait_dma2 semaphore(%run_scoped3A_210 : memref<!tpu.dma_semaphore, #tpu.memory_space<semaphore_mem>>) src(%dma_wait3A_238 : memref<2x64xf32, #tpu.memory_space<hbm>>) dst(%dma_wait3A_235 : memref<2x64xf32, #tpu.memory_space<vmem>>)
          tpu.yield
        }) : () -> ()
        %scan3A_186 = arith.constant 0 : i32
        %scan3A_187 = arith.constant 0 : i32
        %scan3A_188 = arith.constant 0 : i32
        %scan3A_189 = arith.constant 0 : i32
        %scan3A_190 = arith.constant 4 : i32
        %scan3A_191 = arith.addi %scan3A_189, %scan3A_190 : i32
        %scan3A_192 = arith.constant 1 : i32
        %scan3A_193 = scf.for %scan3A_210 = %scan3A_189 to %scan3A_191 step %scan3A_192 iter_args(%scan3A_211 = %scan3A_188) -> (i32)  : i32 {
          %mul3A_212 = arith.constant 16 : i32
          %mul3A_213 = arith.muli %scan3A_210, %mul3A_212 : i32
          %get3A = arith.constant 0 : i32
          %get3A_214 = arith.constant 0 : i32
          %get3A_215 = arith.constant 0 : i32
          %get3A_216 = tpu.memref_slice %arg15[%scan3A_186, %get3A_214, %get3A_215] : memref<2x2x64xf32, #tpu.memory_space<vmem>> -> memref<1x2x64xf32, #tpu.memory_space<vmem>>
          %get3A_217 = tpu.memref_squeeze %get3A_216 : memref<1x2x64xf32, #tpu.memory_space<vmem>> -> memref<2x64xf32, #tpu.memory_space<vmem>>
          %get3A_218 = arith.index_cast %get3A : i32 to index
          %get3A_219 = arith.index_cast %mul3A_213 : i32 to index
          %get3A_220 = tpu.vector_load %get3A_217[%get3A_218, %get3A_219] {strides = array<i32>} : memref<2x64xf32, #tpu.memory_space<vmem>>, vector<16xf32>,
          %mul3A_221 = arith.constant 16 : i32
          %mul3A_222 = arith.muli %scan3A_210, %mul3A_221 : i32
          %get3A_223 = arith.constant 1 : i32
          %get3A_224 = arith.constant 0 : i32
          %get3A_225 = arith.constant 0 : i32
          %get3A_226 = tpu.memref_slice %arg15[%scan3A_186, %get3A_224, %get3A_225] : memref<2x2x64xf32, #tpu.memory_space<vmem>> -> memref<1x2x64xf32, #tpu.memory_space<vmem>>
          %get3A_227 = tpu.memref_squeeze %get3A_226 : memref<1x2x64xf32, #tpu.memory_space<vmem>> -> memref<2x64xf32, #tpu.memory_space<vmem>>
          %get3A_228 = arith.index_cast %get3A_223 : i32 to index
          %get3A_229 = arith.index_cast %mul3A_222 : i32 to index
          %get3A_230 = tpu.vector_load %get3A_227[%get3A_228, %get3A_229] {strides = array<i32>} : memref<2x64xf32, #tpu.memory_space<vmem>>, vector<16xf32>,
          %mul3A_231 = arith.constant 81.4873276 : f32
          %mul3A_232 = vector.broadcast %mul3A_231 : f32 to vector<16xf32>
          %mul3A_233 = arith.mulf %get3A_220, %mul3A_232 : vector<16xf32>
          %mul3A_234 = arith.constant 81.4873276 : f32
          %mul3A_235 = vector.broadcast %mul3A_234 : f32 to vector<16xf32>
          %mul3A_236 = arith.mulf %get3A_230, %mul3A_235 : vector<16xf32>
          %add3A_237 = arith.constant 5.090000e+02 : f32
          %add3A_238 = vector.broadcast %add3A_237 : f32 to vector<16xf32>
          %add3A_239 = arith.addf %mul3A_233, %add3A_238 : vector<16xf32>
          %convert_element_type3A_240 = arith.fptosi %add3A_239 : vector<16xf32> to vector<16xi32>
          %sub3A_241 = arith.constant 511 : i32
          %sub3A_242 = vector.broadcast %sub3A_241 : i32 to vector<16xi32>
          %sub3A_243 = arith.subi %convert_element_type3A_240, %sub3A_242 : vector<16xi32>
          %add3A_244 = arith.constant 5.090000e+02 : f32
          %add3A_245 = vector.broadcast %add3A_244 : f32 to vector<16xf32>
          %add3A_246 = arith.addf %mul3A_236, %add3A_245 : vector<16xf32>
          %convert_element_type3A_247 = arith.fptosi %add3A_246 : vector<16xf32> to vector<16xi32>
          %sub3A_248 = arith.constant 511 : i32
          %sub3A_249 = vector.broadcast %sub3A_248 : i32 to vector<16xi32>
          %sub3A_250 = arith.subi %convert_element_type3A_247, %sub3A_249 : vector<16xi32>
          %add3A_251 = arith.constant 512 : i32
          %add3A_252 = vector.broadcast %add3A_251 : i32 to vector<16xi32>
          %add3A_253 = arith.addi %sub3A_250, %add3A_252 : vector<16xi32>
          %rem3A_254 = arith.constant 512 : i32
          %rem3A_255 = vector.broadcast %rem3A_254 : i32 to vector<16xi32>
          %rem3A_256 = arith.remsi %add3A_253, %rem3A_255 : vector<16xi32>
          %scan3A_257 = arith.constant 0 : i32
          %scan3A_258 = arith.constant 0 : i32
          %scan3A_259 = arith.constant 6 : i32
          %scan3A_260 = arith.addi %scan3A_258, %scan3A_259 : i32
          %scan3A_261 = arith.constant 1 : i32
          %scan3A_262 = scf.for %scan3A_265 = %scan3A_258 to %scan3A_260 step %scan3A_261 iter_args(%scan3A_266 = %scan3A_257) -> (i32)  : i32 {
            %add3A_267 = arith.constant 512 : i32
            %add3A_268 = arith.addi %scan3A_265, %add3A_267 : i32
            %add3A_269 = vector.broadcast %add3A_268 : i32 to vector<16xi32>
            %add3A_270 = arith.addi %sub3A_243, %add3A_269 : vector<16xi32>
            %rem3A_271 = arith.constant 512 : i32
            %rem3A_272 = vector.broadcast %rem3A_271 : i32 to vector<16xi32>
            %rem3A_273 = arith.remsi %add3A_270, %rem3A_272 : vector<16xi32>
            %mul3A_274 = arith.constant 517 : i32
            %mul3A_275 = vector.broadcast %mul3A_274 : i32 to vector<16xi32>
            %mul3A_276 = arith.muli %rem3A_273, %mul3A_275 : vector<16xi32>
            %add3A_277 = vector.broadcast %mul3A_23 : i32 to vector<16xi32>
            %add3A_278 = arith.addi %add3A_277, %mul3A_276 : vector<16xi32>
            %add3A_279 = arith.addi %add3A_278, %rem3A_256 : vector<16xi32>
            %mul3A_280 = arith.constant 6 : i32
            %mul3A_281 = arith.muli %scan3A_265, %mul3A_280 : i32
            %add3A_282 = arith.constant 0 : i32
            %add3A_283 = vector.broadcast %add3A_282 : i32 to vector<16xi32>
            %add3A_284 = arith.addi %add3A_279, %add3A_283 : vector<16xi32>
            %add3A_285 = arith.constant 0 : i32
            %add3A_286 = arith.addi %mul3A_281, %add3A_285 : i32
            %mul3A_287 = arith.constant 64 : i32
            %mul3A_288 = arith.muli %add3A_286, %mul3A_287 : i32
            %mul3A_289 = arith.constant 16 : i32
            %mul3A_290 = arith.muli %scan3A_210, %mul3A_289 : i32
            %add3A_291 = arith.addi %mul3A_288, %mul3A_290 : i32
            %swap3A = arith.constant 0 : i32
            %swap3A_292 = tpu.memref_slice %arg18[%scan3A_187, %swap3A] : memref<2x2304xi32, #tpu.memory_space<vmem>> -> memref<1x2304xi32, #tpu.memory_space<vmem>>
            %swap3A_293 = tpu.memref_squeeze %swap3A_292 : memref<1x2304xi32, #tpu.memory_space<vmem>> -> memref<2304xi32, #tpu.memory_space<vmem>>
            %swap3A_294 = arith.index_cast %add3A_291 : i32 to index
            %swap3A_295 = tpu.vector_load %swap3A_293[%swap3A_294] {strides = array<i32>} : memref<2304xi32, #tpu.memory_space<vmem>>, vector<16xi32>,
            tpu.vector_store %swap3A_293[%swap3A_294], %add3A_284 {strides = array<i32>} : memref<2304xi32, #tpu.memory_space<vmem>>, vector<16xi32>,
            %add3A_296 = arith.constant 1 : i32
            %add3A_297 = vector.broadcast %add3A_296 : i32 to vector<16xi32>
            %add3A_298 = arith.addi %add3A_279, %add3A_297 : vector<16xi32>
            %add3A_299 = arith.constant 1 : i32
            %add3A_300 = arith.addi %mul3A_281, %add3A_299 : i32
            %mul3A_301 = arith.constant 64 : i32
            %mul3A_302 = arith.muli %add3A_300, %mul3A_301 : i32
            %mul3A_303 = arith.constant 16 : i32
            %mul3A_304 = arith.muli %scan3A_210, %mul3A_303 : i32
            %add3A_305 = arith.addi %mul3A_302, %mul3A_304 : i32
            %swap3A_306 = arith.constant 0 : i32
            %swap3A_307 = tpu.memref_slice %arg18[%scan3A_187, %swap3A_306] : memref<2x2304xi32, #tpu.memory_space<vmem>> -> memref<1x2304xi32, #tpu.memory_space<vmem>>
            %swap3A_308 = tpu.memref_squeeze %swap3A_307 : memref<1x2304xi32, #tpu.memory_space<vmem>> -> memref<2304xi32, #tpu.memory_space<vmem>>
            %swap3A_309 = arith.index_cast %add3A_305 : i32 to index
            %swap3A_310 = tpu.vector_load %swap3A_308[%swap3A_309] {strides = array<i32>} : memref<2304xi32, #tpu.memory_space<vmem>>, vector<16xi32>,
            tpu.vector_store %swap3A_308[%swap3A_309], %add3A_298 {strides = array<i32>} : memref<2304xi32, #tpu.memory_space<vmem>>, vector<16xi32>,
            %add3A_311 = arith.constant 2 : i32
            %add3A_312 = vector.broadcast %add3A_311 : i32 to vector<16xi32>
            %add3A_313 = arith.addi %add3A_279, %add3A_312 : vector<16xi32>
            %add3A_314 = arith.constant 2 : i32
            %add3A_315 = arith.addi %mul3A_281, %add3A_314 : i32
            %mul3A_316 = arith.constant 64 : i32
            %mul3A_317 = arith.muli %add3A_315, %mul3A_316 : i32
            %mul3A_318 = arith.constant 16 : i32
            %mul3A_319 = arith.muli %scan3A_210, %mul3A_318 : i32
            %add3A_320 = arith.addi %mul3A_317, %mul3A_319 : i32
            %swap3A_321 = arith.constant 0 : i32
            %swap3A_322 = tpu.memref_slice %arg18[%scan3A_187, %swap3A_321] : memref<2x2304xi32, #tpu.memory_space<vmem>> -> memref<1x2304xi32, #tpu.memory_space<vmem>>
            %swap3A_323 = tpu.memref_squeeze %swap3A_322 : memref<1x2304xi32, #tpu.memory_space<vmem>> -> memref<2304xi32, #tpu.memory_space<vmem>>
            %swap3A_324 = arith.index_cast %add3A_320 : i32 to index
            %swap3A_325 = tpu.vector_load %swap3A_323[%swap3A_324] {strides = array<i32>} : memref<2304xi32, #tpu.memory_space<vmem>>, vector<16xi32>,
            tpu.vector_store %swap3A_323[%swap3A_324], %add3A_313 {strides = array<i32>} : memref<2304xi32, #tpu.memory_space<vmem>>, vector<16xi32>,
            %add3A_326 = arith.constant 3 : i32
            %add3A_327 = vector.broadcast %add3A_326 : i32 to vector<16xi32>
            %add3A_328 = arith.addi %add3A_279, %add3A_327 : vector<16xi32>
            %add3A_329 = arith.constant 3 : i32
            %add3A_330 = arith.addi %mul3A_281, %add3A_329 : i32
            %mul3A_331 = arith.constant 64 : i32
            %mul3A_332 = arith.muli %add3A_330, %mul3A_331 : i32
            %mul3A_333 = arith.constant 16 : i32
            %mul3A_334 = arith.muli %scan3A_210, %mul3A_333 : i32
            %add3A_335 = arith.addi %mul3A_332, %mul3A_334 : i32
            %swap3A_336 = arith.constant 0 : i32
            %swap3A_337 = tpu.memref_slice %arg18[%scan3A_187, %swap3A_336] : memref<2x2304xi32, #tpu.memory_space<vmem>> -> memref<1x2304xi32, #tpu.memory_space<vmem>>
            %swap3A_338 = tpu.memref_squeeze %swap3A_337 : memref<1x2304xi32, #tpu.memory_space<vmem>> -> memref<2304xi32, #tpu.memory_space<vmem>>
            %swap3A_339 = arith.index_cast %add3A_335 : i32 to index
            %swap3A_340 = tpu.vector_load %swap3A_338[%swap3A_339] {strides = array<i32>} : memref<2304xi32, #tpu.memory_space<vmem>>, vector<16xi32>,
            tpu.vector_store %swap3A_338[%swap3A_339], %add3A_328 {strides = array<i32>} : memref<2304xi32, #tpu.memory_space<vmem>>, vector<16xi32>,
            %add3A_341 = arith.constant 4 : i32
            %add3A_342 = vector.broadcast %add3A_341 : i32 to vector<16xi32>
            %add3A_343 = arith.addi %add3A_279, %add3A_342 : vector<16xi32>
            %add3A_344 = arith.constant 4 : i32
            %add3A_345 = arith.addi %mul3A_281, %add3A_344 : i32
            %mul3A_346 = arith.constant 64 : i32
            %mul3A_347 = arith.muli %add3A_345, %mul3A_346 : i32
            %mul3A_348 = arith.constant 16 : i32
            %mul3A_349 = arith.muli %scan3A_210, %mul3A_348 : i32
            %add3A_350 = arith.addi %mul3A_347, %mul3A_349 : i32
            %swap3A_351 = arith.constant 0 : i32
            %swap3A_352 = tpu.memref_slice %arg18[%scan3A_187, %swap3A_351] : memref<2x2304xi32, #tpu.memory_space<vmem>> -> memref<1x2304xi32, #tpu.memory_space<vmem>>
            %swap3A_353 = tpu.memref_squeeze %swap3A_352 : memref<1x2304xi32, #tpu.memory_space<vmem>> -> memref<2304xi32, #tpu.memory_space<vmem>>
            %swap3A_354 = arith.index_cast %add3A_350 : i32 to index
            %swap3A_355 = tpu.vector_load %swap3A_353[%swap3A_354] {strides = array<i32>} : memref<2304xi32, #tpu.memory_space<vmem>>, vector<16xi32>,
            tpu.vector_store %swap3A_353[%swap3A_354], %add3A_343 {strides = array<i32>} : memref<2304xi32, #tpu.memory_space<vmem>>, vector<16xi32>,
            %add3A_356 = arith.constant 5 : i32
            %add3A_357 = vector.broadcast %add3A_356 : i32 to vector<16xi32>
            %add3A_358 = arith.addi %add3A_279, %add3A_357 : vector<16xi32>
            %add3A_359 = arith.constant 5 : i32
            %add3A_360 = arith.addi %mul3A_281, %add3A_359 : i32
            %mul3A_361 = arith.constant 64 : i32
            %mul3A_362 = arith.muli %add3A_360, %mul3A_361 : i32
            %mul3A_363 = arith.constant 16 : i32
            %mul3A_364 = arith.muli %scan3A_210, %mul3A_363 : i32
            %add3A_365 = arith.addi %mul3A_362, %mul3A_364 : i32
            %swap3A_366 = arith.constant 0 : i32
            %swap3A_367 = tpu.memref_slice %arg18[%scan3A_187, %swap3A_366] : memref<2x2304xi32, #tpu.memory_space<vmem>> -> memref<1x2304xi32, #tpu.memory_space<vmem>>
            %swap3A_368 = tpu.memref_squeeze %swap3A_367 : memref<1x2304xi32, #tpu.memory_space<vmem>> -> memref<2304xi32, #tpu.memory_space<vmem>>
            %swap3A_369 = arith.index_cast %add3A_365 : i32 to index
            %swap3A_370 = tpu.vector_load %swap3A_368[%swap3A_369] {strides = array<i32>} : memref<2304xi32, #tpu.memory_space<vmem>>, vector<16xi32>,
            tpu.vector_store %swap3A_368[%swap3A_369], %add3A_358 {strides = array<i32>} : memref<2304xi32, #tpu.memory_space<vmem>>, vector<16xi32>,
            %scan3A_371 = arith.constant 0 : i32
            scf.yield %scan3A_371 : i32
          }
          %scan3A_263 = arith.constant 6 : i32
          %scan3A_264 = arith.constant 0 : i32
          scf.yield %scan3A_264 : i32
        }
        %scan3A_194 = arith.constant 4 : i32
        %dma_start3A_195 = arith.constant 0 : i32
        %dma_start3A_196 = arith.constant 0 : i32
        %dma_start3A_197 = arith.constant 0 : i32
        %dma_start3A_198 = arith.constant 0 : i32
        %dma_start3A_199 = arith.constant 0 : i32
        %dma_start3A_200 = tpu.memref_slice %arg19[%dma_start3A_196, %dma_start3A_198, %dma_start3A_199] : memref<2x2304x16xf32, #tpu.memory_space<vmem>> -> memref<1x2304x16xf32, #tpu.memory_space<vmem>>
        %dma_start3A_201 = tpu.memref_squeeze %dma_start3A_200 : memref<1x2304x16xf32, #tpu.memory_space<vmem>> -> memref<2304x16xf32, #tpu.memory_space<vmem>>
        %dma_start3A_202 = arith.constant 0 : i32
        %dma_start3A_203 = tpu.memref_slice %arg18[%dma_start3A_195, %dma_start3A_202] : memref<2x2304xi32, #tpu.memory_space<vmem>> -> memref<1x2304xi32, #tpu.memory_space<vmem>>
        %dma_start3A_204 = tpu.memref_squeeze %dma_start3A_203 : memref<1x2304xi32, #tpu.memory_space<vmem>> -> memref<2304xi32, #tpu.memory_space<vmem>>
        %dma_start3A_205 = arith.constant 0 : i32
        %dma_start3A_206 = arith.constant 0 : i32
        %dma_start3A_207 = tpu.memref_slice %arg2[%dma_start3A_205, %dma_start3A_206] : memref<529408x16xf32, #tpu.memory_space<hbm>> -> memref<529408x16xf32, #tpu.memory_space<hbm>>
        %dma_start3A_208 = tpu.memref_slice %arg21[%dma_start3A_197] : memref<2x!tpu.dma_semaphore, #tpu.memory_space<semaphore_mem>> -> memref<1x!tpu.dma_semaphore, #tpu.memory_space<semaphore_mem>>
        %dma_start3A_209 = tpu.memref_squeeze %dma_start3A_208 : memref<1x!tpu.dma_semaphore, #tpu.memory_space<semaphore_mem>> -> memref<!tpu.dma_semaphore, #tpu.memory_space<semaphore_mem>>
        tpu.enqueue_indirect_dma source(%dma_start3A_207 : memref<529408x16xf32, #tpu.memory_space<hbm>>) target(%dma_start3A_201 : memref<2304x16xf32, #tpu.memory_space<vmem>>) offsets(%dma_start3A_204 : memref<2304xi32, #tpu.memory_space<vmem>>) semaphore(%dma_start3A_209 : memref<!tpu.dma_semaphore, #tpu.memory_space<semaphore_mem>>)
      } else {
      }
      %dma_wait3A_150 = arith.constant 1 : i32
      %dma_wait3A_151 = arith.constant 1 : i32
      %dma_wait3A_152 = arith.constant 1 : i32
      %dma_wait3A_153 = arith.constant 0 : i32
      %dma_wait3A_154 = arith.constant 0 : i32
      %dma_wait3A_155 = tpu.memref_slice %arg19[%dma_wait3A_151, %dma_wait3A_153, %dma_wait3A_154] : memref<2x2304x16xf32, #tpu.memory_space<vmem>> -> memref<1x2304x16xf32, #tpu.memory_space<vmem>>
      %dma_wait3A_156 = tpu.memref_squeeze %dma_wait3A_155 : memref<1x2304x16xf32, #tpu.memory_space<vmem>> -> memref<2304x16xf32, #tpu.memory_space<vmem>>
      %dma_wait3A_157 = arith.constant 0 : i32
      %dma_wait3A_158 = tpu.memref_slice %arg18[%dma_wait3A_150, %dma_wait3A_157] : memref<2x2304xi32, #tpu.memory_space<vmem>> -> memref<1x2304xi32, #tpu.memory_space<vmem>>
      %dma_wait3A_159 = tpu.memref_squeeze %dma_wait3A_158 : memref<1x2304xi32, #tpu.memory_space<vmem>> -> memref<2304xi32, #tpu.memory_space<vmem>>
      %dma_wait3A_160 = arith.constant 0 : i32
      %dma_wait3A_161 = arith.constant 0 : i32
      %dma_wait3A_162 = tpu.memref_slice %arg2[%dma_wait3A_160, %dma_wait3A_161] : memref<529408x16xf32, #tpu.memory_space<hbm>> -> memref<529408x16xf32, #tpu.memory_space<hbm>>
      %dma_wait3A_163 = tpu.memref_slice %arg21[%dma_wait3A_152] : memref<2x!tpu.dma_semaphore, #tpu.memory_space<semaphore_mem>> -> memref<1x!tpu.dma_semaphore, #tpu.memory_space<semaphore_mem>>
      %dma_wait3A_164 = tpu.memref_squeeze %dma_wait3A_163 : memref<1x!tpu.dma_semaphore, #tpu.memory_space<semaphore_mem>> -> memref<!tpu.dma_semaphore, #tpu.memory_space<semaphore_mem>>
      tpu.wait_indirect_dma semaphore(%dma_wait3A_164 : memref<!tpu.dma_semaphore, #tpu.memory_space<semaphore_mem>>) src(%dma_wait3A_162 : memref<529408x16xf32, #tpu.memory_space<hbm>>) dst(%dma_wait3A_156 : memref<2304x16xf32, #tpu.memory_space<vmem>>)
      %add3A_165 = arith.constant 1 : i32
      %add3A_166 = arith.addi %mul3A_89, %add3A_165 : i32
      %mul3A_167 = arith.constant 64 : i32
      %mul3A_168 = arith.muli %add3A_166, %mul3A_167 : i32
      %add3A_169 = arith.addi %mul3A_2, %mul3A_168 : i32
      "tpu.region"() ({
        %run_scoped3A_180 = tpu.sem_alloc : memref<!tpu.dma_semaphore, #tpu.memory_space<semaphore_mem>>
        %dma_start3A_181 = tpu.memref_slice %arg4[%add3A_169] : memref<262144xf32, #tpu.memory_space<hbm>> -> memref<64xf32, #tpu.memory_space<hbm>>
        %dma_start3A_182 = tpu.memref_slice %arg4[%add3A_169] : memref<262144xf32, #tpu.memory_space<hbm>> -> memref<64xf32, #tpu.memory_space<hbm>>
        tpu.enqueue_dma source(%dma_start3A_182 : memref<64xf32, #tpu.memory_space<hbm>>) target(%arg16 : memref<64xf32, #tpu.memory_space<vmem>>) target_semaphore(%run_scoped3A_180 : memref<!tpu.dma_semaphore, #tpu.memory_space<semaphore_mem>>)
        %dma_wait3A_183 = tpu.memref_slice %arg4[%add3A_169] : memref<262144xf32, #tpu.memory_space<hbm>> -> memref<64xf32, #tpu.memory_space<hbm>>
        %dma_wait3A_184 = tpu.memref_slice %arg4[%add3A_169] : memref<262144xf32, #tpu.memory_space<hbm>> -> memref<64xf32, #tpu.memory_space<hbm>>
        tpu.wait_dma2 semaphore(%run_scoped3A_180 : memref<!tpu.dma_semaphore, #tpu.memory_space<semaphore_mem>>) src(%dma_wait3A_184 : memref<64xf32, #tpu.memory_space<hbm>>) dst(%arg16 : memref<64xf32, #tpu.memory_space<vmem>>)
        tpu.yield
      }) : () -> ()
      "tpu.region"() ({
        %run_scoped3A_180 = tpu.sem_alloc : memref<!tpu.dma_semaphore, #tpu.memory_space<semaphore_mem>>
        %dma_start3A_181 = tpu.memref_slice %arg5[%add3A_169] : memref<262144xf32, #tpu.memory_space<hbm>> -> memref<64xf32, #tpu.memory_space<hbm>>
        %dma_start3A_182 = tpu.memref_slice %arg5[%add3A_169] : memref<262144xf32, #tpu.memory_space<hbm>> -> memref<64xf32, #tpu.memory_space<hbm>>
        tpu.enqueue_dma source(%dma_start3A_182 : memref<64xf32, #tpu.memory_space<hbm>>) target(%arg17 : memref<64xf32, #tpu.memory_space<vmem>>) target_semaphore(%run_scoped3A_180 : memref<!tpu.dma_semaphore, #tpu.memory_space<semaphore_mem>>)
        %dma_wait3A_183 = tpu.memref_slice %arg5[%add3A_169] : memref<262144xf32, #tpu.memory_space<hbm>> -> memref<64xf32, #tpu.memory_space<hbm>>
        %dma_wait3A_184 = tpu.memref_slice %arg5[%add3A_169] : memref<262144xf32, #tpu.memory_space<hbm>> -> memref<64xf32, #tpu.memory_space<hbm>>
        tpu.wait_dma2 semaphore(%run_scoped3A_180 : memref<!tpu.dma_semaphore, #tpu.memory_space<semaphore_mem>>) src(%dma_wait3A_184 : memref<64xf32, #tpu.memory_space<hbm>>) dst(%arg17 : memref<64xf32, #tpu.memory_space<vmem>>)
        tpu.yield
      }) : () -> ()
      %scan3A_170 = arith.constant 1 : i32
      %scan3A_171 = arith.constant 1 : i32
      %scan3A_172 = arith.constant 0 : i32
      %scan3A_173 = arith.constant 0 : i32
      %scan3A_174 = arith.constant 4 : i32
      %scan3A_175 = arith.addi %scan3A_173, %scan3A_174 : i32
      %scan3A_176 = arith.constant 1 : i32
      %scan3A_177 = scf.for %scan3A_180 = %scan3A_173 to %scan3A_175 step %scan3A_176 iter_args(%scan3A_181 = %scan3A_172) -> (i32)  : i32 {
        %mul3A_182 = arith.constant 16 : i32
        %mul3A_183 = arith.muli %scan3A_180, %mul3A_182 : i32
        %get3A = arith.constant 0 : i32
        %get3A_184 = arith.constant 0 : i32
        %get3A_185 = arith.constant 0 : i32
        %get3A_186 = tpu.memref_slice %arg15[%scan3A_170, %get3A_184, %get3A_185] : memref<2x2x64xf32, #tpu.memory_space<vmem>> -> memref<1x2x64xf32, #tpu.memory_space<vmem>>
        %get3A_187 = tpu.memref_squeeze %get3A_186 : memref<1x2x64xf32, #tpu.memory_space<vmem>> -> memref<2x64xf32, #tpu.memory_space<vmem>>
        %get3A_188 = arith.index_cast %get3A : i32 to index
        %get3A_189 = arith.index_cast %mul3A_183 : i32 to index
        %get3A_190 = tpu.vector_load %get3A_187[%get3A_188, %get3A_189] {strides = array<i32>} : memref<2x64xf32, #tpu.memory_space<vmem>>, vector<16xf32>,
        %mul3A_191 = arith.constant 16 : i32
        %mul3A_192 = arith.muli %scan3A_180, %mul3A_191 : i32
        %get3A_193 = arith.constant 1 : i32
        %get3A_194 = arith.constant 0 : i32
        %get3A_195 = arith.constant 0 : i32
        %get3A_196 = tpu.memref_slice %arg15[%scan3A_170, %get3A_194, %get3A_195] : memref<2x2x64xf32, #tpu.memory_space<vmem>> -> memref<1x2x64xf32, #tpu.memory_space<vmem>>
        %get3A_197 = tpu.memref_squeeze %get3A_196 : memref<1x2x64xf32, #tpu.memory_space<vmem>> -> memref<2x64xf32, #tpu.memory_space<vmem>>
        %get3A_198 = arith.index_cast %get3A_193 : i32 to index
        %get3A_199 = arith.index_cast %mul3A_192 : i32 to index
        %get3A_200 = tpu.vector_load %get3A_197[%get3A_198, %get3A_199] {strides = array<i32>} : memref<2x64xf32, #tpu.memory_space<vmem>>, vector<16xf32>,
        %mul3A_201 = arith.constant 81.4873276 : f32
        %mul3A_202 = vector.broadcast %mul3A_201 : f32 to vector<16xf32>
        %mul3A_203 = arith.mulf %get3A_190, %mul3A_202 : vector<16xf32>
        %mul3A_204 = arith.constant 81.4873276 : f32
        %mul3A_205 = vector.broadcast %mul3A_204 : f32 to vector<16xf32>
        %mul3A_206 = arith.mulf %get3A_200, %mul3A_205 : vector<16xf32>
        %add3A_207 = arith.constant 5.090000e+02 : f32
        %add3A_208 = vector.broadcast %add3A_207 : f32 to vector<16xf32>
        %add3A_209 = arith.addf %mul3A_203, %add3A_208 : vector<16xf32>
        %convert_element_type3A_210 = arith.fptosi %add3A_209 : vector<16xf32> to vector<16xi32>
        %sub3A_211 = arith.constant 511 : i32
        %sub3A_212 = vector.broadcast %sub3A_211 : i32 to vector<16xi32>
        %sub3A_213 = arith.subi %convert_element_type3A_210, %sub3A_212 : vector<16xi32>
        %add3A_214 = arith.constant 5.090000e+02 : f32
        %add3A_215 = vector.broadcast %add3A_214 : f32 to vector<16xf32>
        %add3A_216 = arith.addf %mul3A_206, %add3A_215 : vector<16xf32>
        %convert_element_type3A_217 = arith.fptosi %add3A_216 : vector<16xf32> to vector<16xi32>
        %sub3A_218 = arith.constant 511 : i32
        %sub3A_219 = vector.broadcast %sub3A_218 : i32 to vector<16xi32>
        %sub3A_220 = arith.subi %convert_element_type3A_217, %sub3A_219 : vector<16xi32>
        %convert_element_type3A_221 = arith.sitofp %sub3A_213 : vector<16xi32> to vector<16xf32>
        %convert_element_type3A_222 = arith.sitofp %sub3A_220 : vector<16xi32> to vector<16xf32>
        %sub3A_223 = arith.subf %mul3A_203, %convert_element_type3A_221 : vector<16xf32>
        %mul3A_224 = arith.constant 1.024000e+03 : f32
        %mul3A_225 = vector.broadcast %mul3A_224 : f32 to vector<16xf32>
        %mul3A_226 = arith.mulf %sub3A_223, %mul3A_225 : vector<16xf32>
        %add3A_227 = arith.constant 3.072500e+03 : f32
        %add3A_228 = vector.broadcast %add3A_227 : f32 to vector<16xf32>
        %add3A_229 = arith.addf %mul3A_226, %add3A_228 : vector<16xf32>
        %convert_element_type3A_230 = arith.fptosi %add3A_229 : vector<16xf32> to vector<16xi32>
        %sub3A_231 = arith.subf %mul3A_206, %convert_element_type3A_222 : vector<16xf32>
        %mul3A_232 = arith.constant 1.024000e+03 : f32
        %mul3A_233 = vector.broadcast %mul3A_232 : f32 to vector<16xf32>
        %mul3A_234 = arith.mulf %sub3A_231, %mul3A_233 : vector<16xf32>
        %add3A_235 = arith.constant 3.072500e+03 : f32
        %add3A_236 = vector.broadcast %add3A_235 : f32 to vector<16xf32>
        %add3A_237 = arith.addf %mul3A_234, %add3A_236 : vector<16xf32>
        %convert_element_type3A_238 = arith.fptosi %add3A_237 : vector<16xf32> to vector<16xi32>
        %broadcast_in_dim3A_239 = arith.constant 0.000000e+00 : f32
        %broadcast_in_dim3A_240 = vector.broadcast %broadcast_in_dim3A_239 : f32 to vector<16xf32>
        %scan3A_241 = arith.constant 0 : i32
        %scan3A_242 = arith.constant 36 : i32
        %scan3A_243 = arith.addi %scan3A_241, %scan3A_242 : i32
        %scan3A_244 = arith.constant 1 : i32
        %scan3A_245:16 = scf.for %scan3A_308 = %scan3A_241 to %scan3A_243 step %scan3A_244 iter_args(%scan3A_309 = %broadcast_in_dim3A_240, %scan3A_310 = %broadcast_in_dim3A_240, %scan3A_311 = %broadcast_in_dim3A_240, %scan3A_312 = %broadcast_in_dim3A_240, %scan3A_313 = %broadcast_in_dim3A_240, %scan3A_314 = %broadcast_in_dim3A_240, %scan3A_315 = %broadcast_in_dim3A_240, %scan3A_316 = %broadcast_in_dim3A_240, %scan3A_317 = %broadcast_in_dim3A_240, %scan3A_318 = %broadcast_in_dim3A_240, %scan3A_319 = %broadcast_in_dim3A_240, %scan3A_320 = %broadcast_in_dim3A_240, %scan3A_321 = %broadcast_in_dim3A_240, %scan3A_322 = %broadcast_in_dim3A_240, %scan3A_323 = %broadcast_in_dim3A_240, %scan3A_324 = %broadcast_in_dim3A_240) -> (vector<16xf32>, vector<16xf32>, vector<16xf32>, vector<16xf32>, vector<16xf32>, vector<16xf32>, vector<16xf32>, vector<16xf32>, vector<16xf32>, vector<16xf32>, vector<16xf32>, vector<16xf32>, vector<16xf32>, vector<16xf32>, vector<16xf32>, vector<16xf32>)  : i32 {
          %jit3A_325 = arith.constant 6 : i32
          %div3A_326 = arith.divsi %scan3A_308, %jit3A_325 : i32
          %sign3A_327 = arith.constant 0 : i32
          %sign3A_328 = arith.cmpi sgt, %scan3A_308, %sign3A_327 : i32
          %sign3A_329 = arith.extui %sign3A_328 : i1 to i32
          %sign3A_330 = arith.constant 0 : i32
          %sign3A_331 = arith.cmpi slt, %scan3A_308, %sign3A_330 : i32
          %sign3A_332 = arith.extui %sign3A_331 : i1 to i32
          %sign3A_333 = arith.subi %sign3A_329, %sign3A_332 : i32
          %sign3A_334 = arith.constant 0 : i32
          %sign3A_335 = arith.cmpi sgt, %jit3A_325, %sign3A_334 : i32
          %sign3A_336 = arith.extui %sign3A_335 : i1 to i32
          %sign3A_337 = arith.constant 0 : i32
          %sign3A_338 = arith.cmpi slt, %jit3A_325, %sign3A_337 : i32
          %sign3A_339 = arith.extui %sign3A_338 : i1 to i32
          %sign3A_340 = arith.subi %sign3A_336, %sign3A_339 : i32
          %ne3A_341 = arith.cmpi ne, %sign3A_333, %sign3A_340 : i32
          %rem3A_342 = arith.remsi %scan3A_308, %jit3A_325 : i32
          %ne3A_343 = arith.constant 0 : i32
          %ne3A_344 = arith.cmpi ne, %rem3A_342, %ne3A_343 : i32
          %and3A_345 = arith.andi %ne3A_341, %ne3A_344 : i1
          %sub3A_346 = arith.constant 1 : i32
          %sub3A_347 = arith.subi %div3A_326, %sub3A_346 : i32
          %select_n3A_348 = arith.select %and3A_345, %sub3A_347, %div3A_326 : i32
          %mul3A_349 = arith.constant 6 : i32
          %mul3A_350 = arith.muli %select_n3A_348, %mul3A_349 : i32
          %sub3A_351 = arith.subi %scan3A_308, %mul3A_350 : i32
          %mul3A_352 = arith.constant 1024 : i32
          %mul3A_353 = arith.muli %select_n3A_348, %mul3A_352 : i32
          %sub3A_354 = vector.broadcast %mul3A_353 : i32 to vector<16xi32>
          %sub3A_355 = arith.subi %convert_element_type3A_230, %sub3A_354 : vector<16xi32>
          %mul3A_356 = arith.constant 1024 : i32
          %mul3A_357 = arith.muli %sub3A_351, %mul3A_356 : i32
          %sub3A_358 = vector.broadcast %mul3A_357 : i32 to vector<16xi32>
          %sub3A_359 = arith.subi %convert_element_type3A_238, %sub3A_358 : vector<16xi32>
          %gather3A = tpu.vector_load_idx %arg11[%sub3A_355] : memref<6160xf32, #tpu.memory_space<vmem>>[vector<16xi32>], vector<16xf32>,
          %gather3A_360 = tpu.vector_load_idx %arg12[%sub3A_355] : memref<6160xf32, #tpu.memory_space<vmem>>[vector<16xi32>], vector<16xf32>,
          %gather3A_361 = tpu.vector_load_idx %arg13[%sub3A_359] : memref<6160xf32, #tpu.memory_space<vmem>>[vector<16xi32>], vector<16xf32>,
          %gather3A_362 = tpu.vector_load_idx %arg14[%sub3A_359] : memref<6160xf32, #tpu.memory_space<vmem>>[vector<16xi32>], vector<16xf32>,
          %mul3A_363 = arith.mulf %gather3A, %gather3A_361 : vector<16xf32>
          %mul3A_364 = arith.mulf %gather3A_360, %gather3A_362 : vector<16xf32>
          %sub3A_365 = arith.subf %mul3A_363, %mul3A_364 : vector<16xf32>
          %mul3A_366 = arith.mulf %gather3A, %gather3A_362 : vector<16xf32>
          %mul3A_367 = arith.mulf %gather3A_360, %gather3A_361 : vector<16xf32>
          %add3A_368 = arith.addf %mul3A_366, %mul3A_367 : vector<16xf32>
          %mul3A_369 = arith.constant 64 : i32
          %mul3A_370 = arith.muli %scan3A_308, %mul3A_369 : i32
          %mul3A_371 = arith.constant 16 : i32
          %mul3A_372 = arith.muli %scan3A_180, %mul3A_371 : i32
          %add3A_373 = arith.addi %mul3A_370, %mul3A_372 : i32
          %gather3A_374 = arith.constant 0 : i32
          %gather3A_375 = arith.constant 0 : i32
          %gather3A_376 = tpu.memref_slice %arg19[%scan3A_171, %gather3A_374, %gather3A_375] : memref<2x2304x16xf32, #tpu.memory_space<vmem>> -> memref<1x2304x16xf32, #tpu.memory_space<vmem>>
          %gather3A_377 = tpu.memref_squeeze %gather3A_376 : memref<1x2304x16xf32, #tpu.memory_space<vmem>> -> memref<2304x16xf32, #tpu.memory_space<vmem>>
          %gather3A_378 = arith.constant 0 : i32
          %gather3A_379 = tpu.memref_slice %gather3A_377[%add3A_373, %gather3A_378] : memref<2304x16xf32, #tpu.memory_space<vmem>> -> memref<16x16xf32, #tpu.memory_space<vmem>>
          %gather3A_380 = tpu.vector_load_idx %gather3A_379[%iota3A, %broadcast_in_dim3A_24] : memref<16x16xf32, #tpu.memory_space<vmem>>[vector<16xi32>, vector<16xi32>], vector<16xf32>,
          %gather3A_381 = arith.constant 0 : i32
          %gather3A_382 = arith.constant 0 : i32
          %gather3A_383 = tpu.memref_slice %arg19[%scan3A_171, %gather3A_381, %gather3A_382] : memref<2x2304x16xf32, #tpu.memory_space<vmem>> -> memref<1x2304x16xf32, #tpu.memory_space<vmem>>
          %gather3A_384 = tpu.memref_squeeze %gather3A_383 : memref<1x2304x16xf32, #tpu.memory_space<vmem>> -> memref<2304x16xf32, #tpu.memory_space<vmem>>
          %gather3A_385 = arith.constant 0 : i32
          %gather3A_386 = tpu.memref_slice %gather3A_384[%add3A_373, %gather3A_385] : memref<2304x16xf32, #tpu.memory_space<vmem>> -> memref<16x16xf32, #tpu.memory_space<vmem>>
          %gather3A_387 = tpu.vector_load_idx %gather3A_386[%iota3A, %broadcast_in_dim3A_26] : memref<16x16xf32, #tpu.memory_space<vmem>>[vector<16xi32>, vector<16xi32>], vector<16xf32>,
          %mul3A_388 = arith.mulf %sub3A_365, %gather3A_380 : vector<16xf32>
          %add3A_389 = arith.addf %scan3A_309, %mul3A_388 : vector<16xf32>
          %mul3A_390 = arith.mulf %add3A_368, %gather3A_387 : vector<16xf32>
          %sub3A_391 = arith.subf %add3A_389, %mul3A_390 : vector<16xf32>
          %mul3A_392 = arith.mulf %sub3A_365, %gather3A_387 : vector<16xf32>
          %add3A_393 = arith.addf %scan3A_310, %mul3A_392 : vector<16xf32>
          %mul3A_394 = arith.mulf %add3A_368, %gather3A_380 : vector<16xf32>
          %add3A_395 = arith.addf %add3A_393, %mul3A_394 : vector<16xf32>
          %gather3A_396 = arith.constant 0 : i32
          %gather3A_397 = arith.constant 0 : i32
          %gather3A_398 = tpu.memref_slice %arg19[%scan3A_171, %gather3A_396, %gather3A_397] : memref<2x2304x16xf32, #tpu.memory_space<vmem>> -> memref<1x2304x16xf32, #tpu.memory_space<vmem>>
          %gather3A_399 = tpu.memref_squeeze %gather3A_398 : memref<1x2304x16xf32, #tpu.memory_space<vmem>> -> memref<2304x16xf32, #tpu.memory_space<vmem>>
          %gather3A_400 = arith.constant 0 : i32
          %gather3A_401 = tpu.memref_slice %gather3A_399[%add3A_373, %gather3A_400] : memref<2304x16xf32, #tpu.memory_space<vmem>> -> memref<16x16xf32, #tpu.memory_space<vmem>>
          %gather3A_402 = tpu.vector_load_idx %gather3A_401[%iota3A, %broadcast_in_dim3A_28] : memref<16x16xf32, #tpu.memory_space<vmem>>[vector<16xi32>, vector<16xi32>], vector<16xf32>,
          %gather3A_403 = arith.constant 0 : i32
          %gather3A_404 = arith.constant 0 : i32
          %gather3A_405 = tpu.memref_slice %arg19[%scan3A_171, %gather3A_403, %gather3A_404] : memref<2x2304x16xf32, #tpu.memory_space<vmem>> -> memref<1x2304x16xf32, #tpu.memory_space<vmem>>
          %gather3A_406 = tpu.memref_squeeze %gather3A_405 : memref<1x2304x16xf32, #tpu.memory_space<vmem>> -> memref<2304x16xf32, #tpu.memory_space<vmem>>
          %gather3A_407 = arith.constant 0 : i32
          %gather3A_408 = tpu.memref_slice %gather3A_406[%add3A_373, %gather3A_407] : memref<2304x16xf32, #tpu.memory_space<vmem>> -> memref<16x16xf32, #tpu.memory_space<vmem>>
          %gather3A_409 = tpu.vector_load_idx %gather3A_408[%iota3A, %broadcast_in_dim3A_30] : memref<16x16xf32, #tpu.memory_space<vmem>>[vector<16xi32>, vector<16xi32>], vector<16xf32>,
          %mul3A_410 = arith.mulf %sub3A_365, %gather3A_402 : vector<16xf32>
          %add3A_411 = arith.addf %scan3A_311, %mul3A_410 : vector<16xf32>
          %mul3A_412 = arith.mulf %add3A_368, %gather3A_409 : vector<16xf32>
          %sub3A_413 = arith.subf %add3A_411, %mul3A_412 : vector<16xf32>
          %mul3A_414 = arith.mulf %sub3A_365, %gather3A_409 : vector<16xf32>
          %add3A_415 = arith.addf %scan3A_312, %mul3A_414 : vector<16xf32>
          %mul3A_416 = arith.mulf %add3A_368, %gather3A_402 : vector<16xf32>
          %add3A_417 = arith.addf %add3A_415, %mul3A_416 : vector<16xf32>
          %gather3A_418 = arith.constant 0 : i32
          %gather3A_419 = arith.constant 0 : i32
          %gather3A_420 = tpu.memref_slice %arg19[%scan3A_171, %gather3A_418, %gather3A_419] : memref<2x2304x16xf32, #tpu.memory_space<vmem>> -> memref<1x2304x16xf32, #tpu.memory_space<vmem>>
          %gather3A_421 = tpu.memref_squeeze %gather3A_420 : memref<1x2304x16xf32, #tpu.memory_space<vmem>> -> memref<2304x16xf32, #tpu.memory_space<vmem>>
          %gather3A_422 = arith.constant 0 : i32
          %gather3A_423 = tpu.memref_slice %gather3A_421[%add3A_373, %gather3A_422] : memref<2304x16xf32, #tpu.memory_space<vmem>> -> memref<16x16xf32, #tpu.memory_space<vmem>>
          %gather3A_424 = tpu.vector_load_idx %gather3A_423[%iota3A, %broadcast_in_dim3A_32] : memref<16x16xf32, #tpu.memory_space<vmem>>[vector<16xi32>, vector<16xi32>], vector<16xf32>,
          %gather3A_425 = arith.constant 0 : i32
          %gather3A_426 = arith.constant 0 : i32
          %gather3A_427 = tpu.memref_slice %arg19[%scan3A_171, %gather3A_425, %gather3A_426] : memref<2x2304x16xf32, #tpu.memory_space<vmem>> -> memref<1x2304x16xf32, #tpu.memory_space<vmem>>
          %gather3A_428 = tpu.memref_squeeze %gather3A_427 : memref<1x2304x16xf32, #tpu.memory_space<vmem>> -> memref<2304x16xf32, #tpu.memory_space<vmem>>
          %gather3A_429 = arith.constant 0 : i32
          %gather3A_430 = tpu.memref_slice %gather3A_428[%add3A_373, %gather3A_429] : memref<2304x16xf32, #tpu.memory_space<vmem>> -> memref<16x16xf32, #tpu.memory_space<vmem>>
          %gather3A_431 = tpu.vector_load_idx %gather3A_430[%iota3A, %broadcast_in_dim3A_34] : memref<16x16xf32, #tpu.memory_space<vmem>>[vector<16xi32>, vector<16xi32>], vector<16xf32>,
          %mul3A_432 = arith.mulf %sub3A_365, %gather3A_424 : vector<16xf32>
          %add3A_433 = arith.addf %scan3A_313, %mul3A_432 : vector<16xf32>
          %mul3A_434 = arith.mulf %add3A_368, %gather3A_431 : vector<16xf32>
          %sub3A_435 = arith.subf %add3A_433, %mul3A_434 : vector<16xf32>
          %mul3A_436 = arith.mulf %sub3A_365, %gather3A_431 : vector<16xf32>
          %add3A_437 = arith.addf %scan3A_314, %mul3A_436 : vector<16xf32>
          %mul3A_438 = arith.mulf %add3A_368, %gather3A_424 : vector<16xf32>
          %add3A_439 = arith.addf %add3A_437, %mul3A_438 : vector<16xf32>
          %gather3A_440 = arith.constant 0 : i32
          %gather3A_441 = arith.constant 0 : i32
          %gather3A_442 = tpu.memref_slice %arg19[%scan3A_171, %gather3A_440, %gather3A_441] : memref<2x2304x16xf32, #tpu.memory_space<vmem>> -> memref<1x2304x16xf32, #tpu.memory_space<vmem>>
          %gather3A_443 = tpu.memref_squeeze %gather3A_442 : memref<1x2304x16xf32, #tpu.memory_space<vmem>> -> memref<2304x16xf32, #tpu.memory_space<vmem>>
          %gather3A_444 = arith.constant 0 : i32
          %gather3A_445 = tpu.memref_slice %gather3A_443[%add3A_373, %gather3A_444] : memref<2304x16xf32, #tpu.memory_space<vmem>> -> memref<16x16xf32, #tpu.memory_space<vmem>>
          %gather3A_446 = tpu.vector_load_idx %gather3A_445[%iota3A, %broadcast_in_dim3A_36] : memref<16x16xf32, #tpu.memory_space<vmem>>[vector<16xi32>, vector<16xi32>], vector<16xf32>,
          %gather3A_447 = arith.constant 0 : i32
          %gather3A_448 = arith.constant 0 : i32
          %gather3A_449 = tpu.memref_slice %arg19[%scan3A_171, %gather3A_447, %gather3A_448] : memref<2x2304x16xf32, #tpu.memory_space<vmem>> -> memref<1x2304x16xf32, #tpu.memory_space<vmem>>
          %gather3A_450 = tpu.memref_squeeze %gather3A_449 : memref<1x2304x16xf32, #tpu.memory_space<vmem>> -> memref<2304x16xf32, #tpu.memory_space<vmem>>
          %gather3A_451 = arith.constant 0 : i32
          %gather3A_452 = tpu.memref_slice %gather3A_450[%add3A_373, %gather3A_451] : memref<2304x16xf32, #tpu.memory_space<vmem>> -> memref<16x16xf32, #tpu.memory_space<vmem>>
          %gather3A_453 = tpu.vector_load_idx %gather3A_452[%iota3A, %broadcast_in_dim3A_38] : memref<16x16xf32, #tpu.memory_space<vmem>>[vector<16xi32>, vector<16xi32>], vector<16xf32>,
          %mul3A_454 = arith.mulf %sub3A_365, %gather3A_446 : vector<16xf32>
          %add3A_455 = arith.addf %scan3A_315, %mul3A_454 : vector<16xf32>
          %mul3A_456 = arith.mulf %add3A_368, %gather3A_453 : vector<16xf32>
          %sub3A_457 = arith.subf %add3A_455, %mul3A_456 : vector<16xf32>
          %mul3A_458 = arith.mulf %sub3A_365, %gather3A_453 : vector<16xf32>
          %add3A_459 = arith.addf %scan3A_316, %mul3A_458 : vector<16xf32>
          %mul3A_460 = arith.mulf %add3A_368, %gather3A_446 : vector<16xf32>
          %add3A_461 = arith.addf %add3A_459, %mul3A_460 : vector<16xf32>
          %gather3A_462 = arith.constant 0 : i32
          %gather3A_463 = arith.constant 0 : i32
          %gather3A_464 = tpu.memref_slice %arg19[%scan3A_171, %gather3A_462, %gather3A_463] : memref<2x2304x16xf32, #tpu.memory_space<vmem>> -> memref<1x2304x16xf32, #tpu.memory_space<vmem>>
          %gather3A_465 = tpu.memref_squeeze %gather3A_464 : memref<1x2304x16xf32, #tpu.memory_space<vmem>> -> memref<2304x16xf32, #tpu.memory_space<vmem>>
          %gather3A_466 = arith.constant 0 : i32
          %gather3A_467 = tpu.memref_slice %gather3A_465[%add3A_373, %gather3A_466] : memref<2304x16xf32, #tpu.memory_space<vmem>> -> memref<16x16xf32, #tpu.memory_space<vmem>>
          %gather3A_468 = tpu.vector_load_idx %gather3A_467[%iota3A, %broadcast_in_dim3A_40] : memref<16x16xf32, #tpu.memory_space<vmem>>[vector<16xi32>, vector<16xi32>], vector<16xf32>,
          %gather3A_469 = arith.constant 0 : i32
          %gather3A_470 = arith.constant 0 : i32
          %gather3A_471 = tpu.memref_slice %arg19[%scan3A_171, %gather3A_469, %gather3A_470] : memref<2x2304x16xf32, #tpu.memory_space<vmem>> -> memref<1x2304x16xf32, #tpu.memory_space<vmem>>
          %gather3A_472 = tpu.memref_squeeze %gather3A_471 : memref<1x2304x16xf32, #tpu.memory_space<vmem>> -> memref<2304x16xf32, #tpu.memory_space<vmem>>
          %gather3A_473 = arith.constant 0 : i32
          %gather3A_474 = tpu.memref_slice %gather3A_472[%add3A_373, %gather3A_473] : memref<2304x16xf32, #tpu.memory_space<vmem>> -> memref<16x16xf32, #tpu.memory_space<vmem>>
          %gather3A_475 = tpu.vector_load_idx %gather3A_474[%iota3A, %broadcast_in_dim3A_42] : memref<16x16xf32, #tpu.memory_space<vmem>>[vector<16xi32>, vector<16xi32>], vector<16xf32>,
          %mul3A_476 = arith.mulf %sub3A_365, %gather3A_468 : vector<16xf32>
          %add3A_477 = arith.addf %scan3A_317, %mul3A_476 : vector<16xf32>
          %mul3A_478 = arith.mulf %add3A_368, %gather3A_475 : vector<16xf32>
          %sub3A_479 = arith.subf %add3A_477, %mul3A_478 : vector<16xf32>
          %mul3A_480 = arith.mulf %sub3A_365, %gather3A_475 : vector<16xf32>
          %add3A_481 = arith.addf %scan3A_318, %mul3A_480 : vector<16xf32>
          %mul3A_482 = arith.mulf %add3A_368, %gather3A_468 : vector<16xf32>
          %add3A_483 = arith.addf %add3A_481, %mul3A_482 : vector<16xf32>
          %gather3A_484 = arith.constant 0 : i32
          %gather3A_485 = arith.constant 0 : i32
          %gather3A_486 = tpu.memref_slice %arg19[%scan3A_171, %gather3A_484, %gather3A_485] : memref<2x2304x16xf32, #tpu.memory_space<vmem>> -> memref<1x2304x16xf32, #tpu.memory_space<vmem>>
          %gather3A_487 = tpu.memref_squeeze %gather3A_486 : memref<1x2304x16xf32, #tpu.memory_space<vmem>> -> memref<2304x16xf32, #tpu.memory_space<vmem>>
          %gather3A_488 = arith.constant 0 : i32
          %gather3A_489 = tpu.memref_slice %gather3A_487[%add3A_373, %gather3A_488] : memref<2304x16xf32, #tpu.memory_space<vmem>> -> memref<16x16xf32, #tpu.memory_space<vmem>>
          %gather3A_490 = tpu.vector_load_idx %gather3A_489[%iota3A, %broadcast_in_dim3A_44] : memref<16x16xf32, #tpu.memory_space<vmem>>[vector<16xi32>, vector<16xi32>], vector<16xf32>,
          %gather3A_491 = arith.constant 0 : i32
          %gather3A_492 = arith.constant 0 : i32
          %gather3A_493 = tpu.memref_slice %arg19[%scan3A_171, %gather3A_491, %gather3A_492] : memref<2x2304x16xf32, #tpu.memory_space<vmem>> -> memref<1x2304x16xf32, #tpu.memory_space<vmem>>
          %gather3A_494 = tpu.memref_squeeze %gather3A_493 : memref<1x2304x16xf32, #tpu.memory_space<vmem>> -> memref<2304x16xf32, #tpu.memory_space<vmem>>
          %gather3A_495 = arith.constant 0 : i32
          %gather3A_496 = tpu.memref_slice %gather3A_494[%add3A_373, %gather3A_495] : memref<2304x16xf32, #tpu.memory_space<vmem>> -> memref<16x16xf32, #tpu.memory_space<vmem>>
          %gather3A_497 = tpu.vector_load_idx %gather3A_496[%iota3A, %broadcast_in_dim3A_46] : memref<16x16xf32, #tpu.memory_space<vmem>>[vector<16xi32>, vector<16xi32>], vector<16xf32>,
          %mul3A_498 = arith.mulf %sub3A_365, %gather3A_490 : vector<16xf32>
          %add3A_499 = arith.addf %scan3A_319, %mul3A_498 : vector<16xf32>
          %mul3A_500 = arith.mulf %add3A_368, %gather3A_497 : vector<16xf32>
          %sub3A_501 = arith.subf %add3A_499, %mul3A_500 : vector<16xf32>
          %mul3A_502 = arith.mulf %sub3A_365, %gather3A_497 : vector<16xf32>
          %add3A_503 = arith.addf %scan3A_320, %mul3A_502 : vector<16xf32>
          %mul3A_504 = arith.mulf %add3A_368, %gather3A_490 : vector<16xf32>
          %add3A_505 = arith.addf %add3A_503, %mul3A_504 : vector<16xf32>
          %gather3A_506 = arith.constant 0 : i32
          %gather3A_507 = arith.constant 0 : i32
          %gather3A_508 = tpu.memref_slice %arg19[%scan3A_171, %gather3A_506, %gather3A_507] : memref<2x2304x16xf32, #tpu.memory_space<vmem>> -> memref<1x2304x16xf32, #tpu.memory_space<vmem>>
          %gather3A_509 = tpu.memref_squeeze %gather3A_508 : memref<1x2304x16xf32, #tpu.memory_space<vmem>> -> memref<2304x16xf32, #tpu.memory_space<vmem>>
          %gather3A_510 = arith.constant 0 : i32
          %gather3A_511 = tpu.memref_slice %gather3A_509[%add3A_373, %gather3A_510] : memref<2304x16xf32, #tpu.memory_space<vmem>> -> memref<16x16xf32, #tpu.memory_space<vmem>>
          %gather3A_512 = tpu.vector_load_idx %gather3A_511[%iota3A, %broadcast_in_dim3A_48] : memref<16x16xf32, #tpu.memory_space<vmem>>[vector<16xi32>, vector<16xi32>], vector<16xf32>,
          %gather3A_513 = arith.constant 0 : i32
          %gather3A_514 = arith.constant 0 : i32
          %gather3A_515 = tpu.memref_slice %arg19[%scan3A_171, %gather3A_513, %gather3A_514] : memref<2x2304x16xf32, #tpu.memory_space<vmem>> -> memref<1x2304x16xf32, #tpu.memory_space<vmem>>
          %gather3A_516 = tpu.memref_squeeze %gather3A_515 : memref<1x2304x16xf32, #tpu.memory_space<vmem>> -> memref<2304x16xf32, #tpu.memory_space<vmem>>
          %gather3A_517 = arith.constant 0 : i32
          %gather3A_518 = tpu.memref_slice %gather3A_516[%add3A_373, %gather3A_517] : memref<2304x16xf32, #tpu.memory_space<vmem>> -> memref<16x16xf32, #tpu.memory_space<vmem>>
          %gather3A_519 = tpu.vector_load_idx %gather3A_518[%iota3A, %broadcast_in_dim3A_50] : memref<16x16xf32, #tpu.memory_space<vmem>>[vector<16xi32>, vector<16xi32>], vector<16xf32>,
          %mul3A_520 = arith.mulf %sub3A_365, %gather3A_512 : vector<16xf32>
          %add3A_521 = arith.addf %scan3A_321, %mul3A_520 : vector<16xf32>
          %mul3A_522 = arith.mulf %add3A_368, %gather3A_519 : vector<16xf32>
          %sub3A_523 = arith.subf %add3A_521, %mul3A_522 : vector<16xf32>
          %mul3A_524 = arith.mulf %sub3A_365, %gather3A_519 : vector<16xf32>
          %add3A_525 = arith.addf %scan3A_322, %mul3A_524 : vector<16xf32>
          %mul3A_526 = arith.mulf %add3A_368, %gather3A_512 : vector<16xf32>
          %add3A_527 = arith.addf %add3A_525, %mul3A_526 : vector<16xf32>
          %gather3A_528 = arith.constant 0 : i32
          %gather3A_529 = arith.constant 0 : i32
          %gather3A_530 = tpu.memref_slice %arg19[%scan3A_171, %gather3A_528, %gather3A_529] : memref<2x2304x16xf32, #tpu.memory_space<vmem>> -> memref<1x2304x16xf32, #tpu.memory_space<vmem>>
          %gather3A_531 = tpu.memref_squeeze %gather3A_530 : memref<1x2304x16xf32, #tpu.memory_space<vmem>> -> memref<2304x16xf32, #tpu.memory_space<vmem>>
          %gather3A_532 = arith.constant 0 : i32
          %gather3A_533 = tpu.memref_slice %gather3A_531[%add3A_373, %gather3A_532] : memref<2304x16xf32, #tpu.memory_space<vmem>> -> memref<16x16xf32, #tpu.memory_space<vmem>>
          %gather3A_534 = tpu.vector_load_idx %gather3A_533[%iota3A, %broadcast_in_dim3A_52] : memref<16x16xf32, #tpu.memory_space<vmem>>[vector<16xi32>, vector<16xi32>], vector<16xf32>,
          %gather3A_535 = arith.constant 0 : i32
          %gather3A_536 = arith.constant 0 : i32
          %gather3A_537 = tpu.memref_slice %arg19[%scan3A_171, %gather3A_535, %gather3A_536] : memref<2x2304x16xf32, #tpu.memory_space<vmem>> -> memref<1x2304x16xf32, #tpu.memory_space<vmem>>
          %gather3A_538 = tpu.memref_squeeze %gather3A_537 : memref<1x2304x16xf32, #tpu.memory_space<vmem>> -> memref<2304x16xf32, #tpu.memory_space<vmem>>
          %gather3A_539 = arith.constant 0 : i32
          %gather3A_540 = tpu.memref_slice %gather3A_538[%add3A_373, %gather3A_539] : memref<2304x16xf32, #tpu.memory_space<vmem>> -> memref<16x16xf32, #tpu.memory_space<vmem>>
          %gather3A_541 = tpu.vector_load_idx %gather3A_540[%iota3A, %broadcast_in_dim3A_54] : memref<16x16xf32, #tpu.memory_space<vmem>>[vector<16xi32>, vector<16xi32>], vector<16xf32>,
          %mul3A_542 = arith.mulf %sub3A_365, %gather3A_534 : vector<16xf32>
          %add3A_543 = arith.addf %scan3A_323, %mul3A_542 : vector<16xf32>
          %mul3A_544 = arith.mulf %add3A_368, %gather3A_541 : vector<16xf32>
          %sub3A_545 = arith.subf %add3A_543, %mul3A_544 : vector<16xf32>
          %mul3A_546 = arith.mulf %sub3A_365, %gather3A_541 : vector<16xf32>
          %add3A_547 = arith.addf %scan3A_324, %mul3A_546 : vector<16xf32>
          %mul3A_548 = arith.mulf %add3A_368, %gather3A_534 : vector<16xf32>
          %add3A_549 = arith.addf %add3A_547, %mul3A_548 : vector<16xf32>
          scf.yield %sub3A_391, %add3A_395, %sub3A_413, %add3A_417, %sub3A_435, %add3A_439, %sub3A_457, %add3A_461, %sub3A_479, %add3A_483, %sub3A_501, %add3A_505, %sub3A_523, %add3A_527, %sub3A_545, %add3A_549 : vector<16xf32>, vector<16xf32>, vector<16xf32>, vector<16xf32>, vector<16xf32>, vector<16xf32>, vector<16xf32>, vector<16xf32>, vector<16xf32>, vector<16xf32>, vector<16xf32>, vector<16xf32>, vector<16xf32>, vector<16xf32>, vector<16xf32>, vector<16xf32>
        }
        %scan3A_246 = arith.constant 36 : i32
        %mul3A_247 = arith.constant 16 : i32
        %mul3A_248 = arith.muli %scan3A_180, %mul3A_247 : i32
        %get3A_249 = arith.index_cast %mul3A_248 : i32 to index
        %get3A_250 = tpu.vector_load %arg16[%get3A_249] {strides = array<i32>} : memref<64xf32, #tpu.memory_space<vmem>>, vector<16xf32>,
        %mul3A_251 = arith.constant 16 : i32
        %mul3A_252 = arith.muli %scan3A_180, %mul3A_251 : i32
        %get3A_253 = arith.index_cast %mul3A_252 : i32 to index
        %get3A_254 = tpu.vector_load %arg17[%get3A_253] {strides = array<i32>} : memref<64xf32, #tpu.memory_space<vmem>>, vector<16xf32>,
        %mul3A_255 = arith.constant 16 : i32
        %mul3A_256 = arith.muli %scan3A_180, %mul3A_255 : i32
        %add3A_257 = vector.broadcast %mul3A_256 : i32 to vector<16xi32>
        %add3A_258 = arith.addi %iota3A, %add3A_257 : vector<16xi32>
        %mul3A_259 = arith.mulf %scan3A_245#0, %get3A_250 : vector<16xf32>
        %mul3A_260 = arith.mulf %scan3A_245#1, %get3A_254 : vector<16xf32>
        %sub3A_261 = arith.subf %mul3A_259, %mul3A_260 : vector<16xf32>
        tpu.vector_store_idx %arg20[%add3A_258, %broadcast_in_dim3A_24], %sub3A_261 : memref<64x16xf32, #tpu.memory_space<vmem>>[vector<16xi32>, vector<16xi32>], vector<16xf32>,
        %mul3A_262 = arith.mulf %scan3A_245#0, %get3A_254 : vector<16xf32>
        %mul3A_263 = arith.mulf %scan3A_245#1, %get3A_250 : vector<16xf32>
        %add3A_264 = arith.addf %mul3A_262, %mul3A_263 : vector<16xf32>
        tpu.vector_store_idx %arg20[%add3A_258, %broadcast_in_dim3A_26], %add3A_264 : memref<64x16xf32, #tpu.memory_space<vmem>>[vector<16xi32>, vector<16xi32>], vector<16xf32>,
        %mul3A_265 = arith.mulf %scan3A_245#2, %get3A_250 : vector<16xf32>
        %mul3A_266 = arith.mulf %scan3A_245#3, %get3A_254 : vector<16xf32>
        %sub3A_267 = arith.subf %mul3A_265, %mul3A_266 : vector<16xf32>
        tpu.vector_store_idx %arg20[%add3A_258, %broadcast_in_dim3A_28], %sub3A_267 : memref<64x16xf32, #tpu.memory_space<vmem>>[vector<16xi32>, vector<16xi32>], vector<16xf32>,
        %mul3A_268 = arith.mulf %scan3A_245#2, %get3A_254 : vector<16xf32>
        %mul3A_269 = arith.mulf %scan3A_245#3, %get3A_250 : vector<16xf32>
        %add3A_270 = arith.addf %mul3A_268, %mul3A_269 : vector<16xf32>
        tpu.vector_store_idx %arg20[%add3A_258, %broadcast_in_dim3A_30], %add3A_270 : memref<64x16xf32, #tpu.memory_space<vmem>>[vector<16xi32>, vector<16xi32>], vector<16xf32>,
        %mul3A_271 = arith.mulf %scan3A_245#4, %get3A_250 : vector<16xf32>
        %mul3A_272 = arith.mulf %scan3A_245#5, %get3A_254 : vector<16xf32>
        %sub3A_273 = arith.subf %mul3A_271, %mul3A_272 : vector<16xf32>
        tpu.vector_store_idx %arg20[%add3A_258, %broadcast_in_dim3A_32], %sub3A_273 : memref<64x16xf32, #tpu.memory_space<vmem>>[vector<16xi32>, vector<16xi32>], vector<16xf32>,
        %mul3A_274 = arith.mulf %scan3A_245#4, %get3A_254 : vector<16xf32>
        %mul3A_275 = arith.mulf %scan3A_245#5, %get3A_250 : vector<16xf32>
        %add3A_276 = arith.addf %mul3A_274, %mul3A_275 : vector<16xf32>
        tpu.vector_store_idx %arg20[%add3A_258, %broadcast_in_dim3A_34], %add3A_276 : memref<64x16xf32, #tpu.memory_space<vmem>>[vector<16xi32>, vector<16xi32>], vector<16xf32>,
        %mul3A_277 = arith.mulf %scan3A_245#6, %get3A_250 : vector<16xf32>
        %mul3A_278 = arith.mulf %scan3A_245#7, %get3A_254 : vector<16xf32>
        %sub3A_279 = arith.subf %mul3A_277, %mul3A_278 : vector<16xf32>
        tpu.vector_store_idx %arg20[%add3A_258, %broadcast_in_dim3A_36], %sub3A_279 : memref<64x16xf32, #tpu.memory_space<vmem>>[vector<16xi32>, vector<16xi32>], vector<16xf32>,
        %mul3A_280 = arith.mulf %scan3A_245#6, %get3A_254 : vector<16xf32>
        %mul3A_281 = arith.mulf %scan3A_245#7, %get3A_250 : vector<16xf32>
        %add3A_282 = arith.addf %mul3A_280, %mul3A_281 : vector<16xf32>
        tpu.vector_store_idx %arg20[%add3A_258, %broadcast_in_dim3A_38], %add3A_282 : memref<64x16xf32, #tpu.memory_space<vmem>>[vector<16xi32>, vector<16xi32>], vector<16xf32>,
        %mul3A_283 = arith.mulf %scan3A_245#8, %get3A_250 : vector<16xf32>
        %mul3A_284 = arith.mulf %scan3A_245#9, %get3A_254 : vector<16xf32>
        %sub3A_285 = arith.subf %mul3A_283, %mul3A_284 : vector<16xf32>
        tpu.vector_store_idx %arg20[%add3A_258, %broadcast_in_dim3A_40], %sub3A_285 : memref<64x16xf32, #tpu.memory_space<vmem>>[vector<16xi32>, vector<16xi32>], vector<16xf32>,
        %mul3A_286 = arith.mulf %scan3A_245#8, %get3A_254 : vector<16xf32>
        %mul3A_287 = arith.mulf %scan3A_245#9, %get3A_250 : vector<16xf32>
        %add3A_288 = arith.addf %mul3A_286, %mul3A_287 : vector<16xf32>
        tpu.vector_store_idx %arg20[%add3A_258, %broadcast_in_dim3A_42], %add3A_288 : memref<64x16xf32, #tpu.memory_space<vmem>>[vector<16xi32>, vector<16xi32>], vector<16xf32>,
        %mul3A_289 = arith.mulf %scan3A_245#10, %get3A_250 : vector<16xf32>
        %mul3A_290 = arith.mulf %scan3A_245#11, %get3A_254 : vector<16xf32>
        %sub3A_291 = arith.subf %mul3A_289, %mul3A_290 : vector<16xf32>
        tpu.vector_store_idx %arg20[%add3A_258, %broadcast_in_dim3A_44], %sub3A_291 : memref<64x16xf32, #tpu.memory_space<vmem>>[vector<16xi32>, vector<16xi32>], vector<16xf32>,
        %mul3A_292 = arith.mulf %scan3A_245#10, %get3A_254 : vector<16xf32>
        %mul3A_293 = arith.mulf %scan3A_245#11, %get3A_250 : vector<16xf32>
        %add3A_294 = arith.addf %mul3A_292, %mul3A_293 : vector<16xf32>
        tpu.vector_store_idx %arg20[%add3A_258, %broadcast_in_dim3A_46], %add3A_294 : memref<64x16xf32, #tpu.memory_space<vmem>>[vector<16xi32>, vector<16xi32>], vector<16xf32>,
        %mul3A_295 = arith.mulf %scan3A_245#12, %get3A_250 : vector<16xf32>
        %mul3A_296 = arith.mulf %scan3A_245#13, %get3A_254 : vector<16xf32>
        %sub3A_297 = arith.subf %mul3A_295, %mul3A_296 : vector<16xf32>
        tpu.vector_store_idx %arg20[%add3A_258, %broadcast_in_dim3A_48], %sub3A_297 : memref<64x16xf32, #tpu.memory_space<vmem>>[vector<16xi32>, vector<16xi32>], vector<16xf32>,
        %mul3A_298 = arith.mulf %scan3A_245#12, %get3A_254 : vector<16xf32>
        %mul3A_299 = arith.mulf %scan3A_245#13, %get3A_250 : vector<16xf32>
        %add3A_300 = arith.addf %mul3A_298, %mul3A_299 : vector<16xf32>
        tpu.vector_store_idx %arg20[%add3A_258, %broadcast_in_dim3A_50], %add3A_300 : memref<64x16xf32, #tpu.memory_space<vmem>>[vector<16xi32>, vector<16xi32>], vector<16xf32>,
        %mul3A_301 = arith.mulf %scan3A_245#14, %get3A_250 : vector<16xf32>
        %mul3A_302 = arith.mulf %scan3A_245#15, %get3A_254 : vector<16xf32>
        %sub3A_303 = arith.subf %mul3A_301, %mul3A_302 : vector<16xf32>
        tpu.vector_store_idx %arg20[%add3A_258, %broadcast_in_dim3A_52], %sub3A_303 : memref<64x16xf32, #tpu.memory_space<vmem>>[vector<16xi32>, vector<16xi32>], vector<16xf32>,
        %mul3A_304 = arith.mulf %scan3A_245#14, %get3A_254 : vector<16xf32>
        %mul3A_305 = arith.mulf %scan3A_245#15, %get3A_250 : vector<16xf32>
        %add3A_306 = arith.addf %mul3A_304, %mul3A_305 : vector<16xf32>
        tpu.vector_store_idx %arg20[%add3A_258, %broadcast_in_dim3A_54], %add3A_306 : memref<64x16xf32, #tpu.memory_space<vmem>>[vector<16xi32>, vector<16xi32>], vector<16xf32>,
        %scan3A_307 = arith.constant 0 : i32
        scf.yield %scan3A_307 : i32
      }
      %scan3A_178 = arith.constant 4 : i32
      "tpu.region"() ({
        %run_scoped3A_180 = tpu.sem_alloc : memref<!tpu.dma_semaphore, #tpu.memory_space<semaphore_mem>>
        %dma_start3A_181 = arith.constant 0 : i32
        %dma_start3A_182 = tpu.memref_slice %arg10[%add3A_169, %dma_start3A_181] : memref<262144x16xf32, #tpu.memory_space<hbm>> -> memref<64x16xf32, #tpu.memory_space<hbm>>
        %dma_start3A_183 = arith.constant 0 : i32
        %dma_start3A_184 = tpu.memref_slice %arg10[%add3A_169, %dma_start3A_183] : memref<262144x16xf32, #tpu.memory_space<hbm>> -> memref<64x16xf32, #tpu.memory_space<hbm>>
        tpu.enqueue_dma source(%arg20 : memref<64x16xf32, #tpu.memory_space<vmem>>) target(%dma_start3A_184 : memref<64x16xf32, #tpu.memory_space<hbm>>) target_semaphore(%run_scoped3A_180 : memref<!tpu.dma_semaphore, #tpu.memory_space<semaphore_mem>>)
        %dma_wait3A_185 = arith.constant 0 : i32
        %dma_wait3A_186 = tpu.memref_slice %arg10[%add3A_169, %dma_wait3A_185] : memref<262144x16xf32, #tpu.memory_space<hbm>> -> memref<64x16xf32, #tpu.memory_space<hbm>>
        %dma_wait3A_187 = arith.constant 0 : i32
        %dma_wait3A_188 = tpu.memref_slice %arg10[%add3A_169, %dma_wait3A_187] : memref<262144x16xf32, #tpu.memory_space<hbm>> -> memref<64x16xf32, #tpu.memory_space<hbm>>
        tpu.wait_dma2 semaphore(%run_scoped3A_180 : memref<!tpu.dma_semaphore, #tpu.memory_space<semaphore_mem>>) src(%arg20 : memref<64x16xf32, #tpu.memory_space<vmem>>) dst(%dma_wait3A_188 : memref<64x16xf32, #tpu.memory_space<hbm>>)
        tpu.yield
      }) : () -> ()
      %scan3A_179 = arith.constant 0 : i32
      scf.yield %scan3A_179 : i32
    }
    %scan3A_85 = arith.constant 64 : i32
    return
  }
}

</mosaic_0001>

<sc_bundles>
// kernel: _sc_interp.3.cloned.1.call-start
scs
__scs_entry_jumppad:
0x0: {  	(pc) =	sbr.rel $0x88, $3  }
0x1: {  	(tag) =	ssettag $0x0;
	lr =	simm.s32 $0x1  }
0x2: {  	[smem:$0x3F99] =	sst lr;
	_ =	strace $0xD0000000  }
0x3: {  	_ = 	snop  }
0x4: {  	_ = 	snop  }
0x5: {  	_ = 	snop  }
0x6: {  	_ = 	snop  }
0x7: {  	_ = 	snop  }
__scs_overlays_trampoline_lowered:
0x8: {  	[smem:$0x3FA8] =	sst s0  }
0x9: {  	[smem:$0x3FA9] =	sst s1  }
0xa: {  	[smem:$0x3FAA] =	sst s2  }
0xb: {  	[smem:$0x3FAB] =	sst s3  }
0xc: {  	[smem:$0x3FAC] =	sst s4  }
0xd: {  	[smem:$0x3FAD] =	sst s5  }
0xe: {  	[smem:$0x3FAE] =	sst s6  }
0xf: {  	[smem:$0x3FAF] =	sst s7  }
0x10: {  	[smem:$0x3FB0] =	sst s8  }
0x11: {  	[smem:$0x3FB1] =	sst s9;
	s0 =	simm.s32 @!p0 $0x0  }
0x12: {  	s1 =	sld [smem:$0x3F97];
	s0 =	simm.s32 @p0 $0x1  }
0x13: {  	[smem:$0x3FB2] =	sst s0;
	s0 =	simm.s32 @!p1 $0x0  }
0x14: {  	s2 =	sld [smem:$0x3F96];
	s0 =	simm.s32 @p1 $0x1  }
0x15: {  	[smem:$0x3FB3] =	sst s0;
	s0 =	simm.s32 @!p2 $0x0  }
0x16: {  	s3 =	sld [smem:$0x3FDB];
	s0 =	simm.s32 @p2 $0x1  }
0x17: {  	s4 =	simm.s32 $0x1BF5;
	[smem:$0x3FB5] =	sst s0  }
0x18: {  	s0 =	sld [smem:$0x3F98];
	_ =	swait.ge [sflag:s4], $0x0  }
0x19: {  	s7 =	sld [smem:$0x3F99]  }
0x1a: {  	s8 =	sadd.s32 $0xFFFFE003, lr  }
0x1b: {  	s9 =	sadd.s32 $0xFFFFFEF7, lr;
	s5 =	simm.s32 $0xFFFFFFFF;
	p2 =	slt.u32 s8, $0xFFFFF086  }
0x1c: {  	p1 =	slt.u32 s9, $0xF7A;
	s5 =	simm.s32 @!p2 $0x0  }
0x1d: {  	s5 =	simm.s32 @p1 $0x1;
	p0 =	seq.s32 s7, s2  }
0x1e: {  	s7 =	smul.u32 @!p0 $0xF7A, s2;
	p2 =	seq.s32 @!p0 s5, $0x0  }
0x1f: {  	s9 =	smul.u32 $0xF7A, s1;
	s8 =	simm.s32 @!p0 $0x1BF5;
	p2 =	por !p2, p0  }
0x20: {  	[sflag:s8] =	ssyncset.s32 @!p0 $0xFFFFF086;
	s6 =	sadd.s32 @!p0 s3, s7;
	s7 =	simm.s32 @!p0 $0x108  }
0x21: {  	s3 =	sadd.s32 s3, s9;
	s6 =	sadd.s32 @!p0 $0x88, s6;
	s7 =	simm.s32 @p2 $0x1082  }
0x22: {  	[simem:s7], [sflag:s8] =	dma.local @!p0 [hbm:s6], $0xF7A  }
0x23: {  	s9 =	sor.u32 $0xD0000000, s2;
	s6 =	simm.s32 $0x108;
	_ =	swait.ge @!p0 [sflag:s8], $0x0  }
0x24: {  	s3 =	sadd.s32 $0x88, s3;
	s6 =	simm.s32 @!p1 $0x1082;
	[sflag:s4] =	ssyncset.s32 $0xFFFFF086  }
0x25: {  	[simem:s6], [sflag:s4] =	dma.local [hbm:s3], $0xF7A  }
0x26: {  	[smem:$0x3F99] =	sst s1;
	(tag) =	ssettag s2;
	_ =	strace s9  }
0x27: {  	s1 =	sld [smem:$0x3FA9]  }
0x28: {  	s2 =	sld [smem:$0x3FAA]  }
0x29: {  	s4 =	sld [smem:$0x3FAC]  }
0x2a: {  	p0 =	seq.s32 s5, $0x0;
	s5 =	sld [smem:$0x3FAD]  }
0x2b: {  	s6 =	sld [smem:$0x3FAE]  }
0x2c: {  	s7 =	sld [smem:$0x3FAF]  }
0x2d: {  	s3 =	simm.s32 $0x108;
	s8 =	sld [smem:$0x3FB0]  }
0x2e: {  	s3 =	simm.s32 @!p0 $0x1082;
	s9 =	sld [smem:$0x3FB1]  }
0x2f: {  	lr =	sadd.s32 s0, s3;
	s0 =	sld [smem:$0x3FA8]  }
0x30: {  	s3 =	sld [smem:$0x3FAB]  }
0x31: {  	[smem:$0x3FB4] =	sst s10  }
0x32: {  	s10 =	sld [smem:$0x3FB2];
	_ =	sdelay $0x3  }
0x33: {  	p0 =	seq.s32 s10, $0x1;
	s10 =	sld [smem:$0x3FB4];
	_ =	sdelay $0x3  }
0x34: {  	[smem:$0x3FB4] =	sst s10  }
0x35: {  	s10 =	sld [smem:$0x3FB3];
	_ =	sdelay $0x3  }
0x36: {  	p1 =	seq.s32 s10, $0x1;
	s10 =	sld [smem:$0x3FB4];
	_ =	sdelay $0x3  }
0x37: {  	[smem:$0x3FB4] =	sst s10  }
0x38: {  	s10 =	sld [smem:$0x3FB5]  }
0x39: {  	_ = 	snop;
	(pc) =	sbr.ind lr, $3  }
0x3a: {  	_ = 	snop  }
0x3b: {  	_ = 	snop  }
0x3c: {  	p2 =	seq.s32 s10, $0x1;
	s10 =	sld [smem:$0x3FB4]  }
0x3d: {  	_ =	shalt  }
0x3e: {  	_ =	shalt  }
0x3f: {  	_ =	shalt  }
0x40: {  	_ =	shalt  }
0x41: {  	_ =	shalt  }
0x42: {  	_ =	shalt  }
0x43: {  	_ =	shalt  }
0x44: {  	_ =	shalt  }
0x45: {  	_ =	shalt  }
0x46: {  	_ =	shalt  }
0x47: {  	_ =	shalt  }
0x48: {  	_ =	shalt  }
0x49: {  	_ =	shalt  }
0x4a: {  	_ =	shalt  }
0x4b: {  	_ =	shalt  }
0x4c: {  	_ =	shalt  }
0x4d: {  	_ =	shalt  }
0x4e: {  	_ =	shalt  }
0x4f: {  	_ =	shalt  }
0x50: {  	_ =	shalt  }
0x51: {  	_ =	shalt  }
0x52: {  	_ =	shalt  }
0x53: {  	_ =	shalt  }
0x54: {  	_ =	shalt  }
0x55: {  	_ =	shalt  }
0x56: {  	_ =	shalt  }
0x57: {  	_ =	shalt  }
0x58: {  	_ =	shalt  }
0x59: {  	_ =	shalt  }
0x5a: {  	_ =	shalt  }
0x5b: {  	_ =	shalt  }
0x5c: {  	_ =	shalt  }
0x5d: {  	_ =	shalt  }
0x5e: {  	_ =	shalt  }
0x5f: {  	_ =	shalt  }
0x60: {  	_ =	shalt  }
0x61: {  	_ =	shalt  }
0x62: {  	_ =	shalt  }
0x63: {  	_ =	shalt  }
0x64: {  	_ =	shalt  }
0x65: {  	_ =	shalt  }
0x66: {  	_ =	shalt  }
0x67: {  	_ =	shalt  }
0x68: {  	_ =	shalt  }
0x69: {  	_ =	shalt  }
0x6a: {  	_ =	shalt  }
0x6b: {  	_ =	shalt  }
0x6c: {  	_ =	shalt  }
0x6d: {  	_ =	shalt  }
0x6e: {  	_ =	shalt  }
0x6f: {  	_ =	shalt  }
0x70: {  	_ =	shalt  }
0x71: {  	_ =	shalt  }
0x72: {  	_ =	shalt  }
0x73: {  	_ =	shalt  }
0x74: {  	_ =	shalt  }
0x75: {  	_ =	shalt  }
0x76: {  	_ =	shalt  }
0x77: {  	_ =	shalt  }
0x78: {  	_ =	shalt  }
0x79: {  	_ =	shalt  }
0x7a: {  	_ =	shalt  }
0x7b: {  	_ =	shalt  }
0x7c: {  	_ =	shalt  }
0x7d: {  	_ =	shalt  }
0x7e: {  	_ =	shalt  }
0x7f: {  	_ =	shalt  }
0x80: {  	_ =	shalt  }
0x81: {  	_ =	shalt  }
0x82: {  	_ =	shalt  }
0x83: {  	_ =	shalt  }
0x84: {  	_ =	shalt  }
0x85: {  	_ =	shalt  }
0x86: {  	_ =	shalt  }
0x87: {  	_ =	shalt  }
.Lfunc_end0:
.L_simem_size_0:
called_computation_lowered:
.L_overlay_start_0:
0x88: {  	s2 =	sld [smem:$0x3FD9]  }
0x89: {  	s3 =	sld [smem:$0x3FFE];
	_ =	sdelay $0x1  }
0x8a: {  	s1 =	srdreg.scid  }
0x8b: {  	s0 =	sand.u32 $0x1, s1  }
0x8c: {  	s17 =	sshll.u32 s0, $0xA;
	s2 =	sadd.s32 s3, s2  }
0x8d: {  	s2 =	sadd.s32 s2, s17  }
0x8e: {  	[smem:$0x3FC0] =	sst s2  }
0x8f: {  	_ = 	snop  }
0x90: {  	s2 =	sld [smem:$0x3FC7]  }
0x91: {  	s18 =	sld [smem:$0x3FC6]  }
0x92: {  	s4 =	sld [smem:$0x3FC5]  }
0x93: {  	s5 =	sld [smem:$0x3FC4]  }
0x94: {  	s6 =	sld [smem:$0x3FC3]  }
0x95: {  	s7 =	sld [smem:$0x3FC2]  }
0x96: {  	s8 =	sld [smem:$0x3FD0];
	(tm) =	ssettm $0x1  }
0x97: {  	s9 =	sld [smem:$0x3FFB];
	_ =	sdelay $0x3  }
0x98: {  	_ =	strace s9  }
0x99: {  	s9 =	sld [smem:$0x3FFC];
	_ =	sdelay $0x3  }
0x9a: {  	_ =	strace s9  }
0x9b: {  	s9 =	sld [smem:$0x3FFD];
	_ =	sdelay $0x3  }
0x9c: {  	_ =	strace s9  }
0x9d: {  	_ =	strace $0x8FFFFFFF  }
0x9e: {  	s19 =	sld [smem:$0x3FDB];
	_ =	sdelay $0x1  }
0x9f: {  	s10 =	simm.s32 $_scs_section_size  }
0xa0: {  	s11 =	simm.s32 $_size__tile_overlayer_lowered;
	s12 =	simm.s32 $_tile_overlayer_lowered  }
0xa1: {  	s22 =	simm.s32 $0x1BFF;
	s21 =	sshll.u32 s12, $0x1;
	s9 =	sadd.s32 s10, s19  }
0xa2: {  	s13 =	simm.s32 $0x0;
	s20 =	sshll.u32 s11, $0x1;
	s11 =	sadd.s32 s21, s9  }
0xa3: {  	[timem:s13], [sflag:s22] =	dma.local [hbm:s11], s20  }
0xa4: {  	_ =	swait.ge [sflag:s22], s20  }
0xa5: {  	s10 =	ssub.s32 $0x0, s20;
	[sflag:s22] =	ssyncset.done $0x0  }
0xa6: {  	[sflag:s22] =	ssyncadd.s32 s10;
	_ =	sdelay $0x1  }
0xa7: {  	s23 =	simm.s32 $0x1B8B  }
0xa8: {  	_ =	swait.ge [sflag:s23], $0x1  }
0xa9: {  	[sflag:s23] =	ssyncset.done $0x0  }
0xaa: {  	s25 =	simm.s32 $0x1B8E;
	s24 =	sld [smem:$0x3FFE];
	[sflag:s23] =	ssyncadd.s32 $0xFFFFFFFF  }
0xab: {  	s26 =	simm.s32 $execute0_lowered;
	[smem:$0x3FD2] =	sst s25  }
0xac: {  	s11 =	sshll.u32 s26, $0x1;
	_ =	strace $0x80000046;
	[dreg:$0x1] =	wrdreg $0xFFFFFFFF  }
0xad: {  	s28 =	simm.s32 $_size_execute0_lowered;
	s9 =	sadd.s32 s9, s11;
	[dreg:$0x0] =	wrdreg $0x0  }
0xae: {  	s11 =	sshll.u32 s28, $0x1;
	[dreg:$0x2] =	wrdreg s9  }
0xaf: {  	[dreg:$0x3] =	wrdreg s11  }
0xb0: {  	[dreg:$0x4] =	wrdreg $0xC0  }
0xb1: {  	_ =	task [dreg:s13], $0x5FFFF  }
0xb2: {  	[dreg:$0x1] =	wrdreg $0xFFFFFFFF  }
0xb3: {  	[dreg:$0x0] =	wrdreg $0x60  }
0xb4: {  	[dreg:$0x2] =	wrdreg s24  }
0xb5: {  	[dreg:$0x3] =	wrdreg s2  }
0xb6: {  	[dreg:$0x4] =	wrdreg s18  }
0xb7: {  	[dreg:$0x5] =	wrdreg s4  }
0xb8: {  	[dreg:$0x6] =	wrdreg s5  }
0xb9: {  	[dreg:$0x7] =	wrdreg s6  }
0xba: {  	[dreg:$0x8] =	wrdreg s7  }
0xbb: {  	[dreg:$0x9] =	wrdreg s8  }
0xbc: {  	[dreg:$0xa] =	wrdreg $0x9  }
0xbd: {  	_ =	task.clear_ibuf [dreg:s13], $0xBFFFF;
	_ =	strace $0x90000046  }
0xbe: {  	s29 =	simm.s32 $0x9;
	_ =	strace $0x80000048  }
0xbf: {  	_ =	swait.ge [sflag:s29], $0x1  }
0xc0: {  	[sflag:s29] =	ssyncadd.s32 $0xFFFFFFFF  }
0xc1: {  	_ =	strace $0x90000048  }
0xc2: {  	_ =	sfence  }
0xc3: {  	s30 =	sld [smem:$0x0];
	_ =	sdelay $0x2  }
0xc4: {  	s31 =	sshll.u32 s1, $0xD;
	s1 =	sshrl.u32 s1, $0x2  }
0xc5: {  	s3 =	sand.u32 $0x4000, s31;
	s1 =	sadd.s32 s1, s30  }
0xc6: {  	s0 =	sor.u32 s3, s0;
	s1 =	sshll.u32 s1, $0x11  }
0xc7: {  	s0 =	sor.u32 s1, s0  }
0xc8: {  	s0 =	sadd.s32 $0x8F2B, s0  }
0xc9: {  	[sflag:s0] =	ssyncadd.remote.s32 $0x1  }
0xca: {  	_ =	sfence.sel $0xFFFF  }
0xcb: {  	[dreg:$0x0] =	wrdreg $0xFFFFFFFF;
	(pc) =	sbr.abs _section_cstart, $3  }
0xcc: {  	[dreg:$0x1] =	wrdreg $0xFFFFFFFF  }
0xcd: {  	_ =	task.clear_ibuf [dreg:s13], $0x2FFFF;
	_ =	strace $0x9FFFFFFF  }
0xce: {  	(tm) =	ssettm $0x7FFFFFFF  }
0xcf: {  	_ =	shalt  }
tec
execute0_lowered:
.L_overlay_start_1:
0x0: {  	(tag) =	ssettag $0x1  }
0x1: {  	s2 =	rddreg [dreg:$0x0]  }
0x2: {  	s0 =	rddreg [dreg:$0x1]  }
0x3: {  	s1 =	rddreg [dreg:$0x2];
	v0 =	vlaneseq.u32  }
0x4: {  	s8 =	rddreg [dreg:$0x7];
	s3 =	srdreg.scid;
	s9 =	simm.s32 $0x0;
	v32 =	vmul.u32 $0x10, v0  }
0x5: {  	s6 =	stileid.u32;
	[smem:$0x7FF] =	sst s9  }
0x6: {  	s17 =	simm.s32 $0x3;
	s18 =	simm.s32 $0x1810;
	_ =	strace $0x80000047;
	v10 =	vor.u32 $0xF, v32;
	[tilespmem:$0x1FF60] =	vst v32  }
0x7: {  	s19 =	simm.s32 $0x3020;
	s20 =	simm.s32 $0x4830;
	s24 =	simm.s32 $0x900;
	v45 =	vor.u32 $0x9, v32;
	[tilespmem:$0x1FF70] =	vst v10  }
0x8: {  	s31 =	simm.s32 $0x1;
	s7 =	simm.s32 $0x0;
	s3 =	sand.u32 $0x1, s3;
	v46 =	vor.u32 $0xB, v32;
	[tilespmem:$0x1FF80] =	vst v45  }
0x9: {  	s4 =	sshll.u32 s6, $0xE;
	s25 =	sshrl.u32 s6, $0x3;
	s11 =	sadd.s32 $0x814600, s2;
	v6 =	vor.u32 $0x2, v32;
	[tilespmem:$0x1FF90] =	vst v46  }
0xa: {  	s13 =	sadd.s32 $0x600, s2;
	s5 =	sshll.u32 s3, $0xD;
	s3 =	ssub.s32 $0x2, s3;
	v7 =	vor.u32 $0x3, v32;
	[tilespmem:$0x1FFA0] =	vst v6  }
0xb: {  	s6 =	sshll.u32 s25, $0x12;
	s10 =	sor.u32 s5, s4;
	s26 =	sshrl.u32 s3, $0x1;
	v9 =	vor.u32 $0x5, v32;
	[tilespmem:$0x1FFB0] =	vst v7  }
0xc: {  	s28 =	smul.u32 $0x40A00, s25;
	v12 =	vor.u32 $0x8, v32;
	s5 =	sand.u32 $0x1E000, s10;
	s2 =	ssub.s32 s3, s26;
	[tilespmem:$0x1FFC0] =	vst v9  }
0xd: {  	v13 =	vor.u32 $0x7, v32;
	s4 =	simm.s32 $0x2;
	[tilespmem:$0x1FFD0] =	vst v12;
	s12 =	sor.u32 s6, s5;
	s2 =	smax.u32 s2, $0x1  }
0xe: {  	v63 =	vor.u32 $0x1, v32;
	v41 =	vor.u32 $0xA, v32;
	[tilespmem:$0x1FFE0] =	vst v13;
	s5 =	sshrl.u32 s12, $0x3;
	s30 =	sor.u32 $0x80, s12;
	[dreg:$0xb] =	wrdreg s2  }
0xf: {  	v62 =	vor.u32 $0x4, v32;
	v15 =	vor.u32 $0x6, v32;
	v0 =	vmov s28;
	s3 =	simm.s32 $0x193C0;
	[tilespmem:$0x1FFF0] =	vst v41;
	s29 =	sadd.s32 s13, s5;
	[dreg:$0xa] =	wrdreg s30  }
0x10: {  	v50 =	vor.u32 $0xC, v32;
	v52 =	vor.u32 $0xD, v32;
	v56 =	vor.u32 $0xE, v32;
	s6 =	simm.s32 $0x6180;
	[tilespmem:$0x1FF50] =	vst v0;
	s2 =	simm.s32 $0x6140;
	[dreg:$0x9] =	wrdreg s29  }
.LBB2_1:
0x11: {  	[dreg:$0xc] =	wrdreg s7  }
0x12: {  	s5 =	rddreg [dreg:$0x3]  }
0x13: {  	[tilespmem:s9], [sflag:$0x3] =	stream.linear.gather [hbm4b:s5+s9], $0x1810, $0x38;
	[tilespmem:$0x197C0] =	vst v63  }
0x14: {  	_ =	swait.ge [sflag:s17], $0x1810  }
0x15: {  	[sflag:s17] =	ssyncset.done $0x0  }
0x16: {  	[sflag:s17] =	ssyncadd.s32 $0xFFFFE7F0  }
0x17: {  	s25 =	rddreg [dreg:$0x4]  }
0x18: {  	[tilespmem:s18], [sflag:$0x3] =	stream.linear.gather [hbm4b:s25+s9], $0x1810, $0x38;
	[tilespmem:$0x197C0] =	vst v63  }
0x19: {  	_ =	swait.ge [sflag:s17], $0x1810  }
0x1a: {  	[sflag:s17] =	ssyncset.done $0x0  }
0x1b: {  	[sflag:s17] =	ssyncadd.s32 $0xFFFFE7F0  }
0x1c: {  	s26 =	rddreg [dreg:$0x5]  }
0x1d: {  	[tilespmem:s19], [sflag:$0x3] =	stream.linear.gather [hbm4b:s26+s9], $0x1810, $0x38;
	[tilespmem:$0x197C0] =	vst v63  }
0x1e: {  	_ =	swait.ge [sflag:s17], $0x1810  }
0x1f: {  	[sflag:s17] =	ssyncset.done $0x0  }
0x20: {  	[sflag:s17] =	ssyncadd.s32 $0xFFFFE7F0  }
0x21: {  	s28 =	rddreg [dreg:$0x6]  }
0x22: {  	[tilespmem:s20], [sflag:$0x3] =	stream.linear.gather [hbm4b:s28+s9], $0x1810, $0x38;
	[tilespmem:$0x197C0] =	vst v63  }
0x23: {  	_ =	swait.ge [sflag:s17], $0x1810  }
0x24: {  	s30 =	simm.s32 $0x40;
	s14 =	simm.s32 $0x20000;
	[sflag:s17] =	ssyncset.done $0x0  }
0x25: {  	s15 =	simm.s32 $0x6040;
	s29 =	rddreg [dreg:$0x9];
	[sflag:s17] =	ssyncadd.s32 $0xFFFFE7F0  }
0x26: {  	[tilespmem:s15], [sflag:$0x3] =	stream.strided.gather [hbm4b:s29+s30], $0x80, s14, s30, $0x38;
	[tilespmem:$0x197C0] =	vst v63  }
0x27: {  	_ =	swait.ge [sflag:s17], $0x80  }
0x28: {  	[sflag:s17] =	ssyncset.done $0x0  }
0x29: {  	s7 =	simm.s32 $0x0;
	s5 =	simm.s32 $0x6280;
	[sflag:s17] =	ssyncadd.s32 $0xFFFFFF80  }
.LBB2_2:
0x2a: {  	s14 =	sshll.u32 s7, $0x4  }
0x2b: {  	v17 =	vld [tilespmem:s14+$0x6040]  }
0x2c: {  	v18 =	vld [tilespmem:s14+$0x6080];
	_ =	sdelay $0x3  }
0x2d: {  	v17 =	vmul.f32 $8.148732760e+01, v17  }
0x2e: {  	s28 =	simm.s32 $0x200;
	v18 =	vmul.f32 $8.148732760e+01, v18  }
0x2f: {  	v19 =	vmov s28;
	v17 =	vadd.f32 $5.090000000e+02, v17  }
0x30: {  	v19 =	vadd.s32 $0xFFFFFE01, v19;
	v18 =	vadd.f32 $5.090000000e+02, v18  }
0x31: {  	v19 =	vbroadcast v19, $0x0;
	v17 =	vtrunc.f32 v17  }
0x32: {  	v18 =	vtrunc.f32 v18;
	v17 =	vcvt.f32.s32 v17  }
0x33: {  	v18 =	vcvt.f32.s32 v18  }
0x34: {  	v19 =	vadd.s32 v17, v19  }
0x35: {  	s29 =	simm.s32 $0x201;
	v18 =	vadd.s32 $0x1, v18;
	v20 =	vshra.s32 v19, $0x1F  }
0x36: {  	v22 =	vmov s29;
	v21 =	vshra.s32 v18, $0x1F;
	v20 =	vshrl.u32 v20, $0x17  }
0x37: {  	v22 =	vadd.s32 $0xFFFFFE01, v22;
	v21 =	vshrl.u32 v21, $0x17;
	v20 =	vadd.s32 v20, v19  }
0x38: {  	v22 =	vbroadcast v22, $0x0;
	v21 =	vadd.s32 v21, v18;
	v20 =	vshrl.u32 v20, $0x9  }
0x39: {  	v21 =	vshrl.u32 v21, $0x9;
	v20 =	vshll.u32 v20, $0x9  }
0x3a: {  	v22 =	vadd.s32 v17, v22;
	v21 =	vshll.u32 v21, $0x9;
	v19 =	vsub.s32 v19, v20  }
0x3b: {  	s30 =	simm.s32 $0x202;
	v18 =	vsub.s32 v18, v21;
	v20 =	vshra.s32 v22, $0x1F;
	v19 =	vmul.u32 $0x205, v19  }
0x3c: {  	v21 =	vmov s30;
	v18 =	vadd.s32 v0, v18;
	v20 =	vshrl.u32 v20, $0x17  }
0x3d: {  	v21 =	vadd.s32 $0xFFFFFE01, v21;
	v20 =	vadd.s32 v20, v22;
	v19 =	vadd.s32 v19, v18  }
0x3e: {  	v21 =	vbroadcast v21, $0x0;
	v20 =	vshrl.u32 v20, $0x9;
	v23 =	vadd.s32 $0x5, v19  }
0x3f: {  	v24 =	vshll.u32 v20, $0x9;
	v25 =	vadd.s32 $0x1, v19;
	v26 =	vadd.s32 $0x2, v19;
	[tilespmem:s5+$0x80] =	vst v23  }
0x40: {  	v20 =	vadd.s32 v17, v21;
	v21 =	vadd.s32 $0x3, v19;
	v22 =	vsub.s32 v22, v24;
	[tilespmem:s5+$0xFFFFFF80] =	vst v25  }
0x41: {  	s15 =	simm.s32 $0x203;
	s14 =	smov.u32 s5;
	v24 =	vshra.s32 v20, $0x1F;
	[tilespmem:s5+$0xFFFFFFC0] =	vst v26;
	v23 =	vadd.s32 $0x4, v19;
	v22 =	vmul.u32 $0x205, v22  }
.LBB2_3:
0x42: {  	v25 =	vmov s15;
	p0 =	sne.s32 s15, $0x205;
	s15 =	sadd.s32 $0x1, s15;
	v24 =	vshrl.u32 v24, $0x17;
	[tilespmem:s14+$0x0] =	vst v21  }
.Ltmp0:
0x43: {  	v21 =	vadd.s32 $0xFFFFFE01, v25;
	v24 =	vadd.s32 v24, v20;
	v22 =	vadd.s32 v22, v18;
	[tilespmem:s14+$0x40] =	vst v23;
	(pc) =	sbr.rel @p0 .LBB2_3-.Ltmp0, $4  }
0x44: {  	v21 =	vbroadcast v21, $0x0;
	v23 =	vshrl.u32 v24, $0x9;
	v24 =	vadd.s32 $0x5, v22;
	[tilespmem:s14+$0xFFFFFF40] =	vst v19;
	s14 =	sadd.s32 $0x180, s14;
	v19 =	vmovc v22  }
0x45: {  	v22 =	vshll.u32 v23, $0x9;
	v23 =	vadd.s32 $0x1, v19;
	v25 =	vadd.s32 $0x2, v19;
	[tilespmem:s14+$0x80] =	vst v24  }
0x46: {  	v22 =	vsub.s32 v20, v22;
	v20 =	vadd.s32 v17, v21;
	[tilespmem:s14+$0xFFFFFF80] =	vst v23;
	v21 =	vadd.s32 $0x3, v19  }
0x47: {  	v23 =	vadd.s32 $0x4, v19;
	v24 =	vshra.s32 v20, $0x1F;
	v22 =	vmul.u32 $0x205, v22;
	[tilespmem:s14+$0xFFFFFFC0] =	vst v25  }
0x48: {  	[tilespmem:s14+$0x0] =	vst v21  }
0x49: {  	v17 =	vshrl.u32 v24, $0x17;
	[tilespmem:s14+$0x40] =	vst v23  }
0x4a: {  	[tilespmem:s14+$0xFFFFFF40] =	vst v19;
	s30 =	sadd.s32 $0x180, s14;
	v17 =	vadd.s32 v17, v20;
	v51 =	vadd.s32 v22, v18  }
0x4b: {  	v17 =	vshrl.u32 v17, $0x9;
	v22 =	vadd.s32 $0x5, v51;
	[tilespmem:s30+$0xFFFFFF40] =	vst v51  }
0x4c: {  	v53 =	vadd.s32 $0x1, v51;
	v17 =	vshll.u32 v17, $0x9;
	[tilespmem:s30+$0x80] =	vst v22  }
0x4d: {  	v54 =	vadd.s32 $0x2, v51;
	[tilespmem:s30+$0xFFFFFF80] =	vst v53;
	v17 =	vsub.s32 v20, v17  }
0x4e: {  	v55 =	vadd.s32 $0x3, v51;
	[tilespmem:s30+$0xFFFFFFC0] =	vst v54;
	v17 =	vmul.u32 $0x205, v17  }
0x4f: {  	v57 =	vadd.s32 $0x4, v51;
	[tilespmem:s30+$0x0] =	vst v55  }
0x50: {  	s7 =	sadd.s32 $0x1, s7;
	s14 =	sadd.s32 $0x180, s30;
	[tilespmem:s30+$0x40] =	vst v57;
	v17 =	vadd.s32 v17, v18  }
0x51: {  	p0 =	sne.s32 s7, $0x4;
	v18 =	vadd.s32 $0x5, v17;
	[tilespmem:s14+$0xFFFFFF40] =	vst v17  }
.Ltmp1:
0x52: {  	v58 =	vadd.s32 $0x1, v17;
	[tilespmem:s14+$0x80] =	vst v18;
	(pc) =	sbr.rel @p0 .LBB2_2-.Ltmp1, $4  }
0x53: {  	v59 =	vadd.s32 $0x2, v17;
	[tilespmem:s14+$0xFFFFFF80] =	vst v58  }
0x54: {  	v60 =	vadd.s32 $0x3, v17;
	[tilespmem:s14+$0xFFFFFFC0] =	vst v59  }
0x55: {  	v61 =	vadd.s32 $0x4, v17;
	[tilespmem:s14+$0x0] =	vst v60  }
0x56: {  	s5 =	sadd.s32 $0x10, s5;
	[tilespmem:s14+$0x40] =	vst v61  }
0x57: {  	s5 =	simm.s32 $0x61C0;
	s7 =	simm.s32 $0x73C0  }
0x58: {  	[tilespmem:s7], [sflag:$0x1] =	stream.indirect.gather [hbm4b:s11+s24], $0x10, s5, s24, $0xb8;
	[tilespmem:$0x197C0] =	vst v63  }
0x59: {  	s7 =	simm.s32 $0x0  }
.LBB2_6:
0x5a: {  	s16 =	sshll.u32 s7, $0x7  }
0x5b: {  	s14 =	sor.u32 $0x40, s16  }
0x5c: {  	s5 =	sor.u32 s14, s12  }
0x5d: {  	s15 =	simm.s32 $0x40;
	s5 =	sshrl.u32 s5, $0x3  }
0x5e: {  	s21 =	simm.s32 $0x20000;
	s22 =	simm.s32 $0x60C0;
	s5 =	sadd.s32 s13, s5  }
0x5f: {  	[tilespmem:s22], [sflag:$0x3] =	stream.strided.gather [hbm4b:s5+s15], $0x80, s21, s15, $0x38;
	[tilespmem:$0x197C0] =	vst v63  }
0x60: {  	_ =	swait.ge [sflag:s17], $0x80  }
0x61: {  	[sflag:s17] =	ssyncset.done $0x0  }
0x62: {  	s5 =	simm.s32 $0x6C00;
	s15 =	simm.s32 $0x0;
	[sflag:s17] =	ssyncadd.s32 $0xFFFFFF80  }
.LBB2_7:
0x63: {  	s23 =	sshll.u32 s15, $0x4  }
0x64: {  	v17 =	vld [tilespmem:s23+$0x60C0]  }
0x65: {  	v18 =	vld [tilespmem:s23+$0x6100];
	_ =	sdelay $0x3  }
0x66: {  	v17 =	vmul.f32 $8.148732760e+01, v17  }
0x67: {  	s28 =	simm.s32 $0x200;
	v18 =	vmul.f32 $8.148732760e+01, v18  }
0x68: {  	v19 =	vmov s28;
	v17 =	vadd.f32 $5.090000000e+02, v17  }
0x69: {  	v19 =	vadd.s32 $0xFFFFFE01, v19;
	v18 =	vadd.f32 $5.090000000e+02, v18  }
0x6a: {  	v19 =	vbroadcast v19, $0x0;
	v17 =	vtrunc.f32 v17  }
0x6b: {  	v18 =	vtrunc.f32 v18;
	v17 =	vcvt.f32.s32 v17  }
0x6c: {  	v18 =	vcvt.f32.s32 v18  }
0x6d: {  	v19 =	vadd.s32 v17, v19  }
0x6e: {  	s29 =	simm.s32 $0x201;
	v18 =	vadd.s32 $0x1, v18;
	v20 =	vshra.s32 v19, $0x1F  }
0x6f: {  	v22 =	vmov s29;
	v21 =	vshra.s32 v18, $0x1F;
	v20 =	vshrl.u32 v20, $0x17  }
0x70: {  	v22 =	vadd.s32 $0xFFFFFE01, v22;
	v21 =	vshrl.u32 v21, $0x17;
	v20 =	vadd.s32 v20, v19  }
0x71: {  	v22 =	vbroadcast v22, $0x0;
	v21 =	vadd.s32 v21, v18;
	v20 =	vshrl.u32 v20, $0x9  }
0x72: {  	v21 =	vshrl.u32 v21, $0x9;
	v20 =	vshll.u32 v20, $0x9  }
0x73: {  	v22 =	vadd.s32 v17, v22;
	v21 =	vshll.u32 v21, $0x9;
	v19 =	vsub.s32 v19, v20  }
0x74: {  	s30 =	simm.s32 $0x202;
	v18 =	vsub.s32 v18, v21;
	v20 =	vshra.s32 v22, $0x1F;
	v19 =	vmul.u32 $0x205, v19  }
0x75: {  	v21 =	vmov s30;
	v18 =	vadd.s32 v0, v18;
	v20 =	vshrl.u32 v20, $0x17  }
0x76: {  	v21 =	vadd.s32 $0xFFFFFE01, v21;
	v20 =	vadd.s32 v20, v22;
	v19 =	vadd.s32 v19, v18  }
0x77: {  	v21 =	vbroadcast v21, $0x0;
	v20 =	vshrl.u32 v20, $0x9;
	v23 =	vadd.s32 $0x5, v19  }
0x78: {  	v24 =	vshll.u32 v20, $0x9;
	v25 =	vadd.s32 $0x1, v19;
	v26 =	vadd.s32 $0x2, v19;
	[tilespmem:s5+$0x0] =	vst v23  }
0x79: {  	v20 =	vadd.s32 v17, v21;
	v21 =	vadd.s32 $0x3, v19;
	v22 =	vsub.s32 v22, v24;
	[tilespmem:s5+$0xFFFFFF00] =	vst v25  }
0x7a: {  	s25 =	simm.s32 $0x203;
	s23 =	smov.u32 s5;
	v24 =	vshra.s32 v20, $0x1F;
	[tilespmem:s5+$0xFFFFFF40] =	vst v26;
	v23 =	vadd.s32 $0x4, v19;
	v22 =	vmul.u32 $0x205, v22  }
.LBB2_8:
0x7b: {  	v25 =	vmov s25;
	p0 =	sne.s32 s25, $0x205;
	s25 =	sadd.s32 $0x1, s25;
	v24 =	vshrl.u32 v24, $0x17;
	[tilespmem:s23+$0xFFFFFF80] =	vst v21  }
.Ltmp2:
0x7c: {  	v21 =	vadd.s32 $0xFFFFFE01, v25;
	v24 =	vadd.s32 v24, v20;
	v22 =	vadd.s32 v22, v18;
	[tilespmem:s23+$0xFFFFFFC0] =	vst v23;
	(pc) =	sbr.rel @p0 .LBB2_8-.Ltmp2, $4  }
0x7d: {  	v21 =	vbroadcast v21, $0x0;
	v23 =	vshrl.u32 v24, $0x9;
	v24 =	vadd.s32 $0x5, v22;
	[tilespmem:s23+$0xFFFFFEC0] =	vst v19;
	s23 =	sadd.s32 $0x180, s23;
	v19 =	vmovc v22  }
0x7e: {  	v22 =	vshll.u32 v23, $0x9;
	v23 =	vadd.s32 $0x1, v19;
	v25 =	vadd.s32 $0x2, v19;
	[tilespmem:s23+$0x0] =	vst v24  }
0x7f: {  	v22 =	vsub.s32 v20, v22;
	v20 =	vadd.s32 v17, v21;
	[tilespmem:s23+$0xFFFFFF00] =	vst v23;
	v21 =	vadd.s32 $0x3, v19  }
0x80: {  	v23 =	vadd.s32 $0x4, v19;
	v24 =	vshra.s32 v20, $0x1F;
	v22 =	vmul.u32 $0x205, v22;
	[tilespmem:s23+$0xFFFFFF40] =	vst v25  }
0x81: {  	[tilespmem:s23+$0xFFFFFF80] =	vst v21  }
0x82: {  	v17 =	vshrl.u32 v24, $0x17;
	[tilespmem:s23+$0xFFFFFFC0] =	vst v23  }
0x83: {  	[tilespmem:s23+$0xFFFFFEC0] =	vst v19;
	s30 =	sadd.s32 $0x180, s23;
	v17 =	vadd.s32 v17, v20;
	v51 =	vadd.s32 v22, v18  }
0x84: {  	v17 =	vshrl.u32 v17, $0x9;
	v22 =	vadd.s32 $0x5, v51;
	[tilespmem:s30+$0xFFFFFEC0] =	vst v51  }
0x85: {  	v53 =	vadd.s32 $0x1, v51;
	v17 =	vshll.u32 v17, $0x9;
	[tilespmem:s30+$0x0] =	vst v22  }
0x86: {  	v54 =	vadd.s32 $0x2, v51;
	[tilespmem:s30+$0xFFFFFF00] =	vst v53;
	v17 =	vsub.s32 v20, v17  }
0x87: {  	v55 =	vadd.s32 $0x3, v51;
	[tilespmem:s30+$0xFFFFFF40] =	vst v54;
	v17 =	vmul.u32 $0x205, v17  }
0x88: {  	v57 =	vadd.s32 $0x4, v51;
	[tilespmem:s30+$0xFFFFFF80] =	vst v55  }
0x89: {  	s15 =	sadd.s32 $0x1, s15;
	s23 =	sadd.s32 $0x180, s30;
	[tilespmem:s30+$0xFFFFFFC0] =	vst v57;
	v17 =	vadd.s32 v17, v18  }
0x8a: {  	p0 =	sne.s32 s15, $0x4;
	v18 =	vadd.s32 $0x5, v17;
	[tilespmem:s23+$0xFFFFFEC0] =	vst v17  }
.Ltmp3:
0x8b: {  	v58 =	vadd.s32 $0x1, v17;
	[tilespmem:s23+$0x0] =	vst v18;
	(pc) =	sbr.rel @p0 .LBB2_7-.Ltmp3, $4  }
0x8c: {  	v59 =	vadd.s32 $0x2, v17;
	[tilespmem:s23+$0xFFFFFF00] =	vst v58  }
0x8d: {  	v60 =	vadd.s32 $0x3, v17;
	[tilespmem:s23+$0xFFFFFF40] =	vst v59  }
0x8e: {  	v61 =	vadd.s32 $0x4, v17;
	[tilespmem:s23+$0xFFFFFF80] =	vst v60  }
0x8f: {  	s5 =	sadd.s32 $0x10, s5;
	[tilespmem:s23+$0xFFFFFFC0] =	vst v61  }
0x90: {  	s5 =	simm.s32 $0x6AC0;
	s15 =	simm.s32 $0x103C0  }
0x91: {  	[tilespmem:s15], [sflag:$0x2] =	stream.indirect.gather [hbm4b:s11+s24], $0x10, s5, s24, $0xb8;
	[tilespmem:$0x197C0] =	vst v63  }
0x92: {  	s5 =	sor.u32 s10, s16;
	_ =	swait.ge [sflag:s31], $0x9000  }
0x93: {  	s30 =	sshrl.u32 s5, $0x3;
	[sflag:s31] =	ssyncset.done $0x0  }
0x94: {  	s23 =	simm.s32 $0x0;
	s25 =	sadd.s32 s0, s30;
	[sflag:s31] =	ssyncadd.s32 $0xFFFF7000  }
0x95: {  	[tilespmem:s2], [sflag:$0x3] =	stream.linear.gather [hbm4b:s25+s23], $0x40, $0x38;
	[tilespmem:$0x197C0] =	vst v63  }
0x96: {  	_ =	swait.ge [sflag:s17], $0x40  }
0x97: {  	[sflag:s17] =	ssyncset.done $0x0  }
0x98: {  	s15 =	sadd.s32 s1, s30;
	[sflag:s17] =	ssyncadd.s32 $0xFFFFFFC0  }
0x99: {  	[tilespmem:s6], [sflag:$0x3] =	stream.linear.gather [hbm4b:s15+s23], $0x40, $0x38;
	[tilespmem:$0x197C0] =	vst v63  }
0x9a: {  	_ =	swait.ge [sflag:s17], $0x40  }
0x9b: {  	[sflag:s17] =	ssyncset.done $0x0  }
0x9c: {  	s26 =	simm.s32 $0x0;
	s25 =	simm.s32 $0x73C0;
	[sflag:s17] =	ssyncadd.s32 $0xFFFFFFC0  }
.LBB2_11:
0x9d: {  	s15 =	sshll.u32 s26, $0x4  }
0x9e: {  	v17 =	vld [tilespmem:s15+$0x6040];
	_ =	sdelay $0x1  }
0x9f: {  	v18 =	vld [tilespmem:s15+$0x6080];
	_ =	sdelay $0x2  }
0xa0: {  	v17 =	vmul.f32 $8.148732760e+01, v17;
	_ =	sdelay $0x1  }
0xa1: {  	v18 =	vmul.f32 $8.148732760e+01, v18;
	v19 =	vadd.f32 $5.090000000e+02, v17;
	_ =	sdelay $0x1  }
0xa2: {  	v20 =	vadd.f32 $5.090000000e+02, v18;
	v19 =	vtrunc.f32 v19  }
0xa3: {  	v19 =	vcvt.f32.s32 v19  }
0xa4: {  	v20 =	vtrunc.f32 v20  }
0xa5: {  	v20 =	vcvt.f32.s32 v20;
	v19 =	vadd.s32 $0xFFFFFE01, v19  }
0xa6: {  	v19 =	vcvt.s32.f32 v19  }
0xa7: {  	v20 =	vadd.s32 $0xFFFFFE01, v20  }
0xa8: {  	v20 =	vcvt.s32.f32 v20;
	v17 =	vsub.f32 v17, v19;
	_ =	sdelay $0x1  }
0xa9: {  	v18 =	vsub.f32 v18, v20;
	v17 =	vmul.f32 $1.024000000e+03, v17;
	_ =	sdelay $0x1  }
0xaa: {  	s28 =	smulhi.u32 $0xAAAAAAAB, s23;
	v18 =	vmul.f32 $1.024000000e+03, v18;
	v17 =	vadd.f32 $3.072500000e+03, v17  }
0xab: {  	s29 =	smul.u32 $0xAB, s23  }
0xac: {  	s28 =	sshrl.u32 s28, $0x2;
	v18 =	vadd.f32 $3.072500000e+03, v18;
	v17 =	vtrunc.f32 v17  }
0xad: {  	s29 =	sand.u32 $0xFC00, s29;
	s28 =	smul.u32 $0x1800, s28;
	v1 =	vcvt.f32.s32 v17  }
0xae: {  	v19 =	vmov s29;
	v18 =	vtrunc.f32 v18  }
0xaf: {  	s28 =	ssub.s32 $0x0, s28;
	v2 =	vcvt.f32.s32 v18;
	v20 =	vsub.s32 v1, v19  }
0xb0: {  	v21 =	vmov s28;
	v3 =	vand.u32 $0x7, v1;
	v20 =	vand.u32 $0xFFFFFFF8, v20  }
0xb1: {  	v21 =	vsub.s32 v2, v21;
	v22 =	vor.u32 v3, v20  }
0xb2: {  	v4 =	vand.u32 $0x7, v2;
	v21 =	vand.u32 $0xFFFFFFF8, v21  }
0xb3: {  	v21 =	vor.u32 v4, v21;
	_ =	sdelay $0x1  }
0xb4: {  	v28 =	vld.idx.msk [tilespmem:v7+s25+$0x0], $0xffff  }
0xb5: {  	v23 =	vld.idx.msk [tilespmem:v22+s18+$0x0], $0xffff  }
0xb6: {  	v22 =	vld.idx.msk [tilespmem:v22+s9+$0x0], $0xffff  }
0xb7: {  	v24 =	vld.idx.msk [tilespmem:v21+s19+$0x0], $0xffff  }
0xb8: {  	v21 =	vld.idx.msk [tilespmem:v21+s20+$0x0], $0xffff  }
0xb9: {  	v29 =	vld.idx.msk [tilespmem:v12+s25+$0x0], $0xffff  }
0xba: {  	v25 =	vld.idx.msk [tilespmem:v6+s25+$0x0], $0xffff  }
0xbb: {  	v31 =	vld.idx.msk [tilespmem:v9+s25+$0x0], $0xffff  }
0xbc: {  	v33 =	vld.idx.msk [tilespmem:v10+s25+$0x0], $0xffff  }
0xbd: {  	v37 =	vld.idx.msk [tilespmem:v50+s25+$0x0], $0xffff;
	v26 =	vmul.f32 v24, v22;
	v27 =	vmul.f32 v21, v23  }
0xbe: {  	v38 =	vld.idx.msk [tilespmem:v56+s25+$0x0], $0xffff;
	s28 =	simm.s32 $0x1;
	v23 =	vmul.f32 v24, v23;
	v21 =	vmul.f32 v21, v22  }
0xbf: {  	v0 =	vmov v32;
	s29 =	smulhi.u32 $0xAAAAAAAB, s28;
	v24 =	vld.idx.msk [tilespmem:v32+s25+$0x0], $0xffff;
	v32 =	vsub.f32 v26, v27  }
0xc0: {  	v41 =	vld.idx.msk [tilespmem:v41+s25+$0x0], $0xffff;
	s28 =	smul.u32 $0xAB, s28;
	v34 =	vadd.f32 v21, v23  }
0xc1: {  	v44 =	vld.idx.msk [tilespmem:v52+s25+$0x0], $0xffff;
	s29 =	sshrl.u32 s29, $0x2;
	v36 =	vmul.f32 v25, v32  }
0xc2: {  	v39 =	vimm.f32 $0.0e+00;
	v45 =	vld.idx.msk [tilespmem:v45+s25+$0x0], $0xffff;
	s28 =	sand.u32 $0xFC00, s28;
	s29 =	smul.u32 $0x1800, s29;
	v23 =	vmul.f32 v31, v34;
	v21 =	vmul.f32 v29, v34  }
0xc3: {  	v46 =	vld.idx.msk [tilespmem:v46+s25+$0x0], $0xffff;
	v26 =	vmov s28;
	v40 =	vmul.f32 v28, v34;
	v25 =	vmul.f32 v25, v34  }
0xc4: {  	s28 =	ssub.s32 $0x400, s29;
	v26 =	vsub.s32 v1, v26;
	v48 =	vmul.f32 v33, v34;
	v51 =	vmul.f32 v38, v34  }
0xc5: {  	v35 =	vld.idx.msk [tilespmem:v62+s25+$0x0], $0xffff;
	v27 =	vmov s28;
	v38 =	vmul.f32 v38, v32;
	v33 =	vmul.f32 v33, v32  }
0xc6: {  	v58 =	vld.idx.msk [tilespmem:v63+s25+$0x0], $0xffff;
	[tilespmem:$0x1FF20] =	vst v1;
	v26 =	vand.u32 $0xFFFFFFF8, v26;
	v54 =	vmul.f32 v41, v34;
	v49 =	vmul.f32 v44, v32  }
0xc7: {  	v22 =	vld.idx.msk [tilespmem:v13+s25+$0x0], $0xffff;
	v1 =	vmul.f32 v37, v32;
	v43 =	vor.u32 v3, v26;
	v26 =	vsub.s32 v2, v27  }
0xc8: {  	v57 =	vld.idx.msk [tilespmem:v15+s25+$0x0], $0xffff;
	v20 =	vmovc v50;
	v50 =	vmul.f32 v45, v34;
	v53 =	vmul.f32 v46, v32;
	v26 =	vand.u32 $0xFFFFFFF8, v26  }
0xc9: {  	v16 =	vmovc v56;
	v60 =	vmul.f32 v41, v32;
	v61 =	vmul.f32 v29, v32;
	v47 =	vor.u32 v4, v26  }
0xca: {  	[tilespmem:$0x1FF40] =	vst v2;
	v45 =	vmul.f32 v45, v32;
	v56 =	vmul.f32 v35, v32;
	v36 =	vadd.f32 v36, v39  }
0xcb: {  	v19 =	vmov v52;
	[tilespmem:$0x1FF30] =	vst v3;
	v52 =	vmul.f32 v31, v32;
	v41 =	vmul.f32 v58, v32  }
0xcc: {  	v30 =	vmul.f32 v34, v24;
	v42 =	vmul.f32 v22, v34;
	v36 =	vsub.f32 v36, v40;
	v40 =	vld.idx.msk [tilespmem:v43+s18+$0x0], $0xffff  }
0xcd: {  	v27 =	vmul.f32 v35, v34;
	v3 =	vmul.f32 v22, v32;
	v2 =	vadd.f32 v38, v39;
	v55 =	vld.idx.msk [tilespmem:v43+s9+$0x0], $0xffff  }
0xce: {  	v5 =	vmul.f32 v32, v24;
	v38 =	vadd.f32 v49, v39;
	v33 =	vadd.f32 v33, v39;
	v59 =	vld.idx.msk [tilespmem:v47+s19+$0x0], $0xffff  }
0xcf: {  	v49 =	vmul.f32 v57, v32;
	v22 =	vadd.f32 v53, v39;
	v53 =	vadd.f32 v60, v39;
	v47 =	vld.idx.msk [tilespmem:v47+s20+$0x0], $0xffff  }
0xd0: {  	v60 =	vadd.f32 v61, v39;
	v57 =	vmul.f32 v57, v34;
	v61 =	vmul.f32 v58, v34  }
0xd1: {  	s28 =	sadd.s32 $0x400, s25;
	v26 =	vmul.f32 v37, v34;
	v37 =	vmul.f32 v44, v34;
	v58 =	vadd.f32 v3, v39  }
0xd2: {  	v18 =	vmovc v4;
	v24 =	vld.idx.msk [tilespmem:v12+s28+$0x0], $0xffff;
	v44 =	vimm.f32 $0.0e+00;
	v29 =	vsub.f32 v2, v48;
	v33 =	vadd.f32 v33, v51  }
0xd3: {  	v35 =	vld.idx.msk [tilespmem:v0+s28+$0x0], $0xffff;
	v31 =	vadd.f32 v22, v54;
	v54 =	vmul.f32 v28, v32;
	v43 =	vmul.f32 v46, v34  }
0xd4: {  	v48 =	vld.idx.msk [tilespmem:v7+s28+$0x0], $0xffff;
	v51 =	vadd.f32 v45, v39;
	v4 =	vmul.f32 v59, v55;
	v7 =	vmul.f32 v47, v40  }
0xd5: {  	v32 =	vld.idx.msk [tilespmem:v9+s28+$0x0], $0xffff;
	v45 =	vimm.f32 $0.0e+00;
	v40 =	vmul.f32 v59, v40;
	v22 =	vmul.f32 v47, v55  }
0xd6: {  	v46 =	vadd.f32 v1, v39;
	v34 =	vld.idx.msk [tilespmem:v13+s28+$0x0], $0xffff;
	v59 =	vadd.f32 v5, v39;
	v47 =	vimm.f32 $0.0e+00  }
0xd7: {  	v14 =	vmovc v62;
	s30 =	simm.s32 $0x400;
	v17 =	vmovc v63;
	s29 =	simm.s32 $0x2;
	v55 =	vld.idx.msk [tilespmem:v6+s28+$0x0], $0xffff;
	v28 =	vsub.f32 v4, v7;
	v22 =	vadd.f32 v22, v40;
	v40 =	vimm.f32 $0.0e+00  }
.LBB2_12:
0xd8: {  	v3 =	vld [tilespmem:$0x1FF20]  }
0xd9: {  	s21 =	smul.u32 $0xAB, s29  }
0xda: {  	v6 =	vld [tilespmem:$0x1FF30]  }
0xdb: {  	s21 =	sand.u32 $0xFC00, s21  }
0xdc: {  	s22 =	smov.u32 s29;
	v1 =	vmov s21  }
0xdd: {  	s22 =	smulhi.u32 $0xAAAAAAAB, s22;
	v1 =	vsub.s32 v3, v1  }
0xde: {  	v1 =	vand.u32 $0xFFFFFFF8, v1  }
0xdf: {  	s22 =	sshrl.u32 s22, $0x2;
	v62 =	vmul.f32 v55, v28;
	v1 =	vor.u32 v6, v1;
	v6 =	vld [tilespmem:$0x1FF40]  }
0xe0: {  	v63 =	vmov v48;
	s22 =	smul.u32 $0x1800, s22  }
0xe1: {  	s30 =	sadd.s32 $0x400, s30;
	v7 =	vmul.f32 v63, v22;
	v36 =	vadd.f32 v62, v36  }
0xe2: {  	v44 =	vadd.f32 v52, v44;
	s21 =	ssub.s32 s30, s22  }
0xe3: {  	v36 =	vsub.f32 v36, v7;
	v7 =	vmov s21  }
0xe4: {  	v44 =	vadd.f32 v44, v27;
	v27 =	vsub.s32 v6, v7;
	v7 =	vld [tilespmem:$0x1FF90]  }
0xe5: {  	v0 =	vld.idx.msk [tilespmem:v14+s28+$0x0], $0xffff  }
0xe6: {  	v39 =	vadd.f32 v56, v39;
	v56 =	vld.idx.msk [tilespmem:v20+s28+$0x0], $0xffff  }
0xe7: {  	v58 =	vadd.f32 v58, v57;
	v57 =	vld [tilespmem:$0x1FFF0]  }
0xe8: {  	v46 =	vsub.f32 v46, v37;
	v37 =	vld [tilespmem:$0x1FF80]  }
0xe9: {  	v52 =	vld.idx.msk [tilespmem:v16+s28+$0x0], $0xffff  }
0xea: {  	v47 =	vadd.f32 v54, v47;
	v54 =	vld.idx.msk [tilespmem:v19+s28+$0x0], $0xffff  }
0xeb: {  	v45 =	vadd.f32 v49, v45;
	v5 =	vld.idx.msk [tilespmem:v15+s28+$0x0], $0xffff  }
0xec: {  	v38 =	vadd.f32 v38, v26;
	v53 =	vsub.f32 v53, v43;
	v43 =	vld.idx.msk [tilespmem:v7+s28+$0x0], $0xffff  }
0xed: {  	v12 =	vld [tilespmem:$0x1FFB0];
	v60 =	vsub.f32 v60, v50;
	v51 =	vadd.f32 v51, v21  }
0xee: {  	v47 =	vadd.f32 v47, v25;
	v45 =	vsub.f32 v45, v42;
	v62 =	vld.idx.msk [tilespmem:v10+s28+$0x0], $0xffff  }
0xef: {  	v39 =	vsub.f32 v39, v23;
	v50 =	vmul.f32 v24, v22;
	v55 =	vmul.f32 v55, v22;
	v49 =	vld.idx.msk [tilespmem:v57+s28+$0x0], $0xffff  }
0xf0: {  	v4 =	vmul.f32 v52, v22;
	v23 =	vmul.f32 v54, v28;
	v57 =	vld.idx.msk [tilespmem:v37+s28+$0x0], $0xffff;
	v37 =	vadd.f32 v41, v40  }
0xf1: {  	v3 =	vld.idx.msk [tilespmem:v17+s28+$0x0], $0xffff;
	v21 =	vmovc v50;
	v50 =	vmul.f32 v52, v28;
	v26 =	vand.u32 $0xFFFFFFF8, v27;
	v8 =	vmul.f32 v43, v28  }
0xf2: {  	v13 =	vmovc v10;
	v10 =	vmul.f32 v24, v28;
	v24 =	vld [tilespmem:$0x1FFD0];
	v40 =	vadd.f32 v37, v30;
	v42 =	vor.u32 v18, v26  }
0xf3: {  	v37 =	vmul.f32 v54, v22;
	v54 =	vmul.f32 v63, v28;
	v63 =	vadd.f32 v8, v31;
	v8 =	vld [tilespmem:$0x1FFC0]  }
0xf4: {  	v25 =	vmov v55;
	v55 =	vmul.f32 v62, v22;
	v52 =	vmul.f32 v62, v28;
	v62 =	vld.idx.msk [tilespmem:v1+s18+$0x0], $0xffff  }
0xf5: {  	v48 =	vmul.f32 v32, v22;
	v1 =	vld.idx.msk [tilespmem:v1+s9+$0x0], $0xffff  }
0xf6: {  	v29 =	vadd.f32 v50, v29;
	v50 =	vmul.f32 v57, v22;
	v11 =	vmul.f32 v57, v28;
	v57 =	vld [tilespmem:$0x1FFA0]  }
0xf7: {  	v38 =	vadd.f32 v23, v38;
	v7 =	vld.idx.msk [tilespmem:v42+s19+$0x0], $0xffff  }
0xf8: {  	v23 =	vmov v48;
	v41 =	vmul.f32 v3, v28;
	v6 =	vmul.f32 v49, v22;
	v42 =	vld.idx.msk [tilespmem:v42+s20+$0x0], $0xffff;
	s28 =	sadd.s32 $0x400, s28  }
0xf9: {  	v30 =	vmul.f32 v56, v28;
	v33 =	vadd.f32 v52, v33;
	v52 =	vmul.f32 v32, v28;
	v48 =	vld.idx.msk [tilespmem:v12+s28+$0x0], $0xffff  }
0xfa: {  	v26 =	vmul.f32 v56, v22;
	v9 =	vmul.f32 v49, v28;
	v31 =	vadd.f32 v63, v6;
	v63 =	vld [tilespmem:$0x1FFE0]  }
0xfb: {  	v49 =	vmul.f32 v5, v28;
	v56 =	vmul.f32 v0, v28;
	v32 =	vld.idx.msk [tilespmem:v8+s28+$0x0], $0xffff  }
0xfc: {  	v12 =	vmul.f32 v34, v28;
	v8 =	vmul.f32 v28, v35;
	v28 =	vld [tilespmem:$0x1FF60]  }
0xfd: {  	v59 =	vsub.f32 v59, v61;
	v61 =	vmul.f32 v22, v35  }
0xfe: {  	v2 =	vmul.f32 v34, v22;
	v60 =	vadd.f32 v10, v60;
	v29 =	vsub.f32 v29, v55  }
0xff: {  	p0 =	sne.s32 s29, $0x23;
	v27 =	vmul.f32 v0, v22;
	v46 =	vadd.f32 v30, v46;
	v33 =	vadd.f32 v33, v4  }
.Ltmp4:
0x100: {  	v53 =	vadd.f32 v9, v53;
	v9 =	vmul.f32 v42, v62;
	v42 =	vmul.f32 v42, v1;
	(pc) =	sbr.rel @p0 .LBB2_12-.Ltmp4, $4  }
0x101: {  	v30 =	vmov v61;
	v24 =	vld.idx.msk [tilespmem:v24+s28+$0x0], $0xffff;
	v4 =	vmul.f32 v7, v1;
	v7 =	vmul.f32 v7, v62  }
0x102: {  	v61 =	vmul.f32 v3, v22;
	v51 =	vadd.f32 v11, v51;
	v55 =	vld.idx.msk [tilespmem:v57+s28+$0x0], $0xffff;
	v57 =	vmul.f32 v5, v22  }
0x103: {  	v58 =	vadd.f32 v12, v58;
	v43 =	vmul.f32 v43, v22;
	v22 =	vadd.f32 v42, v7;
	v34 =	vld.idx.msk [tilespmem:v63+s28+$0x0], $0xffff  }
0x104: {  	s29 =	sadd.s32 $0x1, s29;
	v10 =	vmovc v13;
	v42 =	vmov v2;
	v59 =	vadd.f32 v8, v59;
	v35 =	vld.idx.msk [tilespmem:v28+s28+$0x0], $0xffff;
	v28 =	vsub.f32 v4, v9  }
0x105: {  	_ =	sdelay $0x1  }
0x106: {  	v3 =	vadd.f32 v56, v39;
	v4 =	vsub.f32 v60, v50  }
0x107: {  	v7 =	vadd.f32 v52, v44;
	v9 =	vadd.f32 v54, v47  }
0x108: {  	v1 =	vmul.f32 v48, v22;
	v2 =	vld.idx.msk [tilespmem:v10+s28+$0x0], $0xffff;
	v11 =	vadd.f32 v58, v57;
	v54 =	vadd.f32 v49, v45  }
0x109: {  	v52 =	vmov v19;
	v12 =	vld.idx.msk [tilespmem:v19+s28+$0x0], $0xffff;
	v19 =	vsub.f32 v53, v43;
	v57 =	vadd.f32 v38, v26  }
0x10a: {  	v5 =	vld.idx.msk [tilespmem:v14+s28+$0x0], $0xffff;
	v10 =	vmul.f32 v32, v22;
	v21 =	vadd.f32 v51, v21;
	v40 =	vadd.f32 v41, v40  }
0x10b: {  	v8 =	vld.idx.msk [tilespmem:v16+s28+$0x0], $0xffff;
	v6 =	vsub.f32 v59, v61;
	v61 =	vmul.f32 v32, v28;
	v44 =	vmul.f32 v48, v28  }
0x10c: {  	v0 =	vmul.f32 v55, v28;
	v7 =	vadd.f32 v7, v27;
	v9 =	vadd.f32 v9, v25  }
0x10d: {  	v62 =	vmovc v14;
	v27 =	vmul.f32 v55, v22;
	v14 =	vsub.f32 v54, v42;
	v3 =	vsub.f32 v3, v23  }
0x10e: {  	v47 =	vld [tilespmem:$0x1FFF0];
	v30 =	vadd.f32 v40, v30;
	v0 =	vadd.f32 v0, v36;
	v50 =	vmul.f32 v22, v35  }
0x10f: {  	v49 =	vld [tilespmem:$0x1FF90];
	v36 =	vsub.f32 v46, v37;
	v60 =	vmul.f32 v28, v35;
	v26 =	vmul.f32 v5, v22  }
0x110: {  	v55 =	vld.idx.msk [tilespmem:v17+s28+$0x0], $0xffff;
	v7 =	vadd.f32 v61, v7;
	v59 =	vmul.f32 v2, v22;
	v63 =	vmul.f32 v8, v28  }
0x111: {  	v41 =	vld.idx.msk [tilespmem:v15+s28+$0x0], $0xffff;
	v9 =	vadd.f32 v44, v9;
	v2 =	vmul.f32 v2, v28;
	v18 =	vmul.f32 v12, v28  }
0x112: {  	v12 =	vmul.f32 v12, v22;
	v0 =	vsub.f32 v0, v1;
	v6 =	vadd.f32 v60, v6  }
0x113: {  	v32 =	vld [tilespmem:$0x1FF60];
	v5 =	vmul.f32 v5, v28;
	v9 =	vadd.f32 v9, v27;
	v29 =	vadd.f32 v63, v29  }
0x114: {  	v8 =	vmul.f32 v8, v22;
	v1 =	vld.idx.msk [tilespmem:v20+s28+$0x0], $0xffff;
	v25 =	vadd.f32 v18, v57;
	v2 =	vadd.f32 v2, v33  }
0x115: {  	v46 =	vld [tilespmem:$0x1FF80];
	v57 =	vmul.f32 v24, v28;
	v40 =	vmul.f32 v55, v22;
	v3 =	vadd.f32 v5, v3  }
0x116: {  	v56 =	vmovc v20;
	v5 =	vmul.f32 v41, v22;
	v48 =	vmul.f32 v55, v28;
	v7 =	vadd.f32 v7, v26;
	v26 =	vld [tilespmem:s15+$0x6180]  }
0x117: {  	v20 =	vld.idx.msk [tilespmem:v47+s28+$0x0], $0xffff;
	v29 =	vsub.f32 v29, v59;
	v59 =	vmul.f32 v34, v28;
	v4 =	vadd.f32 v57, v4  }
0x118: {  	v37 =	vld.idx.msk [tilespmem:v49+s28+$0x0], $0xffff;
	v6 =	vsub.f32 v6, v40;
	v3 =	vsub.f32 v3, v10;
	v10 =	vmov s15  }
0x119: {  	v2 =	vadd.f32 v2, v8;
	v10 =	vshll.u32 v10, $0x4;
	v51 =	vmul.f32 v1, v28  }
0x11a: {  	v63 =	vmovc v17;
	v17 =	vld [tilespmem:s15+$0x6140];
	v11 =	vadd.f32 v59, v11;
	v1 =	vmul.f32 v1, v22;
	v10 =	vor.u32 v32, v10  }
0x11b: {  	v59 =	vmul.f32 v26, v9;
	v60 =	vor.u32 $0x1, v10;
	v33 =	vmul.f32 v26, v7  }
0x11c: {  	v35 =	vor.u32 $0x2, v10;
	v8 =	vmul.f32 v26, v2;
	v23 =	vmul.f32 v20, v22  }
0x11d: {  	v54 =	vmul.f32 v37, v28;
	v20 =	vmul.f32 v20, v28;
	v36 =	vadd.f32 v51, v36  }
0x11e: {  	v58 =	vld.idx.msk [tilespmem:v46+s28+$0x0], $0xffff;
	v45 =	vmul.f32 v37, v22;
	v5 =	vadd.f32 v11, v5;
	v51 =	vmul.f32 v34, v22  }
0x11f: {  	v1 =	vadd.f32 v25, v1;
	v55 =	vmul.f32 v17, v6;
	v6 =	vmul.f32 v26, v6  }
0x120: {  	v37 =	vor.u32 $0x4, v10;
	v9 =	vmul.f32 v17, v9;
	v61 =	vmul.f32 v17, v3  }
0x121: {  	v3 =	vmul.f32 v26, v3;
	v7 =	vmul.f32 v17, v7;
	v31 =	vadd.f32 v54, v31  }
0x122: {  	v2 =	vmul.f32 v17, v2;
	v19 =	vadd.f32 v20, v19;
	v20 =	vadd.f32 v48, v30  }
0x123: {  	v12 =	vsub.f32 v36, v12;
	v40 =	vmul.f32 v26, v5;
	v38 =	vmul.f32 v58, v28  }
0x124: {  	v36 =	vsub.f32 v61, v33;
	v53 =	vmul.f32 v58, v22;
	v18 =	vadd.f32 v20, v50  }
0x125: {  	v44 =	vadd.f32 v3, v7;
	v58 =	vmul.f32 v41, v28;
	v21 =	vadd.f32 v38, v21  }
0x126: {  	v4 =	vsub.f32 v4, v53;
	v53 =	vmul.f32 v24, v22;
	v57 =	vmul.f32 v26, v18  }
0x127: {  	v11 =	vadd.f32 v58, v14;
	v58 =	vmul.f32 v17, v0;
	v0 =	vmul.f32 v26, v0  }
0x128: {  	v23 =	vadd.f32 v31, v23;
	v18 =	vmul.f32 v17, v18;
	v54 =	vadd.f32 v21, v53  }
0x129: {  	v21 =	vsub.f32 v55, v57;
	v0 =	vadd.f32 v0, v9;
	v9 =	vor.u32 $0x3, v10  }
0x12a: {  	v5 =	vmul.f32 v17, v5;
	v19 =	vsub.f32 v19, v45;
	v6 =	vadd.f32 v6, v18  }
0x12b: {  	v38 =	vor.u32 $0x5, v10;
	v11 =	vsub.f32 v11, v51;
	v34 =	vsub.f32 v58, v59;
	[tilespmem:v10+s3+$0x0] =	vst.idx.msk $0xffff, v21  }
0x12c: {  	v50 =	vmul.f32 v17, v19;
	v42 =	vmul.f32 v17, v4;
	[tilespmem:v60+s3+$0x0] =	vst.idx.msk $0xffff, v6;
	v6 =	vor.u32 $0x6, v10  }
0x12d: {  	v41 =	vor.u32 $0x7, v10;
	v48 =	vmul.f32 v26, v4;
	v39 =	vmul.f32 v17, v11;
	[tilespmem:v35+s3+$0x0] =	vst.idx.msk $0xffff, v34  }
0x12e: {  	v53 =	vmul.f32 v17, v23;
	v11 =	vmul.f32 v26, v11;
	[tilespmem:v9+s3+$0x0] =	vst.idx.msk $0xffff, v0  }
0x12f: {  	v55 =	vmul.f32 v26, v1;
	v45 =	vsub.f32 v39, v40;
	v9 =	vor.u32 $0x8, v10;
	[tilespmem:v37+s3+$0x0] =	vst.idx.msk $0xffff, v36  }
0x130: {  	v43 =	vmul.f32 v26, v54;
	v5 =	vadd.f32 v11, v5;
	v11 =	vor.u32 $0x9, v10;
	[tilespmem:v38+s3+$0x0] =	vst.idx.msk $0xffff, v44  }
0x131: {  	v51 =	vor.u32 $0xA, v10;
	v4 =	vmul.f32 v17, v54;
	[tilespmem:v6+s3+$0x0] =	vst.idx.msk $0xffff, v45;
	v6 =	vmul.f32 v26, v23  }
0x132: {  	v54 =	vor.u32 $0xB, v10;
	v7 =	vsub.f32 v42, v43;
	[tilespmem:v41+s3+$0x0] =	vst.idx.msk $0xffff, v5;
	v5 =	vmul.f32 v26, v19  }
0x133: {  	v0 =	vadd.f32 v48, v4;
	v3 =	vsub.f32 v50, v6;
	v6 =	vor.u32 $0xC, v10  }
0x134: {  	v4 =	vmul.f32 v17, v12;
	[tilespmem:v9+s3+$0x0] =	vst.idx.msk $0xffff, v7;
	v57 =	vadd.f32 v5, v53;
	v5 =	vor.u32 $0xD, v10  }
0x135: {  	s26 =	sadd.s32 $0x1, s26;
	v58 =	vmul.f32 v26, v12;
	v1 =	vmul.f32 v17, v1;
	v7 =	vor.u32 $0xE, v10;
	[tilespmem:v11+s3+$0x0] =	vst.idx.msk $0xffff, v0  }
0x136: {  	p0 =	sne.s32 s26, $0x4;
	v59 =	vmul.f32 v17, v29;
	v4 =	vsub.f32 v4, v55;
	v9 =	vor.u32 $0xF, v10;
	[tilespmem:v51+s3+$0x0] =	vst.idx.msk $0xffff, v3  }
.Ltmp5:
0x137: {  	v1 =	vadd.f32 v58, v1;
	v60 =	vmul.f32 v26, v29;
	v12 =	vld [tilespmem:$0x1FFD0];
	[tilespmem:v54+s3+$0x0] =	vst.idx.msk $0xffff, v57;
	(pc) =	sbr.rel @p0 .LBB2_11-.Ltmp5, $4  }
0x138: {  	v10 =	vmov v13;
	v0 =	vsub.f32 v59, v8;
	v13 =	vld [tilespmem:$0x1FFE0];
	[tilespmem:v6+s3+$0x0] =	vst.idx.msk $0xffff, v4  }
0x139: {  	v61 =	vadd.f32 v60, v2;
	v6 =	vld [tilespmem:$0x1FFA0];
	[tilespmem:v5+s3+$0x0] =	vst.idx.msk $0xffff, v1  }
0x13a: {  	[tilespmem:v7+s3+$0x0] =	vst.idx.msk $0xffff, v0;
	v7 =	vld [tilespmem:$0x1FFB0]  }
0x13b: {  	s25 =	sadd.s32 $0x100, s25;
	v45 =	vmovc v46;
	v46 =	vmovc v49;
	v41 =	vmov v47;
	v50 =	vmov v56;
	v56 =	vmov v16;
	[tilespmem:v9+s3+$0x0] =	vst.idx.msk $0xffff, v61;
	v9 =	vld [tilespmem:$0x1FFC0]  }
0x13c: {  	s5 =	sshll.u32 s5, $0x1;
	p0 =	seq.s32 s7, $0x3F  }
.Ltmp6:
0x13d: {  	s5 =	sadd.s32 s8, s5;
	(pc) =	sbr.rel @p0 .LBB2_20-.Ltmp6, $4  }
0x13e: {  	[hbm4b:s5+s9] =	stream.linear.scatter [tilespmem:s3], [sflag:$0x3], $0x400, $0x38;
	[tilespmem:$0x197C0] =	vst v63  }
0x13f: {  	_ =	swait.ge [sflag:s17], $0x400  }
0x140: {  	[sflag:s17] =	ssyncset.done $0x0  }
0x141: {  	v8 =	vld [tilespmem:$0x1FF50];
	[sflag:s17] =	ssyncadd.s32 $0xFFFFFC00  }
0x142: {  	s5 =	rddreg [dreg:$0xa]  }
0x143: {  	s5 =	sadd.s32 s16, s5  }
0x144: {  	s15 =	simm.s32 $0x40;
	s5 =	sshrl.u32 s5, $0x3  }
0x145: {  	s30 =	simm.s32 $0x20000;
	s21 =	simm.s32 $0x6040;
	s5 =	sadd.s32 s13, s5  }
0x146: {  	[tilespmem:s21], [sflag:$0x3] =	stream.strided.gather [hbm4b:s5+s15], $0x80, s30, s15, $0x38;
	[tilespmem:$0x197C0] =	vst v63  }
0x147: {  	_ =	swait.ge [sflag:s17], $0x80  }
0x148: {  	[sflag:s17] =	ssyncset.done $0x0  }
0x149: {  	s5 =	simm.s32 $0x0;
	s15 =	simm.s32 $0x6280;
	[sflag:s17] =	ssyncadd.s32 $0xFFFFFF80  }
.LBB2_16:
0x14a: {  	s16 =	sshll.u32 s5, $0x4  }
0x14b: {  	v0 =	vld [tilespmem:s16+$0x6040]  }
0x14c: {  	v1 =	vld [tilespmem:s16+$0x6080];
	_ =	sdelay $0x4  }
0x14d: {  	v0 =	vmul.f32 $8.148732760e+01, v0;
	v1 =	vmul.f32 $8.148732760e+01, v1;
	_ =	sdelay $0x1  }
0x14e: {  	s28 =	simm.s32 $0x200;
	v0 =	vadd.f32 $5.090000000e+02, v0;
	v1 =	vadd.f32 $5.090000000e+02, v1  }
0x14f: {  	v2 =	vmov s28  }
0x150: {  	v51 =	vadd.s32 $0xFFFFFE01, v2;
	v0 =	vtrunc.f32 v0;
	v1 =	vtrunc.f32 v1  }
0x151: {  	v17 =	vcvt.f32.s32 v0;
	v0 =	vbroadcast v51, $0x0  }
0x152: {  	v1 =	vcvt.f32.s32 v1  }
0x153: {  	v0 =	vadd.s32 v17, v0  }
0x154: {  	s29 =	simm.s32 $0x201;
	v1 =	vadd.s32 $0x1, v1;
	v53 =	vshra.s32 v0, $0x1F  }
0x155: {  	v4 =	vmov s29;
	v3 =	vshra.s32 v1, $0x1F;
	v2 =	vshrl.u32 v53, $0x17  }
0x156: {  	v4 =	vadd.s32 $0xFFFFFE01, v4;
	v3 =	vshrl.u32 v3, $0x17;
	v2 =	vadd.s32 v2, v0  }
0x157: {  	v4 =	vbroadcast v4, $0x0;
	v3 =	vadd.s32 v3, v1;
	v2 =	vshrl.u32 v2, $0x9  }
0x158: {  	v3 =	vshrl.u32 v3, $0x9;
	v2 =	vshll.u32 v2, $0x9  }
0x159: {  	v4 =	vadd.s32 v17, v4;
	v3 =	vshll.u32 v3, $0x9;
	v0 =	vsub.s32 v0, v2  }
0x15a: {  	s30 =	simm.s32 $0x202;
	v54 =	vshra.s32 v4, $0x1F;
	v1 =	vsub.s32 v1, v3;
	v0 =	vmul.u32 $0x205, v0  }
0x15b: {  	v55 =	vmov s30;
	v2 =	vshrl.u32 v54, $0x17;
	v18 =	vadd.s32 v8, v1  }
0x15c: {  	v1 =	vadd.s32 $0xFFFFFE01, v55;
	v2 =	vadd.s32 v2, v4;
	v19 =	vadd.s32 v0, v18  }
0x15d: {  	v57 =	vbroadcast v1, $0x0;
	v58 =	vshrl.u32 v2, $0x9;
	v59 =	vadd.s32 $0x5, v19  }
0x15e: {  	v1 =	vshll.u32 v58, $0x9;
	v60 =	vadd.s32 $0x1, v19;
	v5 =	vadd.s32 $0x2, v19;
	[tilespmem:s15+$0x80] =	vst v59  }
0x15f: {  	v20 =	vadd.s32 v17, v57;
	v61 =	vsub.s32 v4, v1;
	v21 =	vadd.s32 $0x3, v19;
	[tilespmem:s15+$0xFFFFFF80] =	vst v60  }
0x160: {  	s23 =	simm.s32 $0x203;
	s16 =	smov.u32 s15;
	v23 =	vadd.s32 $0x4, v19;
	v24 =	vshra.s32 v20, $0x1F;
	v22 =	vmul.u32 $0x205, v61;
	[tilespmem:s15+$0xFFFFFFC0] =	vst v5  }
.LBB2_17:
0x161: {  	v0 =	vmov s23;
	p0 =	sne.s32 s23, $0x205;
	s23 =	sadd.s32 $0x1, s23;
	v1 =	vshrl.u32 v24, $0x17;
	[tilespmem:s16+$0x0] =	vst v21  }
.Ltmp7:
0x162: {  	v0 =	vadd.s32 $0xFFFFFE01, v0;
	v1 =	vadd.s32 v1, v20;
	v2 =	vadd.s32 v22, v18;
	[tilespmem:s16+$0x40] =	vst v23;
	(pc) =	sbr.rel @p0 .LBB2_17-.Ltmp7, $4  }
0x163: {  	v0 =	vbroadcast v0, $0x0;
	v1 =	vshrl.u32 v1, $0x9;
	v3 =	vadd.s32 $0x5, v2;
	[tilespmem:s16+$0xFFFFFF40] =	vst v19;
	s16 =	sadd.s32 $0x180, s16;
	v19 =	vmovc v2  }
0x164: {  	v1 =	vshll.u32 v1, $0x9;
	v2 =	vadd.s32 $0x1, v19;
	v4 =	vadd.s32 $0x2, v19;
	[tilespmem:s16+$0x80] =	vst v3  }
0x165: {  	v21 =	vadd.s32 $0x3, v19;
	v1 =	vsub.s32 v20, v1;
	v20 =	vadd.s32 v17, v0;
	[tilespmem:s16+$0xFFFFFF80] =	vst v2  }
0x166: {  	v23 =	vadd.s32 $0x4, v19;
	v24 =	vshra.s32 v20, $0x1F;
	v22 =	vmul.u32 $0x205, v1;
	[tilespmem:s16+$0xFFFFFFC0] =	vst v4  }
0x167: {  	[tilespmem:s16+$0x0] =	vst v21  }
0x168: {  	v0 =	vshrl.u32 v24, $0x17;
	[tilespmem:s16+$0x40] =	vst v23  }
0x169: {  	[tilespmem:s16+$0xFFFFFF40] =	vst v19;
	s30 =	sadd.s32 $0x180, s16;
	v0 =	vadd.s32 v0, v20;
	v1 =	vadd.s32 v22, v18  }
0x16a: {  	v0 =	vshrl.u32 v0, $0x9;
	v2 =	vadd.s32 $0x5, v1;
	[tilespmem:s30+$0xFFFFFF40] =	vst v1  }
0x16b: {  	v3 =	vadd.s32 $0x1, v1;
	v0 =	vshll.u32 v0, $0x9;
	[tilespmem:s30+$0x80] =	vst v2  }
0x16c: {  	v53 =	vadd.s32 $0x2, v1;
	[tilespmem:s30+$0xFFFFFF80] =	vst v3;
	v0 =	vsub.s32 v20, v0  }
0x16d: {  	v54 =	vadd.s32 $0x3, v1;
	[tilespmem:s30+$0xFFFFFFC0] =	vst v53;
	v0 =	vmul.u32 $0x205, v0  }
0x16e: {  	v55 =	vadd.s32 $0x4, v1;
	[tilespmem:s30+$0x0] =	vst v54  }
0x16f: {  	s5 =	sadd.s32 $0x1, s5;
	s16 =	sadd.s32 $0x180, s30;
	[tilespmem:s30+$0x40] =	vst v55;
	v0 =	vadd.s32 v0, v18  }
0x170: {  	p0 =	sne.s32 s5, $0x4;
	v57 =	vadd.s32 $0x5, v0;
	[tilespmem:s16+$0xFFFFFF40] =	vst v0  }
.Ltmp8:
0x171: {  	v58 =	vadd.s32 $0x1, v0;
	[tilespmem:s16+$0x80] =	vst v57;
	(pc) =	sbr.rel @p0 .LBB2_16-.Ltmp8, $4  }
0x172: {  	v59 =	vadd.s32 $0x2, v0;
	[tilespmem:s16+$0xFFFFFF80] =	vst v58  }
0x173: {  	v60 =	vadd.s32 $0x3, v0;
	[tilespmem:s16+$0xFFFFFFC0] =	vst v59  }
0x174: {  	v61 =	vadd.s32 $0x4, v0;
	[tilespmem:s16+$0x0] =	vst v60  }
0x175: {  	s15 =	sadd.s32 $0x10, s15;
	[tilespmem:s16+$0x40] =	vst v61  }
0x176: {  	s5 =	simm.s32 $0x61C0;
	s15 =	simm.s32 $0x73C0  }
0x177: {  	[tilespmem:s15], [sflag:$0x1] =	stream.indirect.gather [hbm4b:s11+s24], $0x10, s5, s24, $0xb8;
	[tilespmem:$0x197C0] =	vst v63  }
.LBB2_20:
0x178: {  	_ =	swait.ge [sflag:s4], $0x9000;
	s14 =	sor.u32 s10, s14  }
0x179: {  	[sflag:s4] =	ssyncset.done $0x0;
	s15 =	sshrl.u32 s14, $0x3  }
0x17a: {  	s5 =	simm.s32 $0x0;
	[sflag:s4] =	ssyncadd.s32 $0xFFFF7000;
	s16 =	sadd.s32 s0, s15  }
0x17b: {  	[tilespmem:s2], [sflag:$0x3] =	stream.linear.gather [hbm4b:s16+s5], $0x40, $0x38;
	[tilespmem:$0x197C0] =	vst v63  }
0x17c: {  	_ =	swait.ge [sflag:s17], $0x40  }
0x17d: {  	[sflag:s17] =	ssyncset.done $0x0  }
0x17e: {  	s15 =	sadd.s32 s1, s15;
	[sflag:s17] =	ssyncadd.s32 $0xFFFFFFC0  }
0x17f: {  	[tilespmem:s6], [sflag:$0x3] =	stream.linear.gather [hbm4b:s15+s5], $0x40, $0x38;
	[tilespmem:$0x197C0] =	vst v63  }
0x180: {  	_ =	swait.ge [sflag:s17], $0x40  }
0x181: {  	s7 =	sadd.s32 $0x1, s7;
	[sflag:s17] =	ssyncset.done $0x0  }
0x182: {  	s23 =	simm.s32 $0x0;
	s16 =	simm.s32 $0x103C0;
	[sflag:s17] =	ssyncadd.s32 $0xFFFFFFC0  }
.LBB2_21:
0x183: {  	s15 =	sshll.u32 s23, $0x4  }
0x184: {  	v0 =	vld [tilespmem:s15+$0x60C0];
	_ =	sdelay $0x1  }
0x185: {  	v1 =	vld [tilespmem:s15+$0x6100];
	_ =	sdelay $0x2  }
0x186: {  	v0 =	vmul.f32 $8.148732760e+01, v0;
	_ =	sdelay $0x1  }
0x187: {  	v1 =	vmul.f32 $8.148732760e+01, v1;
	v2 =	vadd.f32 $5.090000000e+02, v0;
	_ =	sdelay $0x1  }
0x188: {  	v3 =	vadd.f32 $5.090000000e+02, v1;
	v2 =	vtrunc.f32 v2  }
0x189: {  	v2 =	vcvt.f32.s32 v2  }
0x18a: {  	v3 =	vtrunc.f32 v3  }
0x18b: {  	v3 =	vcvt.f32.s32 v3;
	v2 =	vadd.s32 $0xFFFFFE01, v2  }
0x18c: {  	v2 =	vcvt.s32.f32 v2  }
0x18d: {  	v3 =	vadd.s32 $0xFFFFFE01, v3  }
0x18e: {  	v3 =	vcvt.s32.f32 v3;
	v0 =	vsub.f32 v0, v2;
	_ =	sdelay $0x1  }
0x18f: {  	v1 =	vsub.f32 v1, v3;
	v0 =	vmul.f32 $1.024000000e+03, v0;
	_ =	sdelay $0x1  }
0x190: {  	s21 =	smulhi.u32 $0xAAAAAAAB, s5;
	v1 =	vmul.f32 $1.024000000e+03, v1;
	v0 =	vadd.f32 $3.072500000e+03, v0  }
0x191: {  	s22 =	smul.u32 $0xAB, s5  }
0x192: {  	s21 =	sshrl.u32 s21, $0x2;
	v1 =	vadd.f32 $3.072500000e+03, v1;
	v0 =	vtrunc.f32 v0  }
0x193: {  	s22 =	sand.u32 $0xFC00, s22;
	s21 =	smul.u32 $0x1800, s21;
	v14 =	vcvt.f32.s32 v0  }
0x194: {  	v37 =	vmov s22;
	v36 =	vtrunc.f32 v1  }
0x195: {  	s21 =	ssub.s32 $0x0, s21;
	v17 =	vcvt.f32.s32 v36;
	v38 =	vsub.s32 v14, v37  }
0x196: {  	v39 =	vmov s21;
	v18 =	vand.u32 $0x7, v14;
	v0 =	vand.u32 $0xFFFFFFF8, v38  }
0x197: {  	v1 =	vsub.s32 v17, v39;
	v0 =	vor.u32 v18, v0  }
0x198: {  	v19 =	vand.u32 $0x7, v17;
	v1 =	vand.u32 $0xFFFFFFF8, v1  }
0x199: {  	v1 =	vor.u32 v19, v1;
	_ =	sdelay $0x2  }
0x19a: {  	v40 =	vld.idx.msk [tilespmem:v0+s18+$0x0], $0xffff  }
0x19b: {  	v0 =	vld.idx.msk [tilespmem:v0+s9+$0x0], $0xffff  }
0x19c: {  	v42 =	vld.idx.msk [tilespmem:v1+s19+$0x0], $0xffff  }
0x19d: {  	v1 =	vld.idx.msk [tilespmem:v1+s20+$0x0], $0xffff  }
0x19e: {  	v51 =	vld.idx.msk [tilespmem:v7+s16+$0x0], $0xffff  }
0x19f: {  	v5 =	vld.idx.msk [tilespmem:v12+s16+$0x0], $0xffff;
	s26 =	simm.s32 $0x1  }
0x1a0: {  	v43 =	vld.idx.msk [tilespmem:v6+s16+$0x0], $0xffff;
	s29 =	smulhi.u32 $0xAAAAAAAB, s26  }
0x1a1: {  	v8 =	vld.idx.msk [tilespmem:v9+s16+$0x0], $0xffff  }
0x1a2: {  	v49 =	vld.idx.msk [tilespmem:v10+s16+$0x0], $0xffff;
	s22 =	sshrl.u32 s29, $0x2;
	v44 =	vmul.f32 v42, v0;
	v47 =	vmul.f32 v1, v40  }
0x1a3: {  	s22 =	smul.u32 $0x1800, s22;
	v3 =	vld.idx.msk [tilespmem:v32+s16+$0x0], $0xffff;
	v2 =	vmul.f32 v42, v40;
	v0 =	vmul.f32 v1, v0  }
0x1a4: {  	v53 =	vld.idx.msk [tilespmem:v62+s16+$0x0], $0xffff;
	s21 =	smul.u32 $0xAB, s26  }
0x1a5: {  	v48 =	vmovc v7;
	v4 =	vmov v12;
	v12 =	vld.idx.msk [tilespmem:v50+s16+$0x0], $0xffff;
	s30 =	ssub.s32 $0x400, s22;
	v7 =	vsub.f32 v44, v47;
	v0 =	vadd.f32 v0, v2  }
0x1a6: {  	v22 =	vld.idx.msk [tilespmem:v56+s16+$0x0], $0xffff;
	v26 =	vmov s30;
	s21 =	sand.u32 $0xFC00, s21  }
0x1a7: {  	v28 =	vld.idx.msk [tilespmem:v41+s16+$0x0], $0xffff;
	v11 =	vmov s21;
	v54 =	vmul.f32 v43, v7;
	v23 =	vmul.f32 v8, v0  }
0x1a8: {  	v58 =	vld.idx.msk [tilespmem:v52+s16+$0x0], $0xffff;
	v26 =	vsub.s32 v17, v26;
	v21 =	vmul.f32 v5, v0;
	v30 =	vmul.f32 v0, v3  }
0x1a9: {  	v29 =	vld.idx.msk [tilespmem:v45+s16+$0x0], $0xffff;
	v26 =	vand.u32 $0xFFFFFFF8, v26;
	v24 =	vmul.f32 v51, v0;
	v25 =	vmul.f32 v43, v0  }
0x1aa: {  	v31 =	vld.idx.msk [tilespmem:v46+s16+$0x0], $0xffff;
	v59 =	vor.u32 v19, v26;
	v27 =	vmul.f32 v53, v0;
	v26 =	vmul.f32 v12, v0  }
0x1ab: {  	v11 =	vsub.s32 v14, v11;
	v33 =	vmul.f32 v49, v0;
	v35 =	vmul.f32 v22, v0  }
0x1ac: {  	v11 =	vand.u32 $0xFFFFFFF8, v11;
	v22 =	vmul.f32 v22, v7;
	v2 =	vmul.f32 v49, v7  }
0x1ad: {  	v34 =	vld.idx.msk [tilespmem:v63+s16+$0x0], $0xffff;
	v55 =	vor.u32 v18, v11;
	v44 =	vmul.f32 v28, v0;
	v12 =	vmul.f32 v12, v7  }
0x1ae: {  	[tilespmem:$0x1FEF0] =	vst v18;
	v18 =	vmov v50;
	v1 =	vld.idx.msk [tilespmem:v13+s16+$0x0], $0xffff;
	v37 =	vmul.f32 v58, v0;
	v50 =	vmul.f32 v29, v0  }
0x1af: {  	v40 =	vld.idx.msk [tilespmem:v15+s16+$0x0], $0xffff;
	v61 =	vmul.f32 v31, v7;
	v43 =	vmul.f32 v31, v0  }
0x1b0: {  	v16 =	vmovc v6;
	v20 =	vmovc v52;
	v39 =	vimm.f32 $0.0e+00;
	[tilespmem:$0x1FF00] =	vst v17;
	v5 =	vmul.f32 v5, v7;
	v47 =	vmul.f32 v29, v7  }
0x1b1: {  	v17 =	vmovc v56;
	v56 =	vmul.f32 v53, v7;
	v52 =	vmul.f32 v8, v7;
	v10 =	vadd.f32 v54, v39  }
0x1b2: {  	[tilespmem:$0x1FF10] =	vst v19;
	v19 =	vmov v41;
	v6 =	vld.idx.msk [tilespmem:v55+s9+$0x0], $0xffff;
	v41 =	vmul.f32 v34, v7;
	v3 =	vmul.f32 v7, v3  }
0x1b3: {  	v60 =	vadd.f32 v22, v39;
	v22 =	vld.idx.msk [tilespmem:v59+s19+$0x0], $0xffff;
	v36 =	vsub.f32 v10, v24;
	v24 =	vmul.f32 v58, v7  }
0x1b4: {  	v57 =	vmov v9;
	[tilespmem:$0x1FEE0] =	vst v14;
	v42 =	vmul.f32 v1, v0;
	v49 =	vmul.f32 v40, v7;
	v10 =	vld.idx.msk [tilespmem:v55+s18+$0x0], $0xffff  }
0x1b5: {  	v2 =	vadd.f32 v2, v39;
	v38 =	vadd.f32 v24, v39;
	v24 =	vmul.f32 v28, v7;
	v28 =	vld.idx.msk [tilespmem:v59+s20+$0x0], $0xffff  }
0x1b6: {  	v14 =	vmovc v32;
	v1 =	vmul.f32 v1, v7;
	v46 =	vadd.f32 v12, v39;
	v32 =	vadd.f32 v61, v39  }
0x1b7: {  	s25 =	sadd.s32 $0x400, s16;
	v54 =	vmul.f32 v51, v7;
	v51 =	vadd.f32 v47, v39;
	v61 =	vmul.f32 v34, v0  }
0x1b8: {  	v48 =	vld.idx.msk [tilespmem:v48+s25+$0x0], $0xffff;
	v47 =	vimm.f32 $0.0e+00;
	v29 =	vsub.f32 v60, v33;
	v33 =	vadd.f32 v2, v35  }
0x1b9: {  	v31 =	vadd.f32 v32, v44;
	v60 =	vadd.f32 v5, v39;
	v32 =	vld.idx.msk [tilespmem:v57+s25+$0x0], $0xffff;
	v57 =	vmul.f32 v40, v0  }
0x1ba: {  	v34 =	vld.idx.msk [tilespmem:v13+s25+$0x0], $0xffff;
	v58 =	vadd.f32 v1, v39;
	v8 =	vmul.f32 v22, v6;
	v35 =	vmul.f32 v28, v10  }
0x1bb: {  	v55 =	vld.idx.msk [tilespmem:v16+s25+$0x0], $0xffff;
	v44 =	vimm.f32 $0.0e+00;
	v10 =	vmul.f32 v22, v10;
	v45 =	vmul.f32 v28, v6  }
0x1bc: {  	v40 =	vimm.f32 $0.0e+00;
	v59 =	vadd.f32 v3, v39;
	v53 =	vadd.f32 v24, v39;
	v24 =	vld.idx.msk [tilespmem:v4+s25+$0x0], $0xffff  }
0x1bd: {  	s28 =	simm.s32 $0x400;
	s26 =	simm.s32 $0x2;
	v28 =	vsub.f32 v8, v35;
	v22 =	vadd.f32 v45, v10;
	v35 =	vld.idx.msk [tilespmem:v14+s25+$0x0], $0xffff;
	v45 =	vimm.f32 $0.0e+00  }
.LBB2_22:
0x1be: {  	v13 =	vld [tilespmem:$0x1FEE0]  }
0x1bf: {  	s21 =	smul.u32 $0xAB, s26;
	_ =	sdelay $0x1  }
0x1c0: {  	s21 =	sand.u32 $0xFC00, s21  }
0x1c1: {  	v10 =	vmov s21  }
0x1c2: {  	v10 =	vsub.s32 v13, v10;
	v13 =	vld [tilespmem:$0x1FEF0];
	_ =	sdelay $0x1  }
0x1c3: {  	s22 =	smov.u32 s26  }
0x1c4: {  	s22 =	smulhi.u32 $0xAAAAAAAB, s22  }
0x1c5: {  	v9 =	vld [tilespmem:$0x1FF70];
	v10 =	vand.u32 $0xFFFFFFF8, v10  }
0x1c6: {  	v1 =	vadd.f32 v56, v39;
	s22 =	sshrl.u32 s22, $0x2;
	v10 =	vor.u32 v13, v10;
	v13 =	vld [tilespmem:$0x1FF00]  }
0x1c7: {  	v12 =	vld.idx.msk [tilespmem:v62+s25+$0x0], $0xffff;
	v47 =	vadd.f32 v54, v47;
	v2 =	vsub.f32 v60, v50;
	s30 =	smul.u32 $0x1800, s22  }
0x1c8: {  	s28 =	sadd.s32 $0x400, s28;
	v6 =	vsub.f32 v59, v61;
	v60 =	vadd.f32 v52, v44;
	v61 =	vld.idx.msk [tilespmem:v17+s25+$0x0], $0xffff  }
0x1c9: {  	v58 =	vadd.f32 v58, v57;
	v45 =	vadd.f32 v49, v45;
	v3 =	vmov v48;
	v48 =	vld.idx.msk [tilespmem:v20+s25+$0x0], $0xffff;
	s21 =	ssub.s32 s28, s30  }
0x1ca: {  	v49 =	vld.idx.msk [tilespmem:v19+s25+$0x0], $0xffff;
	v39 =	vsub.f32 v1, v23;
	v8 =	vmul.f32 v3, v22;
	v57 =	vmov s21  }
0x1cb: {  	v44 =	vadd.f32 v60, v27;
	v45 =	vsub.f32 v45, v42;
	v27 =	vsub.s32 v13, v57;
	v13 =	vld [tilespmem:$0x1FF90]  }
0x1cc: {  	v59 =	vld [tilespmem:$0x1FF10];
	v42 =	vadd.f32 v51, v21;
	v0 =	vmul.f32 v55, v28;
	v5 =	vmul.f32 v24, v22  }
0x1cd: {  	v60 =	vadd.f32 v41, v40;
	v41 =	vld [tilespmem:$0x1FFA0];
	v54 =	vmul.f32 v61, v22;
	v61 =	vmul.f32 v61, v28  }
0x1ce: {  	v0 =	vadd.f32 v0, v36;
	v21 =	vmov v5;
	v5 =	vld.idx.msk [tilespmem:v63+s25+$0x0], $0xffff;
	v23 =	vmul.f32 v48, v28  }
0x1cf: {  	v53 =	vsub.f32 v53, v43;
	v9 =	vld.idx.msk [tilespmem:v9+s25+$0x0], $0xffff;
	v29 =	vadd.f32 v61, v29;
	v61 =	vmul.f32 v49, v28  }
0x1d0: {  	v38 =	vadd.f32 v38, v26;
	v4 =	vmul.f32 v32, v22;
	v36 =	vsub.f32 v0, v8;
	v0 =	vld.idx.msk [tilespmem:v18+s25+$0x0], $0xffff  }
0x1d1: {  	v53 =	vadd.f32 v61, v53;
	v61 =	vld [tilespmem:$0x1FFE0]  }
0x1d2: {  	v16 =	vmul.f32 v34, v22;
	v38 =	vadd.f32 v23, v38;
	v23 =	vmovc v4;
	v4 =	vmul.f32 v34, v28;
	v34 =	vld [tilespmem:$0x1FFD0]  }
0x1d3: {  	v11 =	vmul.f32 v55, v22;
	v43 =	vld.idx.msk [tilespmem:v13+s25+$0x0], $0xffff  }
0x1d4: {  	v26 =	vand.u32 $0xFFFFFFF8, v27;
	v13 =	vld [tilespmem:$0x1FF80]  }
0x1d5: {  	v47 =	vadd.f32 v47, v25;
	v25 =	vmov v11;
	v57 =	vld.idx.msk [tilespmem:v15+s25+$0x0], $0xffff;
	v11 =	vor.u32 v59, v26  }
0x1d6: {  	v51 =	vmul.f32 v9, v22;
	v9 =	vmul.f32 v9, v28;
	v1 =	vld.idx.msk [tilespmem:v10+s18+$0x0], $0xffff  }
0x1d7: {  	v10 =	vld.idx.msk [tilespmem:v10+s9+$0x0], $0xffff  }
0x1d8: {  	v52 =	vmul.f32 v32, v28;
	v9 =	vadd.f32 v9, v33;
	v33 =	vld [tilespmem:$0x1FFB0]  }
0x1d9: {  	v7 =	vmul.f32 v22, v35;
	v40 =	vadd.f32 v60, v30;
	v29 =	vsub.f32 v29, v51;
	v51 =	vld [tilespmem:$0x1FFC0]  }
0x1da: {  	v56 =	vmul.f32 v12, v28;
	v8 =	vsub.f32 v46, v37;
	v37 =	vmul.f32 v48, v22;
	v30 =	vld.idx.msk [tilespmem:v11+s19+$0x0], $0xffff  }
0x1db: {  	v14 =	vmovc v15;
	v15 =	vmov v63;
	v63 =	vmul.f32 v24, v28;
	v27 =	vmul.f32 v12, v22;
	v11 =	vld.idx.msk [tilespmem:v11+s20+$0x0], $0xffff  }
0x1dc: {  	v26 =	vmul.f32 v0, v22;
	v59 =	vmul.f32 v49, v22;
	v46 =	vld.idx.msk [tilespmem:v13+s25+$0x0], $0xffff  }
0x1dd: {  	v12 =	vld [tilespmem:$0x1FF60];
	v0 =	vmul.f32 v0, v28;
	v49 =	vmul.f32 v57, v28  }
0x1de: {  	v57 =	vmul.f32 v57, v22;
	v60 =	vmul.f32 v43, v28;
	s25 =	sadd.s32 $0x400, s25  }
0x1df: {  	v43 =	vmul.f32 v43, v22;
	v55 =	vld.idx.msk [tilespmem:v41+s25+$0x0], $0xffff;
	v41 =	vmul.f32 v5, v28  }
0x1e0: {  	v48 =	vld.idx.msk [tilespmem:v33+s25+$0x0], $0xffff;
	v33 =	vadd.f32 v9, v54;
	v54 =	vmul.f32 v3, v28;
	v3 =	vmul.f32 v30, v10  }
0x1e1: {  	p0 =	sne.s32 s26, $0x23;
	v32 =	vld.idx.msk [tilespmem:v51+s25+$0x0], $0xffff;
	v51 =	vmul.f32 v11, v1;
	v50 =	vmul.f32 v46, v22  }
.Ltmp9:
0x1e2: {  	v24 =	vld.idx.msk [tilespmem:v34+s25+$0x0], $0xffff;
	v13 =	vmul.f32 v46, v28;
	v46 =	vadd.f32 v0, v8;
	v0 =	vadd.f32 v60, v31;
	(pc) =	sbr.rel @p0 .LBB2_22-.Ltmp9, $4  }
0x1e3: {  	v58 =	vadd.f32 v4, v58;
	v1 =	vmul.f32 v30, v1;
	v34 =	vld.idx.msk [tilespmem:v61+s25+$0x0], $0xffff;
	v60 =	vmul.f32 v28, v35  }
0x1e4: {  	v30 =	vmovc v7;
	v28 =	vsub.f32 v3, v51;
	v31 =	vadd.f32 v0, v59;
	v0 =	vmul.f32 v11, v10  }
0x1e5: {  	v61 =	vmul.f32 v5, v22;
	v35 =	vld.idx.msk [tilespmem:v12+s25+$0x0], $0xffff;
	v59 =	vadd.f32 v60, v6;
	v60 =	vadd.f32 v63, v2  }
0x1e6: {  	s26 =	sadd.s32 $0x1, s26;
	v63 =	vmovc v15;
	v15 =	vmovc v14;
	v51 =	vadd.f32 v13, v42;
	v42 =	vmov v16;
	v22 =	vadd.f32 v0, v1  }
0x1e7: {  	_ =	sdelay $0x2  }
0x1e8: {  	v3 =	vadd.f32 v56, v39;
	v4 =	vsub.f32 v60, v50  }
0x1e9: {  	v5 =	vld.idx.msk [tilespmem:v62+s25+$0x0], $0xffff;
	v6 =	vsub.f32 v59, v61;
	v7 =	vadd.f32 v52, v44  }
0x1ea: {  	v8 =	vld.idx.msk [tilespmem:v17+s25+$0x0], $0xffff;
	v9 =	vadd.f32 v54, v47;
	v11 =	vadd.f32 v58, v57  }
0x1eb: {  	v0 =	vmul.f32 v55, v28;
	v12 =	vld.idx.msk [tilespmem:v20+s25+$0x0], $0xffff;
	v13 =	vadd.f32 v49, v45;
	v58 =	vadd.f32 v38, v26  }
0x1ec: {  	v14 =	vld [tilespmem:$0x1FF70];
	v47 =	vmovc v19;
	v60 =	vadd.f32 v41, v40;
	v39 =	vmul.f32 v32, v28;
	v21 =	vadd.f32 v51, v21  }
0x1ed: {  	v19 =	vld.idx.msk [tilespmem:v19+s25+$0x0], $0xffff;
	v1 =	vmul.f32 v48, v22;
	v0 =	vadd.f32 v0, v36;
	v7 =	vadd.f32 v7, v27  }
0x1ee: {  	v56 =	vmovc v17;
	v45 =	vld [tilespmem:$0x1FF80];
	v10 =	vmul.f32 v32, v22;
	v27 =	vsub.f32 v46, v37;
	v9 =	vadd.f32 v9, v25  }
0x1ef: {  	v57 =	vld.idx.msk [tilespmem:v63+s25+$0x0], $0xffff;
	v16 =	vmul.f32 v55, v22;
	v13 =	vsub.f32 v13, v42;
	v3 =	vsub.f32 v3, v23  }
0x1f0: {  	v40 =	vld.idx.msk [tilespmem:v15+s25+$0x0], $0xffff;
	v30 =	vadd.f32 v60, v30;
	v60 =	vmul.f32 v34, v28;
	v17 =	vmul.f32 v22, v35  }
0x1f1: {  	v50 =	vmovc v18;
	v46 =	vld [tilespmem:$0x1FF90];
	v0 =	vsub.f32 v0, v1;
	v26 =	vmul.f32 v5, v22;
	v61 =	vmul.f32 v8, v28  }
0x1f2: {  	v1 =	vld.idx.msk [tilespmem:v18+s25+$0x0], $0xffff;
	v18 =	vsub.f32 v53, v43;
	v49 =	vmul.f32 v19, v22;
	v51 =	vmul.f32 v12, v28  }
0x1f3: {  	v11 =	vadd.f32 v60, v11;
	v12 =	vmul.f32 v12, v22;
	v19 =	vmul.f32 v19, v28  }
0x1f4: {  	v7 =	vadd.f32 v39, v7;
	v5 =	vmul.f32 v5, v28;
	v43 =	vmul.f32 v57, v22  }
0x1f5: {  	v8 =	vmul.f32 v8, v22;
	v29 =	vadd.f32 v61, v29;
	v25 =	vadd.f32 v51, v58  }
0x1f6: {  	v32 =	vld [tilespmem:$0x1FF60];
	v58 =	vmul.f32 v24, v28;
	v61 =	vmul.f32 v28, v35;
	v18 =	vadd.f32 v19, v18  }
0x1f7: {  	v3 =	vadd.f32 v5, v3;
	v5 =	vmul.f32 v40, v22;
	v7 =	vadd.f32 v7, v26;
	v26 =	vld [tilespmem:s15+$0x6180]  }
0x1f8: {  	v2 =	vld.idx.msk [tilespmem:v14+s25+$0x0], $0xffff;
	v53 =	vmul.f32 v1, v28;
	v6 =	vadd.f32 v61, v6;
	v4 =	vadd.f32 v58, v4  }
0x1f9: {  	v37 =	vld.idx.msk [tilespmem:v45+s25+$0x0], $0xffff;
	v1 =	vmul.f32 v1, v22;
	v3 =	vsub.f32 v3, v10;
	v10 =	vmov s15  }
0x1fa: {  	v5 =	vadd.f32 v11, v5;
	v36 =	vld.idx.msk [tilespmem:v46+s25+$0x0], $0xffff;
	v10 =	vshll.u32 v10, $0x4;
	v27 =	vadd.f32 v53, v27  }
0x1fb: {  	v6 =	vsub.f32 v6, v43;
	v53 =	vmul.f32 v57, v28;
	v1 =	vadd.f32 v25, v1  }
0x1fc: {  	v10 =	vor.u32 v32, v10;
	v35 =	vmul.f32 v26, v7;
	v41 =	vmul.f32 v26, v5  }
0x1fd: {  	v38 =	vor.u32 $0x4, v10;
	v59 =	vmul.f32 v2, v22;
	v2 =	vmul.f32 v2, v28  }
0x1fe: {  	v54 =	vmul.f32 v37, v22;
	v37 =	vmul.f32 v37, v28;
	v12 =	vsub.f32 v27, v12  }
0x1ff: {  	v19 =	vadd.f32 v53, v30;
	v55 =	vmul.f32 v36, v28;
	v2 =	vadd.f32 v2, v33  }
0x200: {  	v29 =	vsub.f32 v29, v59;
	v59 =	vmul.f32 v40, v28;
	v21 =	vadd.f32 v37, v21  }
0x201: {  	v4 =	vsub.f32 v4, v54;
	v51 =	vmul.f32 v36, v22;
	v31 =	vadd.f32 v55, v31  }
0x202: {  	v17 =	vadd.f32 v19, v17;
	v11 =	vadd.f32 v59, v13;
	v13 =	vld [tilespmem:s15+$0x6140];
	v55 =	vmul.f32 v24, v22  }
0x203: {  	v2 =	vadd.f32 v2, v8;
	v23 =	vadd.f32 v31, v49;
	v49 =	vmul.f32 v48, v28  }
0x204: {  	v54 =	vmul.f32 v34, v22;
	v59 =	vmul.f32 v26, v17;
	v57 =	vadd.f32 v21, v55  }
0x205: {  	v55 =	vmul.f32 v26, v1;
	v8 =	vmul.f32 v26, v2;
	v9 =	vadd.f32 v49, v9  }
0x206: {  	v33 =	vor.u32 $0x1, v10;
	v43 =	vmul.f32 v26, v57;
	v49 =	vmul.f32 v26, v4  }
0x207: {  	v58 =	vmul.f32 v13, v6;
	v6 =	vmul.f32 v26, v6;
	v9 =	vadd.f32 v9, v16  }
0x208: {  	v36 =	vor.u32 $0x2, v10;
	v60 =	vmul.f32 v13, v0;
	v0 =	vmul.f32 v26, v0  }
0x209: {  	v18 =	vsub.f32 v18, v51;
	v61 =	vmul.f32 v26, v9;
	v9 =	vmul.f32 v13, v9  }
0x20a: {  	v11 =	vsub.f32 v11, v54;
	v17 =	vmul.f32 v13, v17;
	v34 =	vmul.f32 v13, v3  }
0x20b: {  	v52 =	vmovc v20;
	v20 =	vsub.f32 v58, v59;
	v0 =	vadd.f32 v0, v9;
	v9 =	vor.u32 $0x3, v10  }
0x20c: {  	v3 =	vmul.f32 v26, v3;
	v7 =	vmul.f32 v13, v7;
	v6 =	vadd.f32 v6, v17  }
0x20d: {  	v39 =	vor.u32 $0x5, v10;
	v40 =	vmul.f32 v13, v11;
	[tilespmem:v10+s3+$0x0] =	vst.idx.msk $0xffff, v20;
	v17 =	vsub.f32 v60, v61  }
0x20e: {  	v11 =	vmul.f32 v26, v11;
	v5 =	vmul.f32 v13, v5;
	[tilespmem:v33+s3+$0x0] =	vst.idx.msk $0xffff, v6;
	v6 =	vor.u32 $0x6, v10  }
0x20f: {  	v42 =	vmul.f32 v13, v4;
	v37 =	vsub.f32 v34, v35;
	[tilespmem:v36+s3+$0x0] =	vst.idx.msk $0xffff, v17;
	v17 =	vor.u32 $0x7, v10  }
0x210: {  	v4 =	vmul.f32 v13, v57;
	v44 =	vadd.f32 v3, v7;
	[tilespmem:v9+s3+$0x0] =	vst.idx.msk $0xffff, v0  }
0x211: {  	v51 =	vmul.f32 v13, v18;
	v48 =	vsub.f32 v40, v41;
	v9 =	vor.u32 $0x8, v10;
	[tilespmem:v38+s3+$0x0] =	vst.idx.msk $0xffff, v37  }
0x212: {  	v1 =	vmul.f32 v13, v1;
	v5 =	vadd.f32 v11, v5;
	v11 =	vor.u32 $0x9, v10;
	[tilespmem:v39+s3+$0x0] =	vst.idx.msk $0xffff, v44  }
0x213: {  	v53 =	vor.u32 $0xA, v10;
	v7 =	vsub.f32 v42, v43;
	[tilespmem:v6+s3+$0x0] =	vst.idx.msk $0xffff, v48;
	v6 =	vmul.f32 v26, v23  }
0x214: {  	v54 =	vor.u32 $0xB, v10;
	[tilespmem:v17+s3+$0x0] =	vst.idx.msk $0xffff, v5;
	v5 =	vmul.f32 v26, v18;
	v17 =	vmul.f32 v13, v23  }
0x215: {  	v0 =	vadd.f32 v49, v4;
	v3 =	vsub.f32 v51, v6;
	v6 =	vor.u32 $0xC, v10  }
0x216: {  	v4 =	vmul.f32 v13, v12;
	[tilespmem:v9+s3+$0x0] =	vst.idx.msk $0xffff, v7;
	v57 =	vadd.f32 v5, v17;
	v5 =	vor.u32 $0xD, v10  }
0x217: {  	s23 =	sadd.s32 $0x1, s23;
	v2 =	vmul.f32 v13, v2;
	v58 =	vmul.f32 v26, v12;
	v7 =	vor.u32 $0xE, v10;
	[tilespmem:v11+s3+$0x0] =	vst.idx.msk $0xffff, v0  }
0x218: {  	p0 =	sne.s32 s23, $0x4;
	v59 =	vmul.f32 v13, v29;
	v4 =	vsub.f32 v4, v55;
	v9 =	vor.u32 $0xF, v10;
	[tilespmem:v53+s3+$0x0] =	vst.idx.msk $0xffff, v3  }
.Ltmp10:
0x219: {  	v1 =	vadd.f32 v58, v1;
	v60 =	vmul.f32 v26, v29;
	v12 =	vld [tilespmem:$0x1FFD0];
	[tilespmem:v54+s3+$0x0] =	vst.idx.msk $0xffff, v57;
	(pc) =	sbr.rel @p0 .LBB2_21-.Ltmp10, $4  }
0x21a: {  	v13 =	vld [tilespmem:$0x1FFE0];
	v0 =	vsub.f32 v59, v8;
	[tilespmem:v6+s3+$0x0] =	vst.idx.msk $0xffff, v4  }
0x21b: {  	v61 =	vadd.f32 v60, v2;
	v6 =	vld [tilespmem:$0x1FFA0];
	[tilespmem:v5+s3+$0x0] =	vst.idx.msk $0xffff, v1  }
0x21c: {  	[tilespmem:v7+s3+$0x0] =	vst.idx.msk $0xffff, v0;
	v7 =	vld [tilespmem:$0x1FFB0]  }
0x21d: {  	s16 =	sadd.s32 $0x100, s16;
	v41 =	vmov v47;
	v10 =	vmov v14;
	[tilespmem:v9+s3+$0x0] =	vst.idx.msk $0xffff, v61;
	v9 =	vld [tilespmem:$0x1FFC0]  }
0x21e: {  	s5 =	sshll.u32 s14, $0x1;
	p0 =	sne.s32 s7, $0x40  }
.Ltmp11:
0x21f: {  	s5 =	sadd.s32 s8, s5;
	(pc) =	sbr.rel @p0 .LBB2_6-.Ltmp11, $4  }
0x220: {  	[hbm4b:s5+s9] =	stream.linear.scatter [tilespmem:s3], [sflag:$0x3], $0x400, $0x38;
	[tilespmem:$0x197C0] =	vst v63  }
0x221: {  	_ =	swait.ge [sflag:s17], $0x400  }
0x222: {  	[sflag:s17] =	ssyncset.done $0x0  }
0x223: {  	v0 =	vld [tilespmem:$0x1FF50];
	[sflag:s17] =	ssyncadd.s32 $0xFFFFFC00  }
0x224: {  	s7 =	rddreg [dreg:$0xc]  }
0x225: {  	s5 =	rddreg [dreg:$0xb];
	s7 =	sadd.s32 $0x1, s7  }
0x226: {  	p0 =	sne.s32 s7, s5  }
.Ltmp12:
0x227: {  	_ = 	snop;
	(pc) =	sbr.rel @p0 .LBB2_1-.Ltmp12, $1  }
0x228: {  	_ =	sdelay $0x3  }
0x229: {  	_ =	sfence.sel $0x180000  }
0x22a: {  	[bflag:$0x0] =	sbarrier.arrive $0xFFFF  }
0x22b: {  	_ =	strace $0x90000047  }
0x22c: {  	s0 =	stileid.u32;
	[bflag:$0x2] =	sbarrier.arrive $0xFFFF  }
0x22d: {  	p0 =	sne.s32 s0, $0x0;
	s0 =	rddreg [dreg:$0x8]  }
0x22e: {  	s0 =	sadd.s32 @!p0 $0x100000, s0  }
0x22f: {  	[sflag:s0] =	ssyncadd.tile.s32 @!p0 $0x1;
	_ =	shalt  }
.Lfunc_end2:
_tile_overlayer_lowered:
.L_overlay_start_2:
0x230: {  	(tag) =	ssettag $0x2  }
0x231: {  	s0 =	rddreg [dreg:$0x0];
	s2 =	stileid.u32  }
0x232: {  	s1 =	rddreg [dreg:$0x1];
	p0 =	sne.s32 s2, $0x0  }
0x233: {  	s3 =	rddreg [dreg:$0x2];
	[bflag:$0x3] =	sbarrier.arrive $0xFFFF;
	s2 =	simm.s32 @!p0 $0x1C03  }
0x234: {  	[timem:s3], [sflag:s2] =	dma.local @!p0 [hbm:s0], s1  }
0x235: {  	s0 =	simm.s32 @!p0 $0x3  }
0x236: {  	_ =	swait.ge @!p0 [sflag:s0], s1  }
0x237: {  	s1 =	ssub.s32 @!p0 $0x0, s1;
	[sflag:s0] =	ssyncset.done @!p0 $0x0  }
0x238: {  	[sflag:s0] =	ssyncadd.s32 @!p0 s1  }
0x239: {  	[bflag:$0x3] =	sbarrier.arrive $0xFFFF  }
0x23a: {  	_ =	shalt  }

</sc_bundles>
